<compile_context>
chip_gen: v7x
topology: tpu7x:2x2x1
jax: 0.10.2.dev20260603
libtpu: 0.0.44.dev20260713+nightly
codegen_flags: <defaults>
</compile_context>

<pallas_src>
import jax
import jax.numpy as jnp
from jax import lax
from jax.experimental import pallas as pl
from jax.experimental.pallas import tpu as pltpu
from jax.experimental.pallas import tpu_sc as plsc

NC = 2
NS = 16
NW = NC * NS
V = 20
D = 80
B = 64 * 4096
BPW = B // NW
C = 256
NCHUNK = BPW // C


def _emb_kernel(idx_hbm, table_hbm, out_hbm, table_v, idx_v, rows_v, osems):
    wid = lax.axis_index("s") * NC + lax.axis_index("c")
    pltpu.sync_copy(table_hbm, table_v)
    pltpu.sync_copy(idx_hbm.at[pl.ds(2 * wid, 2), :], idx_v)

    def chunk_pos(cid):
        return cid // (4096 // C), (cid % (4096 // C)) * C

    def compute_chunk(cid, b):
        r, col = chunk_pos(cid)

        @plsc.parallel_loop(0, C // 16, step=1, unroll=1)
        def group_body(g):
            idxv = idx_v[r, pl.ds(col + g * 16, 16)]
            for l in range(16):
                src = idxv[l]
                dst = g * 16 + l
                for j in range(D // 16):
                    rows_v[b, dst, pl.ds(16 * j, 16)] = (
                        table_v[src, pl.ds(16 * j, 16)])

    def outer(cid, carry):
        b = lax.rem(cid, 2)

        @pl.when(cid > 1)
        def _wait():
            pltpu.make_async_copy(rows_v.at[b],
                                  out_hbm.at[2 * wid, pl.ds(0, C)],
                                  osems.at[b]).wait()

        compute_chunk(cid, b)
        r, col = chunk_pos(cid)
        pltpu.make_async_copy(rows_v.at[b],
                              out_hbm.at[2 * wid + r, pl.ds(col, C)],
                              osems.at[b]).start()
        return carry

    lax.fori_loop(0, NCHUNK, outer, 0)

    for b in range(2):
        pltpu.make_async_copy(rows_v.at[b], out_hbm.at[2 * wid, pl.ds(0, C)],
                              osems.at[b]).wait()


@jax.jit
def _emb(atom_types, table):
    mesh = plsc.VectorSubcoreMesh(core_axis_name="c", subcore_axis_name="s")
    run = pl.kernel(
        _emb_kernel,
        out_type=jax.ShapeDtypeStruct((64, 4096, D), jnp.float32),
        mesh=mesh,
        scratch_types=[
            pltpu.VMEM((V, D), jnp.float32),
            pltpu.VMEM((2, 4096), jnp.int32),
            pltpu.VMEM((2, C, D), jnp.float32),
            pltpu.SemaphoreType.DMA((2,)),
        ],
    )
    return run(atom_types, table)


def kernel(atom_types, table):
    return _emb(atom_types.astype(jnp.int32), table)

# --- scband reference (transcript-rebuilt; emitter-appended) ---
"""Pipeline reference for scband-atom-type-embedder-10814727651346 (READ-ONLY COPY).

The authoritative reference and input builder live on the scoring server;
editing this copy changes nothing except your own understanding.
"""

import jax, jax.numpy as jnp
import numpy as np

VOCAB = 20
EMB_DIM = 80  # 32x0e + 16x1e -> 32*1 + 16*3

def setup_inputs(seed: int = 0) -> dict:
    key = jax.random.key(seed)
    k1, k2 = jax.random.split(key)
    # int64 per spec; without jax x64 this is int32, which is equivalent here
    atom_types = jax.random.randint(k1, (64, 4096), 0, VOCAB)
    table = jax.random.normal(k2, (VOCAB, EMB_DIM), dtype=jnp.float32)
    # nn.Embedding(padding_idx=0): row 0 is zeros
    table = table.at[0].set(0.0)
    return {"atom_types": atom_types, "table": table}

def reference(atom_types, table):
    # embedding lookup: [..., ] -> [..., EMB_DIM]
    return jnp.take(table, atom_types, axis=0)

if __name__ == "__main__":
    import jax
    _d = setup_inputs()
    print(jax.jit(kernel)(*tuple(_d.values())))

</pallas_src>

<mosaic_0001>
#map = affine_map<(d0, d1) -> (0, 0)>
#map1 = affine_map<(d0, d1) -> (0, 0, 0)>
module attributes {stable_mosaic.version = 14 : i64} {
  func.func @_emb_kernel(%arg0: i32, %arg1: i32, %arg2: memref<64x4096xi32, #tpu.memory_space<hbm>>, %arg3: memref<20x80xf32, #tpu.memory_space<hbm>>, %arg4: memref<64x4096x80xf32, #tpu.memory_space<hbm>>, %arg5: memref<20x80xf32, #tpu.memory_space<vmem>>, %arg6: memref<2x4096xi32, #tpu.memory_space<vmem>>, %arg7: memref<2x256x80xf32, #tpu.memory_space<vmem>>, %arg8: memref<2x!tpu.dma_semaphore, #tpu.memory_space<semaphore_mem>>) attributes {dimension_semantics = [#tpu.dimension_semantics<core_parallel>, #tpu.dimension_semantics<subcore_parallel>], iteration_bounds = array<i64: 2, 16>, scalar_prefetch = 0 : i64, scratch_operands = 4 : i64, tpu.core_type = #tpu.core_type<sc_vector_subcore>, window_params = [{transform_indices = #map}, {transform_indices = #map}, {transform_indices = #map1}]} {
    %mul3A = arith.constant 2 : i32
    %mul3A_0 = arith.muli %arg1, %mul3A : i32
    %add3A = arith.addi %mul3A_0, %arg0 : i32
    "tpu.region"() ({
      %run_scoped3A = tpu.sem_alloc : memref<!tpu.dma_semaphore, #tpu.memory_space<semaphore_mem>>
      tpu.enqueue_dma source(%arg3 : memref<20x80xf32, #tpu.memory_space<hbm>>) target(%arg5 : memref<20x80xf32, #tpu.memory_space<vmem>>) target_semaphore(%run_scoped3A : memref<!tpu.dma_semaphore, #tpu.memory_space<semaphore_mem>>)
      tpu.wait_dma2 semaphore(%run_scoped3A : memref<!tpu.dma_semaphore, #tpu.memory_space<semaphore_mem>>) src(%arg3 : memref<20x80xf32, #tpu.memory_space<hbm>>) dst(%arg5 : memref<20x80xf32, #tpu.memory_space<vmem>>)
      tpu.yield
    }) : () -> ()
    %mul3A_1 = arith.constant 2 : i32
    %mul3A_2 = arith.muli %mul3A_1, %add3A : i32
    "tpu.region"() ({
      %run_scoped3A = tpu.sem_alloc : memref<!tpu.dma_semaphore, #tpu.memory_space<semaphore_mem>>
      %dma_start3A = arith.constant 0 : i32
      %dma_start3A_51 = tpu.memref_slice %arg2[%mul3A_2, %dma_start3A] : memref<64x4096xi32, #tpu.memory_space<hbm>> -> memref<2x4096xi32, #tpu.memory_space<hbm>>
      %dma_start3A_52 = arith.constant 0 : i32
      %dma_start3A_53 = tpu.memref_slice %arg2[%mul3A_2, %dma_start3A_52] : memref<64x4096xi32, #tpu.memory_space<hbm>> -> memref<2x4096xi32, #tpu.memory_space<hbm>>
      tpu.enqueue_dma source(%dma_start3A_53 : memref<2x4096xi32, #tpu.memory_space<hbm>>) target(%arg6 : memref<2x4096xi32, #tpu.memory_space<vmem>>) target_semaphore(%run_scoped3A : memref<!tpu.dma_semaphore, #tpu.memory_space<semaphore_mem>>)
      %dma_wait3A_54 = arith.constant 0 : i32
      %dma_wait3A_55 = tpu.memref_slice %arg2[%mul3A_2, %dma_wait3A_54] : memref<64x4096xi32, #tpu.memory_space<hbm>> -> memref<2x4096xi32, #tpu.memory_space<hbm>>
      %dma_wait3A_56 = arith.constant 0 : i32
      %dma_wait3A_57 = tpu.memref_slice %arg2[%mul3A_2, %dma_wait3A_56] : memref<64x4096xi32, #tpu.memory_space<hbm>> -> memref<2x4096xi32, #tpu.memory_space<hbm>>
      tpu.wait_dma2 semaphore(%run_scoped3A : memref<!tpu.dma_semaphore, #tpu.memory_space<semaphore_mem>>) src(%dma_wait3A_57 : memref<2x4096xi32, #tpu.memory_space<hbm>>) dst(%arg6 : memref<2x4096xi32, #tpu.memory_space<vmem>>)
      tpu.yield
    }) : () -> ()
    %scan3A = arith.constant 0 : i32
    %scan3A_3 = arith.constant 0 : i32
    %scan3A_4 = arith.constant 32 : i32
    %scan3A_5 = arith.addi %scan3A_3, %scan3A_4 : i32
    %scan3A_6 = arith.constant 1 : i32
    scf.for %scan3A_51 = %scan3A_3 to %scan3A_5 step %scan3A_6  : i32 {
      %rem3A = arith.constant 2 : i32
      %rem3A_52 = arith.remsi %scan3A_51, %rem3A : i32
      %gt3A = arith.constant 1 : i32
      %gt3A_53 = arith.cmpi sgt, %scan3A_51, %gt3A : i32
      %convert_element_type3A = arith.extui %gt3A_53 : i1 to i32
      %cond3A = arith.constant 0 : i32
      %cond3A_54 = arith.cmpi ne, %convert_element_type3A, %cond3A : i32
      scf.if %cond3A_54 {
        %mul3A_150 = arith.constant 2 : i32
        %mul3A_151 = arith.muli %mul3A_150, %add3A : i32
        %dma_wait3A_152 = arith.constant 0 : i32
        %dma_wait3A_153 = arith.constant 0 : i32
        %dma_wait3A_154 = tpu.memref_slice %arg7[%rem3A_52, %dma_wait3A_152, %dma_wait3A_153] : memref<2x256x80xf32, #tpu.memory_space<vmem>> -> memref<1x256x80xf32, #tpu.memory_space<vmem>>
        %dma_wait3A_155 = tpu.memref_squeeze %dma_wait3A_154 : memref<1x256x80xf32, #tpu.memory_space<vmem>> -> memref<256x80xf32, #tpu.memory_space<vmem>>
        %dma_wait3A_156 = arith.constant 0 : i32
        %dma_wait3A_157 = arith.constant 0 : i32
        %dma_wait3A_158 = tpu.memref_slice %arg4[%mul3A_151, %dma_wait3A_156, %dma_wait3A_157] : memref<64x4096x80xf32, #tpu.memory_space<hbm>> -> memref<1x256x80xf32, #tpu.memory_space<hbm>>
        %dma_wait3A_159 = tpu.memref_squeeze %dma_wait3A_158 : memref<1x256x80xf32, #tpu.memory_space<hbm>> -> memref<256x80xf32, #tpu.memory_space<hbm>>
        %dma_wait3A_160 = tpu.memref_slice %arg8[%rem3A_52] : memref<2x!tpu.dma_semaphore, #tpu.memory_space<semaphore_mem>> -> memref<1x!tpu.dma_semaphore, #tpu.memory_space<semaphore_mem>>
        %dma_wait3A_161 = tpu.memref_squeeze %dma_wait3A_160 : memref<1x!tpu.dma_semaphore, #tpu.memory_space<semaphore_mem>> -> memref<!tpu.dma_semaphore, #tpu.memory_space<semaphore_mem>>
        %dma_wait3A_162 = arith.constant 0 : i32
        %dma_wait3A_163 = arith.constant 0 : i32
        %dma_wait3A_164 = tpu.memref_slice %arg4[%mul3A_151, %dma_wait3A_162, %dma_wait3A_163] : memref<64x4096x80xf32, #tpu.memory_space<hbm>> -> memref<1x256x80xf32, #tpu.memory_space<hbm>>
        %dma_wait3A_165 = tpu.memref_squeeze %dma_wait3A_164 : memref<1x256x80xf32, #tpu.memory_space<hbm>> -> memref<256x80xf32, #tpu.memory_space<hbm>>
        %dma_wait3A_166 = arith.constant 0 : i32
        %dma_wait3A_167 = arith.constant 0 : i32
        %dma_wait3A_168 = tpu.memref_slice %arg7[%rem3A_52, %dma_wait3A_166, %dma_wait3A_167] : memref<2x256x80xf32, #tpu.memory_space<vmem>> -> memref<1x256x80xf32, #tpu.memory_space<vmem>>
        %dma_wait3A_169 = tpu.memref_squeeze %dma_wait3A_168 : memref<1x256x80xf32, #tpu.memory_space<vmem>> -> memref<256x80xf32, #tpu.memory_space<vmem>>
        tpu.wait_dma2 semaphore(%dma_wait3A_161 : memref<!tpu.dma_semaphore, #tpu.memory_space<semaphore_mem>>) src(%dma_wait3A_169 : memref<256x80xf32, #tpu.memory_space<vmem>>) dst(%dma_wait3A_165 : memref<256x80xf32, #tpu.memory_space<hbm>>)
      } else {
      }
      %jit3A = arith.constant 16 : i32
      %div3A = arith.divsi %scan3A_51, %jit3A : i32
      %sign3A = arith.constant 0 : i32
      %sign3A_55 = arith.cmpi sgt, %scan3A_51, %sign3A : i32
      %sign3A_56 = arith.extui %sign3A_55 : i1 to i32
      %sign3A_57 = arith.constant 0 : i32
      %sign3A_58 = arith.cmpi slt, %scan3A_51, %sign3A_57 : i32
      %sign3A_59 = arith.extui %sign3A_58 : i1 to i32
      %sign3A_60 = arith.subi %sign3A_56, %sign3A_59 : i32
      %sign3A_61 = arith.constant 0 : i32
      %sign3A_62 = arith.cmpi sgt, %jit3A, %sign3A_61 : i32
      %sign3A_63 = arith.extui %sign3A_62 : i1 to i32
      %sign3A_64 = arith.constant 0 : i32
      %sign3A_65 = arith.cmpi slt, %jit3A, %sign3A_64 : i32
      %sign3A_66 = arith.extui %sign3A_65 : i1 to i32
      %sign3A_67 = arith.subi %sign3A_63, %sign3A_66 : i32
      %ne3A = arith.cmpi ne, %sign3A_60, %sign3A_67 : i32
      %rem3A_68 = arith.remsi %scan3A_51, %jit3A : i32
      %ne3A_69 = arith.constant 0 : i32
      %ne3A_70 = arith.cmpi ne, %rem3A_68, %ne3A_69 : i32
      %and3A = arith.andi %ne3A, %ne3A_70 : i1
      %sub3A = arith.constant 1 : i32
      %sub3A_71 = arith.subi %div3A, %sub3A : i32
      %select_n3A = arith.select %and3A, %sub3A_71, %div3A : i32
      %jit3A_72 = arith.constant 16 : i32
      %eq3A = arith.constant 0 : i32
      %eq3A_73 = arith.cmpi eq, %jit3A_72, %eq3A : i32
      %jit3A_74 = arith.constant 1 : i32
      %select_n3A_75 = arith.select %eq3A_73, %jit3A_74, %jit3A_72 : i32
      %rem3A_76 = arith.remsi %scan3A_51, %select_n3A_75 : i32
      %ne3A_77 = arith.constant 0 : i32
      %ne3A_78 = arith.cmpi ne, %rem3A_76, %ne3A_77 : i32
      %lt3A = arith.constant 0 : i32
      %lt3A_79 = arith.cmpi slt, %rem3A_76, %lt3A : i32
      %lt3A_80 = arith.constant 0 : i32
      %lt3A_81 = arith.cmpi slt, %select_n3A_75, %lt3A_80 : i32
      %ne3A_82 = arith.xori %lt3A_79, %lt3A_81 : i1
      %and3A_83 = arith.andi %ne3A_82, %ne3A_78 : i1
      %add3A_84 = arith.addi %rem3A_76, %select_n3A_75 : i32
      %select_n3A_85 = arith.select %and3A_83, %add3A_84, %rem3A_76 : i32
      %mul3A_86 = arith.constant 256 : i32
      %mul3A_87 = arith.muli %select_n3A_85, %mul3A_86 : i32
      %parallel_loop3A = arith.constant 0 : i32
      %parallel_loop3A_88 = arith.constant 16 : i32
      %parallel_loop3A_89 = arith.constant 1 : i32
      scf.for %parallel_loop3A_150 = %parallel_loop3A to %parallel_loop3A_88 step %parallel_loop3A_89  : i32 {
        %parallel_loop3A_151 = arith.constant 16 : i32
        %parallel_loop3A_152 = arith.muli %parallel_loop3A_150, %parallel_loop3A_151 : i32
        %parallel_loop3A_153 = arith.addi %mul3A_87, %parallel_loop3A_152 : i32
        %parallel_loop3A_154 = arith.index_cast %select_n3A : i32 to index
        %parallel_loop3A_155 = arith.index_cast %parallel_loop3A_153 : i32 to index
        %parallel_loop3A_156 = tpu.vector_load %arg6[%parallel_loop3A_154, %parallel_loop3A_155] {strides = array<i32>} : memref<2x4096xi32, #tpu.memory_space<vmem>>, vector<1x16xi32>,
        %parallel_loop3A_157 = vector.shape_cast %parallel_loop3A_156 : vector<1x16xi32> to vector<16xi32>
        %parallel_loop3A_158 = vector.extract_strided_slice %parallel_loop3A_157 {offsets = [0], sizes = [1], strides = [1]} : vector<16xi32> to vector<1xi32>
        %parallel_loop3A_159 = vector.extract %parallel_loop3A_158[0] : i32 from vector<1xi32>
        %parallel_loop3A_160 = arith.constant 16 : i32
        %parallel_loop3A_161 = arith.muli %parallel_loop3A_150, %parallel_loop3A_160 : i32
        %parallel_loop3A_162 = arith.constant 0 : i32
        %parallel_loop3A_163 = arith.addi %parallel_loop3A_161, %parallel_loop3A_162 : i32
        %parallel_loop3A_164 = arith.index_cast %parallel_loop3A_159 : i32 to index
        %parallel_loop3A_165 = arith.constant 0 : index
        %parallel_loop3A_166 = tpu.vector_load %arg5[%parallel_loop3A_164, %parallel_loop3A_165] {strides = array<i32>} : memref<20x80xf32, #tpu.memory_space<vmem>>, vector<1x16xf32>,
        %parallel_loop3A_167 = vector.shape_cast %parallel_loop3A_166 : vector<1x16xf32> to vector<16xf32>
        %parallel_loop3A_168 = arith.index_cast %rem3A_52 : i32 to index
        %parallel_loop3A_169 = arith.index_cast %parallel_loop3A_163 : i32 to index
        %parallel_loop3A_170 = arith.constant 0 : index
        %parallel_loop3A_171 = tpu.vector_load %arg7[%parallel_loop3A_168, %parallel_loop3A_169, %parallel_loop3A_170] {strides = array<i32>} : memref<2x256x80xf32, #tpu.memory_space<vmem>>, vector<1x1x16xf32>,
        %parallel_loop3A_172 = vector.shape_cast %parallel_loop3A_171 : vector<1x1x16xf32> to vector<16xf32>
        %parallel_loop3A_173 = vector.shape_cast %parallel_loop3A_167 : vector<16xf32> to vector<1x1x16xf32>
        tpu.vector_store %arg7[%parallel_loop3A_168, %parallel_loop3A_169, %parallel_loop3A_170], %parallel_loop3A_173 {strides = array<i32>} : memref<2x256x80xf32, #tpu.memory_space<vmem>>, vector<1x1x16xf32>,
        %parallel_loop3A_174 = arith.index_cast %parallel_loop3A_159 : i32 to index
        %parallel_loop3A_175 = arith.constant 16 : index
        %parallel_loop3A_176 = tpu.vector_load %arg5[%parallel_loop3A_174, %parallel_loop3A_175] {strides = array<i32>} : memref<20x80xf32, #tpu.memory_space<vmem>>, vector<1x16xf32>,
        %parallel_loop3A_177 = vector.shape_cast %parallel_loop3A_176 : vector<1x16xf32> to vector<16xf32>
        %parallel_loop3A_178 = arith.index_cast %rem3A_52 : i32 to index
        %parallel_loop3A_179 = arith.index_cast %parallel_loop3A_163 : i32 to index
        %parallel_loop3A_180 = arith.constant 16 : index
        %parallel_loop3A_181 = tpu.vector_load %arg7[%parallel_loop3A_178, %parallel_loop3A_179, %parallel_loop3A_180] {strides = array<i32>} : memref<2x256x80xf32, #tpu.memory_space<vmem>>, vector<1x1x16xf32>,
        %parallel_loop3A_182 = vector.shape_cast %parallel_loop3A_181 : vector<1x1x16xf32> to vector<16xf32>
        %parallel_loop3A_183 = vector.shape_cast %parallel_loop3A_177 : vector<16xf32> to vector<1x1x16xf32>
        tpu.vector_store %arg7[%parallel_loop3A_178, %parallel_loop3A_179, %parallel_loop3A_180], %parallel_loop3A_183 {strides = array<i32>} : memref<2x256x80xf32, #tpu.memory_space<vmem>>, vector<1x1x16xf32>,
        %parallel_loop3A_184 = arith.index_cast %parallel_loop3A_159 : i32 to index
        %parallel_loop3A_185 = arith.constant 32 : index
        %parallel_loop3A_186 = tpu.vector_load %arg5[%parallel_loop3A_184, %parallel_loop3A_185] {strides = array<i32>} : memref<20x80xf32, #tpu.memory_space<vmem>>, vector<1x16xf32>,
        %parallel_loop3A_187 = vector.shape_cast %parallel_loop3A_186 : vector<1x16xf32> to vector<16xf32>
        %parallel_loop3A_188 = arith.index_cast %rem3A_52 : i32 to index
        %parallel_loop3A_189 = arith.index_cast %parallel_loop3A_163 : i32 to index
        %parallel_loop3A_190 = arith.constant 32 : index
        %parallel_loop3A_191 = tpu.vector_load %arg7[%parallel_loop3A_188, %parallel_loop3A_189, %parallel_loop3A_190] {strides = array<i32>} : memref<2x256x80xf32, #tpu.memory_space<vmem>>, vector<1x1x16xf32>,
        %parallel_loop3A_192 = vector.shape_cast %parallel_loop3A_191 : vector<1x1x16xf32> to vector<16xf32>
        %parallel_loop3A_193 = vector.shape_cast %parallel_loop3A_187 : vector<16xf32> to vector<1x1x16xf32>
        tpu.vector_store %arg7[%parallel_loop3A_188, %parallel_loop3A_189, %parallel_loop3A_190], %parallel_loop3A_193 {strides = array<i32>} : memref<2x256x80xf32, #tpu.memory_space<vmem>>, vector<1x1x16xf32>,
        %parallel_loop3A_194 = arith.index_cast %parallel_loop3A_159 : i32 to index
        %parallel_loop3A_195 = arith.constant 48 : index
        %parallel_loop3A_196 = tpu.vector_load %arg5[%parallel_loop3A_194, %parallel_loop3A_195] {strides = array<i32>} : memref<20x80xf32, #tpu.memory_space<vmem>>, vector<1x16xf32>,
        %parallel_loop3A_197 = vector.shape_cast %parallel_loop3A_196 : vector<1x16xf32> to vector<16xf32>
        %parallel_loop3A_198 = arith.index_cast %rem3A_52 : i32 to index
        %parallel_loop3A_199 = arith.index_cast %parallel_loop3A_163 : i32 to index
        %parallel_loop3A_200 = arith.constant 48 : index
        %parallel_loop3A_201 = tpu.vector_load %arg7[%parallel_loop3A_198, %parallel_loop3A_199, %parallel_loop3A_200] {strides = array<i32>} : memref<2x256x80xf32, #tpu.memory_space<vmem>>, vector<1x1x16xf32>,
        %parallel_loop3A_202 = vector.shape_cast %parallel_loop3A_201 : vector<1x1x16xf32> to vector<16xf32>
        %parallel_loop3A_203 = vector.shape_cast %parallel_loop3A_197 : vector<16xf32> to vector<1x1x16xf32>
        tpu.vector_store %arg7[%parallel_loop3A_198, %parallel_loop3A_199, %parallel_loop3A_200], %parallel_loop3A_203 {strides = array<i32>} : memref<2x256x80xf32, #tpu.memory_space<vmem>>, vector<1x1x16xf32>,
        %parallel_loop3A_204 = arith.index_cast %parallel_loop3A_159 : i32 to index
        %parallel_loop3A_205 = arith.constant 64 : index
        %parallel_loop3A_206 = tpu.vector_load %arg5[%parallel_loop3A_204, %parallel_loop3A_205] {strides = array<i32>} : memref<20x80xf32, #tpu.memory_space<vmem>>, vector<1x16xf32>,
        %parallel_loop3A_207 = vector.shape_cast %parallel_loop3A_206 : vector<1x16xf32> to vector<16xf32>
        %parallel_loop3A_208 = arith.index_cast %rem3A_52 : i32 to index
        %parallel_loop3A_209 = arith.index_cast %parallel_loop3A_163 : i32 to index
        %parallel_loop3A_210 = arith.constant 64 : index
        %parallel_loop3A_211 = tpu.vector_load %arg7[%parallel_loop3A_208, %parallel_loop3A_209, %parallel_loop3A_210] {strides = array<i32>} : memref<2x256x80xf32, #tpu.memory_space<vmem>>, vector<1x1x16xf32>,
        %parallel_loop3A_212 = vector.shape_cast %parallel_loop3A_211 : vector<1x1x16xf32> to vector<16xf32>
        %parallel_loop3A_213 = vector.shape_cast %parallel_loop3A_207 : vector<16xf32> to vector<1x1x16xf32>
        tpu.vector_store %arg7[%parallel_loop3A_208, %parallel_loop3A_209, %parallel_loop3A_210], %parallel_loop3A_213 {strides = array<i32>} : memref<2x256x80xf32, #tpu.memory_space<vmem>>, vector<1x1x16xf32>,
        %parallel_loop3A_214 = vector.extract_strided_slice %parallel_loop3A_157 {offsets = [1], sizes = [1], strides = [1]} : vector<16xi32> to vector<1xi32>
        %parallel_loop3A_215 = vector.extract %parallel_loop3A_214[0] : i32 from vector<1xi32>
        %parallel_loop3A_216 = arith.constant 16 : i32
        %parallel_loop3A_217 = arith.muli %parallel_loop3A_150, %parallel_loop3A_216 : i32
        %parallel_loop3A_218 = arith.constant 1 : i32
        %parallel_loop3A_219 = arith.addi %parallel_loop3A_217, %parallel_loop3A_218 : i32
        %parallel_loop3A_220 = arith.index_cast %parallel_loop3A_215 : i32 to index
        %parallel_loop3A_221 = arith.constant 0 : index
        %parallel_loop3A_222 = tpu.vector_load %arg5[%parallel_loop3A_220, %parallel_loop3A_221] {strides = array<i32>} : memref<20x80xf32, #tpu.memory_space<vmem>>, vector<1x16xf32>,
        %parallel_loop3A_223 = vector.shape_cast %parallel_loop3A_222 : vector<1x16xf32> to vector<16xf32>
        %parallel_loop3A_224 = arith.index_cast %rem3A_52 : i32 to index
        %parallel_loop3A_225 = arith.index_cast %parallel_loop3A_219 : i32 to index
        %parallel_loop3A_226 = arith.constant 0 : index
        %parallel_loop3A_227 = tpu.vector_load %arg7[%parallel_loop3A_224, %parallel_loop3A_225, %parallel_loop3A_226] {strides = array<i32>} : memref<2x256x80xf32, #tpu.memory_space<vmem>>, vector<1x1x16xf32>,
        %parallel_loop3A_228 = vector.shape_cast %parallel_loop3A_227 : vector<1x1x16xf32> to vector<16xf32>
        %parallel_loop3A_229 = vector.shape_cast %parallel_loop3A_223 : vector<16xf32> to vector<1x1x16xf32>
        tpu.vector_store %arg7[%parallel_loop3A_224, %parallel_loop3A_225, %parallel_loop3A_226], %parallel_loop3A_229 {strides = array<i32>} : memref<2x256x80xf32, #tpu.memory_space<vmem>>, vector<1x1x16xf32>,
        %parallel_loop3A_230 = arith.index_cast %parallel_loop3A_215 : i32 to index
        %parallel_loop3A_231 = arith.constant 16 : index
        %parallel_loop3A_232 = tpu.vector_load %arg5[%parallel_loop3A_230, %parallel_loop3A_231] {strides = array<i32>} : memref<20x80xf32, #tpu.memory_space<vmem>>, vector<1x16xf32>,
        %parallel_loop3A_233 = vector.shape_cast %parallel_loop3A_232 : vector<1x16xf32> to vector<16xf32>
        %parallel_loop3A_234 = arith.index_cast %rem3A_52 : i32 to index
        %parallel_loop3A_235 = arith.index_cast %parallel_loop3A_219 : i32 to index
        %parallel_loop3A_236 = arith.constant 16 : index
        %parallel_loop3A_237 = tpu.vector_load %arg7[%parallel_loop3A_234, %parallel_loop3A_235, %parallel_loop3A_236] {strides = array<i32>} : memref<2x256x80xf32, #tpu.memory_space<vmem>>, vector<1x1x16xf32>,
        %parallel_loop3A_238 = vector.shape_cast %parallel_loop3A_237 : vector<1x1x16xf32> to vector<16xf32>
        %parallel_loop3A_239 = vector.shape_cast %parallel_loop3A_233 : vector<16xf32> to vector<1x1x16xf32>
        tpu.vector_store %arg7[%parallel_loop3A_234, %parallel_loop3A_235, %parallel_loop3A_236], %parallel_loop3A_239 {strides = array<i32>} : memref<2x256x80xf32, #tpu.memory_space<vmem>>, vector<1x1x16xf32>,
        %parallel_loop3A_240 = arith.index_cast %parallel_loop3A_215 : i32 to index
        %parallel_loop3A_241 = arith.constant 32 : index
        %parallel_loop3A_242 = tpu.vector_load %arg5[%parallel_loop3A_240, %parallel_loop3A_241] {strides = array<i32>} : memref<20x80xf32, #tpu.memory_space<vmem>>, vector<1x16xf32>,
        %parallel_loop3A_243 = vector.shape_cast %parallel_loop3A_242 : vector<1x16xf32> to vector<16xf32>
        %parallel_loop3A_244 = arith.index_cast %rem3A_52 : i32 to index
        %parallel_loop3A_245 = arith.index_cast %parallel_loop3A_219 : i32 to index
        %parallel_loop3A_246 = arith.constant 32 : index
        %parallel_loop3A_247 = tpu.vector_load %arg7[%parallel_loop3A_244, %parallel_loop3A_245, %parallel_loop3A_246] {strides = array<i32>} : memref<2x256x80xf32, #tpu.memory_space<vmem>>, vector<1x1x16xf32>,
        %parallel_loop3A_248 = vector.shape_cast %parallel_loop3A_247 : vector<1x1x16xf32> to vector<16xf32>
        %parallel_loop3A_249 = vector.shape_cast %parallel_loop3A_243 : vector<16xf32> to vector<1x1x16xf32>
        tpu.vector_store %arg7[%parallel_loop3A_244, %parallel_loop3A_245, %parallel_loop3A_246], %parallel_loop3A_249 {strides = array<i32>} : memref<2x256x80xf32, #tpu.memory_space<vmem>>, vector<1x1x16xf32>,
        %parallel_loop3A_250 = arith.index_cast %parallel_loop3A_215 : i32 to index
        %parallel_loop3A_251 = arith.constant 48 : index
        %parallel_loop3A_252 = tpu.vector_load %arg5[%parallel_loop3A_250, %parallel_loop3A_251] {strides = array<i32>} : memref<20x80xf32, #tpu.memory_space<vmem>>, vector<1x16xf32>,
        %parallel_loop3A_253 = vector.shape_cast %parallel_loop3A_252 : vector<1x16xf32> to vector<16xf32>
        %parallel_loop3A_254 = arith.index_cast %rem3A_52 : i32 to index
        %parallel_loop3A_255 = arith.index_cast %parallel_loop3A_219 : i32 to index
        %parallel_loop3A_256 = arith.constant 48 : index
        %parallel_loop3A_257 = tpu.vector_load %arg7[%parallel_loop3A_254, %parallel_loop3A_255, %parallel_loop3A_256] {strides = array<i32>} : memref<2x256x80xf32, #tpu.memory_space<vmem>>, vector<1x1x16xf32>,
        %parallel_loop3A_258 = vector.shape_cast %parallel_loop3A_257 : vector<1x1x16xf32> to vector<16xf32>
        %parallel_loop3A_259 = vector.shape_cast %parallel_loop3A_253 : vector<16xf32> to vector<1x1x16xf32>
        tpu.vector_store %arg7[%parallel_loop3A_254, %parallel_loop3A_255, %parallel_loop3A_256], %parallel_loop3A_259 {strides = array<i32>} : memref<2x256x80xf32, #tpu.memory_space<vmem>>, vector<1x1x16xf32>,
        %parallel_loop3A_260 = arith.index_cast %parallel_loop3A_215 : i32 to index
        %parallel_loop3A_261 = arith.constant 64 : index
        %parallel_loop3A_262 = tpu.vector_load %arg5[%parallel_loop3A_260, %parallel_loop3A_261] {strides = array<i32>} : memref<20x80xf32, #tpu.memory_space<vmem>>, vector<1x16xf32>,
        %parallel_loop3A_263 = vector.shape_cast %parallel_loop3A_262 : vector<1x16xf32> to vector<16xf32>
        %parallel_loop3A_264 = arith.index_cast %rem3A_52 : i32 to index
        %parallel_loop3A_265 = arith.index_cast %parallel_loop3A_219 : i32 to index
        %parallel_loop3A_266 = arith.constant 64 : index
        %parallel_loop3A_267 = tpu.vector_load %arg7[%parallel_loop3A_264, %parallel_loop3A_265, %parallel_loop3A_266] {strides = array<i32>} : memref<2x256x80xf32, #tpu.memory_space<vmem>>, vector<1x1x16xf32>,
        %parallel_loop3A_268 = vector.shape_cast %parallel_loop3A_267 : vector<1x1x16xf32> to vector<16xf32>
        %parallel_loop3A_269 = vector.shape_cast %parallel_loop3A_263 : vector<16xf32> to vector<1x1x16xf32>
        tpu.vector_store %arg7[%parallel_loop3A_264, %parallel_loop3A_265, %parallel_loop3A_266], %parallel_loop3A_269 {strides = array<i32>} : memref<2x256x80xf32, #tpu.memory_space<vmem>>, vector<1x1x16xf32>,
        %parallel_loop3A_270 = vector.extract_strided_slice %parallel_loop3A_157 {offsets = [2], sizes = [1], strides = [1]} : vector<16xi32> to vector<1xi32>
        %parallel_loop3A_271 = vector.extract %parallel_loop3A_270[0] : i32 from vector<1xi32>
        %parallel_loop3A_272 = arith.constant 16 : i32
        %parallel_loop3A_273 = arith.muli %parallel_loop3A_150, %parallel_loop3A_272 : i32
        %parallel_loop3A_274 = arith.constant 2 : i32
        %parallel_loop3A_275 = arith.addi %parallel_loop3A_273, %parallel_loop3A_274 : i32
        %parallel_loop3A_276 = arith.index_cast %parallel_loop3A_271 : i32 to index
        %parallel_loop3A_277 = arith.constant 0 : index
        %parallel_loop3A_278 = tpu.vector_load %arg5[%parallel_loop3A_276, %parallel_loop3A_277] {strides = array<i32>} : memref<20x80xf32, #tpu.memory_space<vmem>>, vector<1x16xf32>,
        %parallel_loop3A_279 = vector.shape_cast %parallel_loop3A_278 : vector<1x16xf32> to vector<16xf32>
        %parallel_loop3A_280 = arith.index_cast %rem3A_52 : i32 to index
        %parallel_loop3A_281 = arith.index_cast %parallel_loop3A_275 : i32 to index
        %parallel_loop3A_282 = arith.constant 0 : index
        %parallel_loop3A_283 = tpu.vector_load %arg7[%parallel_loop3A_280, %parallel_loop3A_281, %parallel_loop3A_282] {strides = array<i32>} : memref<2x256x80xf32, #tpu.memory_space<vmem>>, vector<1x1x16xf32>,
        %parallel_loop3A_284 = vector.shape_cast %parallel_loop3A_283 : vector<1x1x16xf32> to vector<16xf32>
        %parallel_loop3A_285 = vector.shape_cast %parallel_loop3A_279 : vector<16xf32> to vector<1x1x16xf32>
        tpu.vector_store %arg7[%parallel_loop3A_280, %parallel_loop3A_281, %parallel_loop3A_282], %parallel_loop3A_285 {strides = array<i32>} : memref<2x256x80xf32, #tpu.memory_space<vmem>>, vector<1x1x16xf32>,
        %parallel_loop3A_286 = arith.index_cast %parallel_loop3A_271 : i32 to index
        %parallel_loop3A_287 = arith.constant 16 : index
        %parallel_loop3A_288 = tpu.vector_load %arg5[%parallel_loop3A_286, %parallel_loop3A_287] {strides = array<i32>} : memref<20x80xf32, #tpu.memory_space<vmem>>, vector<1x16xf32>,
        %parallel_loop3A_289 = vector.shape_cast %parallel_loop3A_288 : vector<1x16xf32> to vector<16xf32>
        %parallel_loop3A_290 = arith.index_cast %rem3A_52 : i32 to index
        %parallel_loop3A_291 = arith.index_cast %parallel_loop3A_275 : i32 to index
        %parallel_loop3A_292 = arith.constant 16 : index
        %parallel_loop3A_293 = tpu.vector_load %arg7[%parallel_loop3A_290, %parallel_loop3A_291, %parallel_loop3A_292] {strides = array<i32>} : memref<2x256x80xf32, #tpu.memory_space<vmem>>, vector<1x1x16xf32>,
        %parallel_loop3A_294 = vector.shape_cast %parallel_loop3A_293 : vector<1x1x16xf32> to vector<16xf32>
        %parallel_loop3A_295 = vector.shape_cast %parallel_loop3A_289 : vector<16xf32> to vector<1x1x16xf32>
        tpu.vector_store %arg7[%parallel_loop3A_290, %parallel_loop3A_291, %parallel_loop3A_292], %parallel_loop3A_295 {strides = array<i32>} : memref<2x256x80xf32, #tpu.memory_space<vmem>>, vector<1x1x16xf32>,
        %parallel_loop3A_296 = arith.index_cast %parallel_loop3A_271 : i32 to index
        %parallel_loop3A_297 = arith.constant 32 : index
        %parallel_loop3A_298 = tpu.vector_load %arg5[%parallel_loop3A_296, %parallel_loop3A_297] {strides = array<i32>} : memref<20x80xf32, #tpu.memory_space<vmem>>, vector<1x16xf32>,
        %parallel_loop3A_299 = vector.shape_cast %parallel_loop3A_298 : vector<1x16xf32> to vector<16xf32>
        %parallel_loop3A_300 = arith.index_cast %rem3A_52 : i32 to index
        %parallel_loop3A_301 = arith.index_cast %parallel_loop3A_275 : i32 to index
        %parallel_loop3A_302 = arith.constant 32 : index
        %parallel_loop3A_303 = tpu.vector_load %arg7[%parallel_loop3A_300, %parallel_loop3A_301, %parallel_loop3A_302] {strides = array<i32>} : memref<2x256x80xf32, #tpu.memory_space<vmem>>, vector<1x1x16xf32>,
        %parallel_loop3A_304 = vector.shape_cast %parallel_loop3A_303 : vector<1x1x16xf32> to vector<16xf32>
        %parallel_loop3A_305 = vector.shape_cast %parallel_loop3A_299 : vector<16xf32> to vector<1x1x16xf32>
        tpu.vector_store %arg7[%parallel_loop3A_300, %parallel_loop3A_301, %parallel_loop3A_302], %parallel_loop3A_305 {strides = array<i32>} : memref<2x256x80xf32, #tpu.memory_space<vmem>>, vector<1x1x16xf32>,
        %parallel_loop3A_306 = arith.index_cast %parallel_loop3A_271 : i32 to index
        %parallel_loop3A_307 = arith.constant 48 : index
        %parallel_loop3A_308 = tpu.vector_load %arg5[%parallel_loop3A_306, %parallel_loop3A_307] {strides = array<i32>} : memref<20x80xf32, #tpu.memory_space<vmem>>, vector<1x16xf32>,
        %parallel_loop3A_309 = vector.shape_cast %parallel_loop3A_308 : vector<1x16xf32> to vector<16xf32>
        %parallel_loop3A_310 = arith.index_cast %rem3A_52 : i32 to index
        %parallel_loop3A_311 = arith.index_cast %parallel_loop3A_275 : i32 to index
        %parallel_loop3A_312 = arith.constant 48 : index
        %parallel_loop3A_313 = tpu.vector_load %arg7[%parallel_loop3A_310, %parallel_loop3A_311, %parallel_loop3A_312] {strides = array<i32>} : memref<2x256x80xf32, #tpu.memory_space<vmem>>, vector<1x1x16xf32>,
        %parallel_loop3A_314 = vector.shape_cast %parallel_loop3A_313 : vector<1x1x16xf32> to vector<16xf32>
        %parallel_loop3A_315 = vector.shape_cast %parallel_loop3A_309 : vector<16xf32> to vector<1x1x16xf32>
        tpu.vector_store %arg7[%parallel_loop3A_310, %parallel_loop3A_311, %parallel_loop3A_312], %parallel_loop3A_315 {strides = array<i32>} : memref<2x256x80xf32, #tpu.memory_space<vmem>>, vector<1x1x16xf32>,
        %parallel_loop3A_316 = arith.index_cast %parallel_loop3A_271 : i32 to index
        %parallel_loop3A_317 = arith.constant 64 : index
        %parallel_loop3A_318 = tpu.vector_load %arg5[%parallel_loop3A_316, %parallel_loop3A_317] {strides = array<i32>} : memref<20x80xf32, #tpu.memory_space<vmem>>, vector<1x16xf32>,
        %parallel_loop3A_319 = vector.shape_cast %parallel_loop3A_318 : vector<1x16xf32> to vector<16xf32>
        %parallel_loop3A_320 = arith.index_cast %rem3A_52 : i32 to index
        %parallel_loop3A_321 = arith.index_cast %parallel_loop3A_275 : i32 to index
        %parallel_loop3A_322 = arith.constant 64 : index
        %parallel_loop3A_323 = tpu.vector_load %arg7[%parallel_loop3A_320, %parallel_loop3A_321, %parallel_loop3A_322] {strides = array<i32>} : memref<2x256x80xf32, #tpu.memory_space<vmem>>, vector<1x1x16xf32>,
        %parallel_loop3A_324 = vector.shape_cast %parallel_loop3A_323 : vector<1x1x16xf32> to vector<16xf32>
        %parallel_loop3A_325 = vector.shape_cast %parallel_loop3A_319 : vector<16xf32> to vector<1x1x16xf32>
        tpu.vector_store %arg7[%parallel_loop3A_320, %parallel_loop3A_321, %parallel_loop3A_322], %parallel_loop3A_325 {strides = array<i32>} : memref<2x256x80xf32, #tpu.memory_space<vmem>>, vector<1x1x16xf32>,
        %parallel_loop3A_326 = vector.extract_strided_slice %parallel_loop3A_157 {offsets = [3], sizes = [1], strides = [1]} : vector<16xi32> to vector<1xi32>
        %parallel_loop3A_327 = vector.extract %parallel_loop3A_326[0] : i32 from vector<1xi32>
        %parallel_loop3A_328 = arith.constant 16 : i32
        %parallel_loop3A_329 = arith.muli %parallel_loop3A_150, %parallel_loop3A_328 : i32
        %parallel_loop3A_330 = arith.constant 3 : i32
        %parallel_loop3A_331 = arith.addi %parallel_loop3A_329, %parallel_loop3A_330 : i32
        %parallel_loop3A_332 = arith.index_cast %parallel_loop3A_327 : i32 to index
        %parallel_loop3A_333 = arith.constant 0 : index
        %parallel_loop3A_334 = tpu.vector_load %arg5[%parallel_loop3A_332, %parallel_loop3A_333] {strides = array<i32>} : memref<20x80xf32, #tpu.memory_space<vmem>>, vector<1x16xf32>,
        %parallel_loop3A_335 = vector.shape_cast %parallel_loop3A_334 : vector<1x16xf32> to vector<16xf32>
        %parallel_loop3A_336 = arith.index_cast %rem3A_52 : i32 to index
        %parallel_loop3A_337 = arith.index_cast %parallel_loop3A_331 : i32 to index
        %parallel_loop3A_338 = arith.constant 0 : index
        %parallel_loop3A_339 = tpu.vector_load %arg7[%parallel_loop3A_336, %parallel_loop3A_337, %parallel_loop3A_338] {strides = array<i32>} : memref<2x256x80xf32, #tpu.memory_space<vmem>>, vector<1x1x16xf32>,
        %parallel_loop3A_340 = vector.shape_cast %parallel_loop3A_339 : vector<1x1x16xf32> to vector<16xf32>
        %parallel_loop3A_341 = vector.shape_cast %parallel_loop3A_335 : vector<16xf32> to vector<1x1x16xf32>
        tpu.vector_store %arg7[%parallel_loop3A_336, %parallel_loop3A_337, %parallel_loop3A_338], %parallel_loop3A_341 {strides = array<i32>} : memref<2x256x80xf32, #tpu.memory_space<vmem>>, vector<1x1x16xf32>,
        %parallel_loop3A_342 = arith.index_cast %parallel_loop3A_327 : i32 to index
        %parallel_loop3A_343 = arith.constant 16 : index
        %parallel_loop3A_344 = tpu.vector_load %arg5[%parallel_loop3A_342, %parallel_loop3A_343] {strides = array<i32>} : memref<20x80xf32, #tpu.memory_space<vmem>>, vector<1x16xf32>,
        %parallel_loop3A_345 = vector.shape_cast %parallel_loop3A_344 : vector<1x16xf32> to vector<16xf32>
        %parallel_loop3A_346 = arith.index_cast %rem3A_52 : i32 to index
        %parallel_loop3A_347 = arith.index_cast %parallel_loop3A_331 : i32 to index
        %parallel_loop3A_348 = arith.constant 16 : index
        %parallel_loop3A_349 = tpu.vector_load %arg7[%parallel_loop3A_346, %parallel_loop3A_347, %parallel_loop3A_348] {strides = array<i32>} : memref<2x256x80xf32, #tpu.memory_space<vmem>>, vector<1x1x16xf32>,
        %parallel_loop3A_350 = vector.shape_cast %parallel_loop3A_349 : vector<1x1x16xf32> to vector<16xf32>
        %parallel_loop3A_351 = vector.shape_cast %parallel_loop3A_345 : vector<16xf32> to vector<1x1x16xf32>
        tpu.vector_store %arg7[%parallel_loop3A_346, %parallel_loop3A_347, %parallel_loop3A_348], %parallel_loop3A_351 {strides = array<i32>} : memref<2x256x80xf32, #tpu.memory_space<vmem>>, vector<1x1x16xf32>,
        %parallel_loop3A_352 = arith.index_cast %parallel_loop3A_327 : i32 to index
        %parallel_loop3A_353 = arith.constant 32 : index
        %parallel_loop3A_354 = tpu.vector_load %arg5[%parallel_loop3A_352, %parallel_loop3A_353] {strides = array<i32>} : memref<20x80xf32, #tpu.memory_space<vmem>>, vector<1x16xf32>,
        %parallel_loop3A_355 = vector.shape_cast %parallel_loop3A_354 : vector<1x16xf32> to vector<16xf32>
        %parallel_loop3A_356 = arith.index_cast %rem3A_52 : i32 to index
        %parallel_loop3A_357 = arith.index_cast %parallel_loop3A_331 : i32 to index
        %parallel_loop3A_358 = arith.constant 32 : index
        %parallel_loop3A_359 = tpu.vector_load %arg7[%parallel_loop3A_356, %parallel_loop3A_357, %parallel_loop3A_358] {strides = array<i32>} : memref<2x256x80xf32, #tpu.memory_space<vmem>>, vector<1x1x16xf32>,
        %parallel_loop3A_360 = vector.shape_cast %parallel_loop3A_359 : vector<1x1x16xf32> to vector<16xf32>
        %parallel_loop3A_361 = vector.shape_cast %parallel_loop3A_355 : vector<16xf32> to vector<1x1x16xf32>
        tpu.vector_store %arg7[%parallel_loop3A_356, %parallel_loop3A_357, %parallel_loop3A_358], %parallel_loop3A_361 {strides = array<i32>} : memref<2x256x80xf32, #tpu.memory_space<vmem>>, vector<1x1x16xf32>,
        %parallel_loop3A_362 = arith.index_cast %parallel_loop3A_327 : i32 to index
        %parallel_loop3A_363 = arith.constant 48 : index
        %parallel_loop3A_364 = tpu.vector_load %arg5[%parallel_loop3A_362, %parallel_loop3A_363] {strides = array<i32>} : memref<20x80xf32, #tpu.memory_space<vmem>>, vector<1x16xf32>,
        %parallel_loop3A_365 = vector.shape_cast %parallel_loop3A_364 : vector<1x16xf32> to vector<16xf32>
        %parallel_loop3A_366 = arith.index_cast %rem3A_52 : i32 to index
        %parallel_loop3A_367 = arith.index_cast %parallel_loop3A_331 : i32 to index
        %parallel_loop3A_368 = arith.constant 48 : index
        %parallel_loop3A_369 = tpu.vector_load %arg7[%parallel_loop3A_366, %parallel_loop3A_367, %parallel_loop3A_368] {strides = array<i32>} : memref<2x256x80xf32, #tpu.memory_space<vmem>>, vector<1x1x16xf32>,
        %parallel_loop3A_370 = vector.shape_cast %parallel_loop3A_369 : vector<1x1x16xf32> to vector<16xf32>
        %parallel_loop3A_371 = vector.shape_cast %parallel_loop3A_365 : vector<16xf32> to vector<1x1x16xf32>
        tpu.vector_store %arg7[%parallel_loop3A_366, %parallel_loop3A_367, %parallel_loop3A_368], %parallel_loop3A_371 {strides = array<i32>} : memref<2x256x80xf32, #tpu.memory_space<vmem>>, vector<1x1x16xf32>,
        %parallel_loop3A_372 = arith.index_cast %parallel_loop3A_327 : i32 to index
        %parallel_loop3A_373 = arith.constant 64 : index
        %parallel_loop3A_374 = tpu.vector_load %arg5[%parallel_loop3A_372, %parallel_loop3A_373] {strides = array<i32>} : memref<20x80xf32, #tpu.memory_space<vmem>>, vector<1x16xf32>,
        %parallel_loop3A_375 = vector.shape_cast %parallel_loop3A_374 : vector<1x16xf32> to vector<16xf32>
        %parallel_loop3A_376 = arith.index_cast %rem3A_52 : i32 to index
        %parallel_loop3A_377 = arith.index_cast %parallel_loop3A_331 : i32 to index
        %parallel_loop3A_378 = arith.constant 64 : index
        %parallel_loop3A_379 = tpu.vector_load %arg7[%parallel_loop3A_376, %parallel_loop3A_377, %parallel_loop3A_378] {strides = array<i32>} : memref<2x256x80xf32, #tpu.memory_space<vmem>>, vector<1x1x16xf32>,
        %parallel_loop3A_380 = vector.shape_cast %parallel_loop3A_379 : vector<1x1x16xf32> to vector<16xf32>
        %parallel_loop3A_381 = vector.shape_cast %parallel_loop3A_375 : vector<16xf32> to vector<1x1x16xf32>
        tpu.vector_store %arg7[%parallel_loop3A_376, %parallel_loop3A_377, %parallel_loop3A_378], %parallel_loop3A_381 {strides = array<i32>} : memref<2x256x80xf32, #tpu.memory_space<vmem>>, vector<1x1x16xf32>,
        %parallel_loop3A_382 = vector.extract_strided_slice %parallel_loop3A_157 {offsets = [4], sizes = [1], strides = [1]} : vector<16xi32> to vector<1xi32>
        %parallel_loop3A_383 = vector.extract %parallel_loop3A_382[0] : i32 from vector<1xi32>
        %parallel_loop3A_384 = arith.constant 16 : i32
        %parallel_loop3A_385 = arith.muli %parallel_loop3A_150, %parallel_loop3A_384 : i32
        %parallel_loop3A_386 = arith.constant 4 : i32
        %parallel_loop3A_387 = arith.addi %parallel_loop3A_385, %parallel_loop3A_386 : i32
        %parallel_loop3A_388 = arith.index_cast %parallel_loop3A_383 : i32 to index
        %parallel_loop3A_389 = arith.constant 0 : index
        %parallel_loop3A_390 = tpu.vector_load %arg5[%parallel_loop3A_388, %parallel_loop3A_389] {strides = array<i32>} : memref<20x80xf32, #tpu.memory_space<vmem>>, vector<1x16xf32>,
        %parallel_loop3A_391 = vector.shape_cast %parallel_loop3A_390 : vector<1x16xf32> to vector<16xf32>
        %parallel_loop3A_392 = arith.index_cast %rem3A_52 : i32 to index
        %parallel_loop3A_393 = arith.index_cast %parallel_loop3A_387 : i32 to index
        %parallel_loop3A_394 = arith.constant 0 : index
        %parallel_loop3A_395 = tpu.vector_load %arg7[%parallel_loop3A_392, %parallel_loop3A_393, %parallel_loop3A_394] {strides = array<i32>} : memref<2x256x80xf32, #tpu.memory_space<vmem>>, vector<1x1x16xf32>,
        %parallel_loop3A_396 = vector.shape_cast %parallel_loop3A_395 : vector<1x1x16xf32> to vector<16xf32>
        %parallel_loop3A_397 = vector.shape_cast %parallel_loop3A_391 : vector<16xf32> to vector<1x1x16xf32>
        tpu.vector_store %arg7[%parallel_loop3A_392, %parallel_loop3A_393, %parallel_loop3A_394], %parallel_loop3A_397 {strides = array<i32>} : memref<2x256x80xf32, #tpu.memory_space<vmem>>, vector<1x1x16xf32>,
        %parallel_loop3A_398 = arith.index_cast %parallel_loop3A_383 : i32 to index
        %parallel_loop3A_399 = arith.constant 16 : index
        %parallel_loop3A_400 = tpu.vector_load %arg5[%parallel_loop3A_398, %parallel_loop3A_399] {strides = array<i32>} : memref<20x80xf32, #tpu.memory_space<vmem>>, vector<1x16xf32>,
        %parallel_loop3A_401 = vector.shape_cast %parallel_loop3A_400 : vector<1x16xf32> to vector<16xf32>
        %parallel_loop3A_402 = arith.index_cast %rem3A_52 : i32 to index
        %parallel_loop3A_403 = arith.index_cast %parallel_loop3A_387 : i32 to index
        %parallel_loop3A_404 = arith.constant 16 : index
        %parallel_loop3A_405 = tpu.vector_load %arg7[%parallel_loop3A_402, %parallel_loop3A_403, %parallel_loop3A_404] {strides = array<i32>} : memref<2x256x80xf32, #tpu.memory_space<vmem>>, vector<1x1x16xf32>,
        %parallel_loop3A_406 = vector.shape_cast %parallel_loop3A_405 : vector<1x1x16xf32> to vector<16xf32>
        %parallel_loop3A_407 = vector.shape_cast %parallel_loop3A_401 : vector<16xf32> to vector<1x1x16xf32>
        tpu.vector_store %arg7[%parallel_loop3A_402, %parallel_loop3A_403, %parallel_loop3A_404], %parallel_loop3A_407 {strides = array<i32>} : memref<2x256x80xf32, #tpu.memory_space<vmem>>, vector<1x1x16xf32>,
        %parallel_loop3A_408 = arith.index_cast %parallel_loop3A_383 : i32 to index
        %parallel_loop3A_409 = arith.constant 32 : index
        %parallel_loop3A_410 = tpu.vector_load %arg5[%parallel_loop3A_408, %parallel_loop3A_409] {strides = array<i32>} : memref<20x80xf32, #tpu.memory_space<vmem>>, vector<1x16xf32>,
        %parallel_loop3A_411 = vector.shape_cast %parallel_loop3A_410 : vector<1x16xf32> to vector<16xf32>
        %parallel_loop3A_412 = arith.index_cast %rem3A_52 : i32 to index
        %parallel_loop3A_413 = arith.index_cast %parallel_loop3A_387 : i32 to index
        %parallel_loop3A_414 = arith.constant 32 : index
        %parallel_loop3A_415 = tpu.vector_load %arg7[%parallel_loop3A_412, %parallel_loop3A_413, %parallel_loop3A_414] {strides = array<i32>} : memref<2x256x80xf32, #tpu.memory_space<vmem>>, vector<1x1x16xf32>,
        %parallel_loop3A_416 = vector.shape_cast %parallel_loop3A_415 : vector<1x1x16xf32> to vector<16xf32>
        %parallel_loop3A_417 = vector.shape_cast %parallel_loop3A_411 : vector<16xf32> to vector<1x1x16xf32>
        tpu.vector_store %arg7[%parallel_loop3A_412, %parallel_loop3A_413, %parallel_loop3A_414], %parallel_loop3A_417 {strides = array<i32>} : memref<2x256x80xf32, #tpu.memory_space<vmem>>, vector<1x1x16xf32>,
        %parallel_loop3A_418 = arith.index_cast %parallel_loop3A_383 : i32 to index
        %parallel_loop3A_419 = arith.constant 48 : index
        %parallel_loop3A_420 = tpu.vector_load %arg5[%parallel_loop3A_418, %parallel_loop3A_419] {strides = array<i32>} : memref<20x80xf32, #tpu.memory_space<vmem>>, vector<1x16xf32>,
        %parallel_loop3A_421 = vector.shape_cast %parallel_loop3A_420 : vector<1x16xf32> to vector<16xf32>
        %parallel_loop3A_422 = arith.index_cast %rem3A_52 : i32 to index
        %parallel_loop3A_423 = arith.index_cast %parallel_loop3A_387 : i32 to index
        %parallel_loop3A_424 = arith.constant 48 : index
        %parallel_loop3A_425 = tpu.vector_load %arg7[%parallel_loop3A_422, %parallel_loop3A_423, %parallel_loop3A_424] {strides = array<i32>} : memref<2x256x80xf32, #tpu.memory_space<vmem>>, vector<1x1x16xf32>,
        %parallel_loop3A_426 = vector.shape_cast %parallel_loop3A_425 : vector<1x1x16xf32> to vector<16xf32>
        %parallel_loop3A_427 = vector.shape_cast %parallel_loop3A_421 : vector<16xf32> to vector<1x1x16xf32>
        tpu.vector_store %arg7[%parallel_loop3A_422, %parallel_loop3A_423, %parallel_loop3A_424], %parallel_loop3A_427 {strides = array<i32>} : memref<2x256x80xf32, #tpu.memory_space<vmem>>, vector<1x1x16xf32>,
        %parallel_loop3A_428 = arith.index_cast %parallel_loop3A_383 : i32 to index
        %parallel_loop3A_429 = arith.constant 64 : index
        %parallel_loop3A_430 = tpu.vector_load %arg5[%parallel_loop3A_428, %parallel_loop3A_429] {strides = array<i32>} : memref<20x80xf32, #tpu.memory_space<vmem>>, vector<1x16xf32>,
        %parallel_loop3A_431 = vector.shape_cast %parallel_loop3A_430 : vector<1x16xf32> to vector<16xf32>
        %parallel_loop3A_432 = arith.index_cast %rem3A_52 : i32 to index
        %parallel_loop3A_433 = arith.index_cast %parallel_loop3A_387 : i32 to index
        %parallel_loop3A_434 = arith.constant 64 : index
        %parallel_loop3A_435 = tpu.vector_load %arg7[%parallel_loop3A_432, %parallel_loop3A_433, %parallel_loop3A_434] {strides = array<i32>} : memref<2x256x80xf32, #tpu.memory_space<vmem>>, vector<1x1x16xf32>,
        %parallel_loop3A_436 = vector.shape_cast %parallel_loop3A_435 : vector<1x1x16xf32> to vector<16xf32>
        %parallel_loop3A_437 = vector.shape_cast %parallel_loop3A_431 : vector<16xf32> to vector<1x1x16xf32>
        tpu.vector_store %arg7[%parallel_loop3A_432, %parallel_loop3A_433, %parallel_loop3A_434], %parallel_loop3A_437 {strides = array<i32>} : memref<2x256x80xf32, #tpu.memory_space<vmem>>, vector<1x1x16xf32>,
        %parallel_loop3A_438 = vector.extract_strided_slice %parallel_loop3A_157 {offsets = [5], sizes = [1], strides = [1]} : vector<16xi32> to vector<1xi32>
        %parallel_loop3A_439 = vector.extract %parallel_loop3A_438[0] : i32 from vector<1xi32>
        %parallel_loop3A_440 = arith.constant 16 : i32
        %parallel_loop3A_441 = arith.muli %parallel_loop3A_150, %parallel_loop3A_440 : i32
        %parallel_loop3A_442 = arith.constant 5 : i32
        %parallel_loop3A_443 = arith.addi %parallel_loop3A_441, %parallel_loop3A_442 : i32
        %parallel_loop3A_444 = arith.index_cast %parallel_loop3A_439 : i32 to index
        %parallel_loop3A_445 = arith.constant 0 : index
        %parallel_loop3A_446 = tpu.vector_load %arg5[%parallel_loop3A_444, %parallel_loop3A_445] {strides = array<i32>} : memref<20x80xf32, #tpu.memory_space<vmem>>, vector<1x16xf32>,
        %parallel_loop3A_447 = vector.shape_cast %parallel_loop3A_446 : vector<1x16xf32> to vector<16xf32>
        %parallel_loop3A_448 = arith.index_cast %rem3A_52 : i32 to index
        %parallel_loop3A_449 = arith.index_cast %parallel_loop3A_443 : i32 to index
        %parallel_loop3A_450 = arith.constant 0 : index
        %parallel_loop3A_451 = tpu.vector_load %arg7[%parallel_loop3A_448, %parallel_loop3A_449, %parallel_loop3A_450] {strides = array<i32>} : memref<2x256x80xf32, #tpu.memory_space<vmem>>, vector<1x1x16xf32>,
        %parallel_loop3A_452 = vector.shape_cast %parallel_loop3A_451 : vector<1x1x16xf32> to vector<16xf32>
        %parallel_loop3A_453 = vector.shape_cast %parallel_loop3A_447 : vector<16xf32> to vector<1x1x16xf32>
        tpu.vector_store %arg7[%parallel_loop3A_448, %parallel_loop3A_449, %parallel_loop3A_450], %parallel_loop3A_453 {strides = array<i32>} : memref<2x256x80xf32, #tpu.memory_space<vmem>>, vector<1x1x16xf32>,
        %parallel_loop3A_454 = arith.index_cast %parallel_loop3A_439 : i32 to index
        %parallel_loop3A_455 = arith.constant 16 : index
        %parallel_loop3A_456 = tpu.vector_load %arg5[%parallel_loop3A_454, %parallel_loop3A_455] {strides = array<i32>} : memref<20x80xf32, #tpu.memory_space<vmem>>, vector<1x16xf32>,
        %parallel_loop3A_457 = vector.shape_cast %parallel_loop3A_456 : vector<1x16xf32> to vector<16xf32>
        %parallel_loop3A_458 = arith.index_cast %rem3A_52 : i32 to index
        %parallel_loop3A_459 = arith.index_cast %parallel_loop3A_443 : i32 to index
        %parallel_loop3A_460 = arith.constant 16 : index
        %parallel_loop3A_461 = tpu.vector_load %arg7[%parallel_loop3A_458, %parallel_loop3A_459, %parallel_loop3A_460] {strides = array<i32>} : memref<2x256x80xf32, #tpu.memory_space<vmem>>, vector<1x1x16xf32>,
        %parallel_loop3A_462 = vector.shape_cast %parallel_loop3A_461 : vector<1x1x16xf32> to vector<16xf32>
        %parallel_loop3A_463 = vector.shape_cast %parallel_loop3A_457 : vector<16xf32> to vector<1x1x16xf32>
        tpu.vector_store %arg7[%parallel_loop3A_458, %parallel_loop3A_459, %parallel_loop3A_460], %parallel_loop3A_463 {strides = array<i32>} : memref<2x256x80xf32, #tpu.memory_space<vmem>>, vector<1x1x16xf32>,
        %parallel_loop3A_464 = arith.index_cast %parallel_loop3A_439 : i32 to index
        %parallel_loop3A_465 = arith.constant 32 : index
        %parallel_loop3A_466 = tpu.vector_load %arg5[%parallel_loop3A_464, %parallel_loop3A_465] {strides = array<i32>} : memref<20x80xf32, #tpu.memory_space<vmem>>, vector<1x16xf32>,
        %parallel_loop3A_467 = vector.shape_cast %parallel_loop3A_466 : vector<1x16xf32> to vector<16xf32>
        %parallel_loop3A_468 = arith.index_cast %rem3A_52 : i32 to index
        %parallel_loop3A_469 = arith.index_cast %parallel_loop3A_443 : i32 to index
        %parallel_loop3A_470 = arith.constant 32 : index
        %parallel_loop3A_471 = tpu.vector_load %arg7[%parallel_loop3A_468, %parallel_loop3A_469, %parallel_loop3A_470] {strides = array<i32>} : memref<2x256x80xf32, #tpu.memory_space<vmem>>, vector<1x1x16xf32>,
        %parallel_loop3A_472 = vector.shape_cast %parallel_loop3A_471 : vector<1x1x16xf32> to vector<16xf32>
        %parallel_loop3A_473 = vector.shape_cast %parallel_loop3A_467 : vector<16xf32> to vector<1x1x16xf32>
        tpu.vector_store %arg7[%parallel_loop3A_468, %parallel_loop3A_469, %parallel_loop3A_470], %parallel_loop3A_473 {strides = array<i32>} : memref<2x256x80xf32, #tpu.memory_space<vmem>>, vector<1x1x16xf32>,
        %parallel_loop3A_474 = arith.index_cast %parallel_loop3A_439 : i32 to index
        %parallel_loop3A_475 = arith.constant 48 : index
        %parallel_loop3A_476 = tpu.vector_load %arg5[%parallel_loop3A_474, %parallel_loop3A_475] {strides = array<i32>} : memref<20x80xf32, #tpu.memory_space<vmem>>, vector<1x16xf32>,
        %parallel_loop3A_477 = vector.shape_cast %parallel_loop3A_476 : vector<1x16xf32> to vector<16xf32>
        %parallel_loop3A_478 = arith.index_cast %rem3A_52 : i32 to index
        %parallel_loop3A_479 = arith.index_cast %parallel_loop3A_443 : i32 to index
        %parallel_loop3A_480 = arith.constant 48 : index
        %parallel_loop3A_481 = tpu.vector_load %arg7[%parallel_loop3A_478, %parallel_loop3A_479, %parallel_loop3A_480] {strides = array<i32>} : memref<2x256x80xf32, #tpu.memory_space<vmem>>, vector<1x1x16xf32>,
        %parallel_loop3A_482 = vector.shape_cast %parallel_loop3A_481 : vector<1x1x16xf32> to vector<16xf32>
        %parallel_loop3A_483 = vector.shape_cast %parallel_loop3A_477 : vector<16xf32> to vector<1x1x16xf32>
        tpu.vector_store %arg7[%parallel_loop3A_478, %parallel_loop3A_479, %parallel_loop3A_480], %parallel_loop3A_483 {strides = array<i32>} : memref<2x256x80xf32, #tpu.memory_space<vmem>>, vector<1x1x16xf32>,
        %parallel_loop3A_484 = arith.index_cast %parallel_loop3A_439 : i32 to index
        %parallel_loop3A_485 = arith.constant 64 : index
        %parallel_loop3A_486 = tpu.vector_load %arg5[%parallel_loop3A_484, %parallel_loop3A_485] {strides = array<i32>} : memref<20x80xf32, #tpu.memory_space<vmem>>, vector<1x16xf32>,
        %parallel_loop3A_487 = vector.shape_cast %parallel_loop3A_486 : vector<1x16xf32> to vector<16xf32>
        %parallel_loop3A_488 = arith.index_cast %rem3A_52 : i32 to index
        %parallel_loop3A_489 = arith.index_cast %parallel_loop3A_443 : i32 to index
        %parallel_loop3A_490 = arith.constant 64 : index
        %parallel_loop3A_491 = tpu.vector_load %arg7[%parallel_loop3A_488, %parallel_loop3A_489, %parallel_loop3A_490] {strides = array<i32>} : memref<2x256x80xf32, #tpu.memory_space<vmem>>, vector<1x1x16xf32>,
        %parallel_loop3A_492 = vector.shape_cast %parallel_loop3A_491 : vector<1x1x16xf32> to vector<16xf32>
        %parallel_loop3A_493 = vector.shape_cast %parallel_loop3A_487 : vector<16xf32> to vector<1x1x16xf32>
        tpu.vector_store %arg7[%parallel_loop3A_488, %parallel_loop3A_489, %parallel_loop3A_490], %parallel_loop3A_493 {strides = array<i32>} : memref<2x256x80xf32, #tpu.memory_space<vmem>>, vector<1x1x16xf32>,
        %parallel_loop3A_494 = vector.extract_strided_slice %parallel_loop3A_157 {offsets = [6], sizes = [1], strides = [1]} : vector<16xi32> to vector<1xi32>
        %parallel_loop3A_495 = vector.extract %parallel_loop3A_494[0] : i32 from vector<1xi32>
        %parallel_loop3A_496 = arith.constant 16 : i32
        %parallel_loop3A_497 = arith.muli %parallel_loop3A_150, %parallel_loop3A_496 : i32
        %parallel_loop3A_498 = arith.constant 6 : i32
        %parallel_loop3A_499 = arith.addi %parallel_loop3A_497, %parallel_loop3A_498 : i32
        %parallel_loop3A_500 = arith.index_cast %parallel_loop3A_495 : i32 to index
        %parallel_loop3A_501 = arith.constant 0 : index
        %parallel_loop3A_502 = tpu.vector_load %arg5[%parallel_loop3A_500, %parallel_loop3A_501] {strides = array<i32>} : memref<20x80xf32, #tpu.memory_space<vmem>>, vector<1x16xf32>,
        %parallel_loop3A_503 = vector.shape_cast %parallel_loop3A_502 : vector<1x16xf32> to vector<16xf32>
        %parallel_loop3A_504 = arith.index_cast %rem3A_52 : i32 to index
        %parallel_loop3A_505 = arith.index_cast %parallel_loop3A_499 : i32 to index
        %parallel_loop3A_506 = arith.constant 0 : index
        %parallel_loop3A_507 = tpu.vector_load %arg7[%parallel_loop3A_504, %parallel_loop3A_505, %parallel_loop3A_506] {strides = array<i32>} : memref<2x256x80xf32, #tpu.memory_space<vmem>>, vector<1x1x16xf32>,
        %parallel_loop3A_508 = vector.shape_cast %parallel_loop3A_507 : vector<1x1x16xf32> to vector<16xf32>
        %parallel_loop3A_509 = vector.shape_cast %parallel_loop3A_503 : vector<16xf32> to vector<1x1x16xf32>
        tpu.vector_store %arg7[%parallel_loop3A_504, %parallel_loop3A_505, %parallel_loop3A_506], %parallel_loop3A_509 {strides = array<i32>} : memref<2x256x80xf32, #tpu.memory_space<vmem>>, vector<1x1x16xf32>,
        %parallel_loop3A_510 = arith.index_cast %parallel_loop3A_495 : i32 to index
        %parallel_loop3A_511 = arith.constant 16 : index
        %parallel_loop3A_512 = tpu.vector_load %arg5[%parallel_loop3A_510, %parallel_loop3A_511] {strides = array<i32>} : memref<20x80xf32, #tpu.memory_space<vmem>>, vector<1x16xf32>,
        %parallel_loop3A_513 = vector.shape_cast %parallel_loop3A_512 : vector<1x16xf32> to vector<16xf32>
        %parallel_loop3A_514 = arith.index_cast %rem3A_52 : i32 to index
        %parallel_loop3A_515 = arith.index_cast %parallel_loop3A_499 : i32 to index
        %parallel_loop3A_516 = arith.constant 16 : index
        %parallel_loop3A_517 = tpu.vector_load %arg7[%parallel_loop3A_514, %parallel_loop3A_515, %parallel_loop3A_516] {strides = array<i32>} : memref<2x256x80xf32, #tpu.memory_space<vmem>>, vector<1x1x16xf32>,
        %parallel_loop3A_518 = vector.shape_cast %parallel_loop3A_517 : vector<1x1x16xf32> to vector<16xf32>
        %parallel_loop3A_519 = vector.shape_cast %parallel_loop3A_513 : vector<16xf32> to vector<1x1x16xf32>
        tpu.vector_store %arg7[%parallel_loop3A_514, %parallel_loop3A_515, %parallel_loop3A_516], %parallel_loop3A_519 {strides = array<i32>} : memref<2x256x80xf32, #tpu.memory_space<vmem>>, vector<1x1x16xf32>,
        %parallel_loop3A_520 = arith.index_cast %parallel_loop3A_495 : i32 to index
        %parallel_loop3A_521 = arith.constant 32 : index
        %parallel_loop3A_522 = tpu.vector_load %arg5[%parallel_loop3A_520, %parallel_loop3A_521] {strides = array<i32>} : memref<20x80xf32, #tpu.memory_space<vmem>>, vector<1x16xf32>,
        %parallel_loop3A_523 = vector.shape_cast %parallel_loop3A_522 : vector<1x16xf32> to vector<16xf32>
        %parallel_loop3A_524 = arith.index_cast %rem3A_52 : i32 to index
        %parallel_loop3A_525 = arith.index_cast %parallel_loop3A_499 : i32 to index
        %parallel_loop3A_526 = arith.constant 32 : index
        %parallel_loop3A_527 = tpu.vector_load %arg7[%parallel_loop3A_524, %parallel_loop3A_525, %parallel_loop3A_526] {strides = array<i32>} : memref<2x256x80xf32, #tpu.memory_space<vmem>>, vector<1x1x16xf32>,
        %parallel_loop3A_528 = vector.shape_cast %parallel_loop3A_527 : vector<1x1x16xf32> to vector<16xf32>
        %parallel_loop3A_529 = vector.shape_cast %parallel_loop3A_523 : vector<16xf32> to vector<1x1x16xf32>
        tpu.vector_store %arg7[%parallel_loop3A_524, %parallel_loop3A_525, %parallel_loop3A_526], %parallel_loop3A_529 {strides = array<i32>} : memref<2x256x80xf32, #tpu.memory_space<vmem>>, vector<1x1x16xf32>,
        %parallel_loop3A_530 = arith.index_cast %parallel_loop3A_495 : i32 to index
        %parallel_loop3A_531 = arith.constant 48 : index
        %parallel_loop3A_532 = tpu.vector_load %arg5[%parallel_loop3A_530, %parallel_loop3A_531] {strides = array<i32>} : memref<20x80xf32, #tpu.memory_space<vmem>>, vector<1x16xf32>,
        %parallel_loop3A_533 = vector.shape_cast %parallel_loop3A_532 : vector<1x16xf32> to vector<16xf32>
        %parallel_loop3A_534 = arith.index_cast %rem3A_52 : i32 to index
        %parallel_loop3A_535 = arith.index_cast %parallel_loop3A_499 : i32 to index
        %parallel_loop3A_536 = arith.constant 48 : index
        %parallel_loop3A_537 = tpu.vector_load %arg7[%parallel_loop3A_534, %parallel_loop3A_535, %parallel_loop3A_536] {strides = array<i32>} : memref<2x256x80xf32, #tpu.memory_space<vmem>>, vector<1x1x16xf32>,
        %parallel_loop3A_538 = vector.shape_cast %parallel_loop3A_537 : vector<1x1x16xf32> to vector<16xf32>
        %parallel_loop3A_539 = vector.shape_cast %parallel_loop3A_533 : vector<16xf32> to vector<1x1x16xf32>
        tpu.vector_store %arg7[%parallel_loop3A_534, %parallel_loop3A_535, %parallel_loop3A_536], %parallel_loop3A_539 {strides = array<i32>} : memref<2x256x80xf32, #tpu.memory_space<vmem>>, vector<1x1x16xf32>,
        %parallel_loop3A_540 = arith.index_cast %parallel_loop3A_495 : i32 to index
        %parallel_loop3A_541 = arith.constant 64 : index
        %parallel_loop3A_542 = tpu.vector_load %arg5[%parallel_loop3A_540, %parallel_loop3A_541] {strides = array<i32>} : memref<20x80xf32, #tpu.memory_space<vmem>>, vector<1x16xf32>,
        %parallel_loop3A_543 = vector.shape_cast %parallel_loop3A_542 : vector<1x16xf32> to vector<16xf32>
        %parallel_loop3A_544 = arith.index_cast %rem3A_52 : i32 to index
        %parallel_loop3A_545 = arith.index_cast %parallel_loop3A_499 : i32 to index
        %parallel_loop3A_546 = arith.constant 64 : index
        %parallel_loop3A_547 = tpu.vector_load %arg7[%parallel_loop3A_544, %parallel_loop3A_545, %parallel_loop3A_546] {strides = array<i32>} : memref<2x256x80xf32, #tpu.memory_space<vmem>>, vector<1x1x16xf32>,
        %parallel_loop3A_548 = vector.shape_cast %parallel_loop3A_547 : vector<1x1x16xf32> to vector<16xf32>
        %parallel_loop3A_549 = vector.shape_cast %parallel_loop3A_543 : vector<16xf32> to vector<1x1x16xf32>
        tpu.vector_store %arg7[%parallel_loop3A_544, %parallel_loop3A_545, %parallel_loop3A_546], %parallel_loop3A_549 {strides = array<i32>} : memref<2x256x80xf32, #tpu.memory_space<vmem>>, vector<1x1x16xf32>,
        %parallel_loop3A_550 = vector.extract_strided_slice %parallel_loop3A_157 {offsets = [7], sizes = [1], strides = [1]} : vector<16xi32> to vector<1xi32>
        %parallel_loop3A_551 = vector.extract %parallel_loop3A_550[0] : i32 from vector<1xi32>
        %parallel_loop3A_552 = arith.constant 16 : i32
        %parallel_loop3A_553 = arith.muli %parallel_loop3A_150, %parallel_loop3A_552 : i32
        %parallel_loop3A_554 = arith.constant 7 : i32
        %parallel_loop3A_555 = arith.addi %parallel_loop3A_553, %parallel_loop3A_554 : i32
        %parallel_loop3A_556 = arith.index_cast %parallel_loop3A_551 : i32 to index
        %parallel_loop3A_557 = arith.constant 0 : index
        %parallel_loop3A_558 = tpu.vector_load %arg5[%parallel_loop3A_556, %parallel_loop3A_557] {strides = array<i32>} : memref<20x80xf32, #tpu.memory_space<vmem>>, vector<1x16xf32>,
        %parallel_loop3A_559 = vector.shape_cast %parallel_loop3A_558 : vector<1x16xf32> to vector<16xf32>
        %parallel_loop3A_560 = arith.index_cast %rem3A_52 : i32 to index
        %parallel_loop3A_561 = arith.index_cast %parallel_loop3A_555 : i32 to index
        %parallel_loop3A_562 = arith.constant 0 : index
        %parallel_loop3A_563 = tpu.vector_load %arg7[%parallel_loop3A_560, %parallel_loop3A_561, %parallel_loop3A_562] {strides = array<i32>} : memref<2x256x80xf32, #tpu.memory_space<vmem>>, vector<1x1x16xf32>,
        %parallel_loop3A_564 = vector.shape_cast %parallel_loop3A_563 : vector<1x1x16xf32> to vector<16xf32>
        %parallel_loop3A_565 = vector.shape_cast %parallel_loop3A_559 : vector<16xf32> to vector<1x1x16xf32>
        tpu.vector_store %arg7[%parallel_loop3A_560, %parallel_loop3A_561, %parallel_loop3A_562], %parallel_loop3A_565 {strides = array<i32>} : memref<2x256x80xf32, #tpu.memory_space<vmem>>, vector<1x1x16xf32>,
        %parallel_loop3A_566 = arith.index_cast %parallel_loop3A_551 : i32 to index
        %parallel_loop3A_567 = arith.constant 16 : index
        %parallel_loop3A_568 = tpu.vector_load %arg5[%parallel_loop3A_566, %parallel_loop3A_567] {strides = array<i32>} : memref<20x80xf32, #tpu.memory_space<vmem>>, vector<1x16xf32>,
        %parallel_loop3A_569 = vector.shape_cast %parallel_loop3A_568 : vector<1x16xf32> to vector<16xf32>
        %parallel_loop3A_570 = arith.index_cast %rem3A_52 : i32 to index
        %parallel_loop3A_571 = arith.index_cast %parallel_loop3A_555 : i32 to index
        %parallel_loop3A_572 = arith.constant 16 : index
        %parallel_loop3A_573 = tpu.vector_load %arg7[%parallel_loop3A_570, %parallel_loop3A_571, %parallel_loop3A_572] {strides = array<i32>} : memref<2x256x80xf32, #tpu.memory_space<vmem>>, vector<1x1x16xf32>,
        %parallel_loop3A_574 = vector.shape_cast %parallel_loop3A_573 : vector<1x1x16xf32> to vector<16xf32>
        %parallel_loop3A_575 = vector.shape_cast %parallel_loop3A_569 : vector<16xf32> to vector<1x1x16xf32>
        tpu.vector_store %arg7[%parallel_loop3A_570, %parallel_loop3A_571, %parallel_loop3A_572], %parallel_loop3A_575 {strides = array<i32>} : memref<2x256x80xf32, #tpu.memory_space<vmem>>, vector<1x1x16xf32>,
        %parallel_loop3A_576 = arith.index_cast %parallel_loop3A_551 : i32 to index
        %parallel_loop3A_577 = arith.constant 32 : index
        %parallel_loop3A_578 = tpu.vector_load %arg5[%parallel_loop3A_576, %parallel_loop3A_577] {strides = array<i32>} : memref<20x80xf32, #tpu.memory_space<vmem>>, vector<1x16xf32>,
        %parallel_loop3A_579 = vector.shape_cast %parallel_loop3A_578 : vector<1x16xf32> to vector<16xf32>
        %parallel_loop3A_580 = arith.index_cast %rem3A_52 : i32 to index
        %parallel_loop3A_581 = arith.index_cast %parallel_loop3A_555 : i32 to index
        %parallel_loop3A_582 = arith.constant 32 : index
        %parallel_loop3A_583 = tpu.vector_load %arg7[%parallel_loop3A_580, %parallel_loop3A_581, %parallel_loop3A_582] {strides = array<i32>} : memref<2x256x80xf32, #tpu.memory_space<vmem>>, vector<1x1x16xf32>,
        %parallel_loop3A_584 = vector.shape_cast %parallel_loop3A_583 : vector<1x1x16xf32> to vector<16xf32>
        %parallel_loop3A_585 = vector.shape_cast %parallel_loop3A_579 : vector<16xf32> to vector<1x1x16xf32>
        tpu.vector_store %arg7[%parallel_loop3A_580, %parallel_loop3A_581, %parallel_loop3A_582], %parallel_loop3A_585 {strides = array<i32>} : memref<2x256x80xf32, #tpu.memory_space<vmem>>, vector<1x1x16xf32>,
        %parallel_loop3A_586 = arith.index_cast %parallel_loop3A_551 : i32 to index
        %parallel_loop3A_587 = arith.constant 48 : index
        %parallel_loop3A_588 = tpu.vector_load %arg5[%parallel_loop3A_586, %parallel_loop3A_587] {strides = array<i32>} : memref<20x80xf32, #tpu.memory_space<vmem>>, vector<1x16xf32>,
        %parallel_loop3A_589 = vector.shape_cast %parallel_loop3A_588 : vector<1x16xf32> to vector<16xf32>
        %parallel_loop3A_590 = arith.index_cast %rem3A_52 : i32 to index
        %parallel_loop3A_591 = arith.index_cast %parallel_loop3A_555 : i32 to index
        %parallel_loop3A_592 = arith.constant 48 : index
        %parallel_loop3A_593 = tpu.vector_load %arg7[%parallel_loop3A_590, %parallel_loop3A_591, %parallel_loop3A_592] {strides = array<i32>} : memref<2x256x80xf32, #tpu.memory_space<vmem>>, vector<1x1x16xf32>,
        %parallel_loop3A_594 = vector.shape_cast %parallel_loop3A_593 : vector<1x1x16xf32> to vector<16xf32>
        %parallel_loop3A_595 = vector.shape_cast %parallel_loop3A_589 : vector<16xf32> to vector<1x1x16xf32>
        tpu.vector_store %arg7[%parallel_loop3A_590, %parallel_loop3A_591, %parallel_loop3A_592], %parallel_loop3A_595 {strides = array<i32>} : memref<2x256x80xf32, #tpu.memory_space<vmem>>, vector<1x1x16xf32>,
        %parallel_loop3A_596 = arith.index_cast %parallel_loop3A_551 : i32 to index
        %parallel_loop3A_597 = arith.constant 64 : index
        %parallel_loop3A_598 = tpu.vector_load %arg5[%parallel_loop3A_596, %parallel_loop3A_597] {strides = array<i32>} : memref<20x80xf32, #tpu.memory_space<vmem>>, vector<1x16xf32>,
        %parallel_loop3A_599 = vector.shape_cast %parallel_loop3A_598 : vector<1x16xf32> to vector<16xf32>
        %parallel_loop3A_600 = arith.index_cast %rem3A_52 : i32 to index
        %parallel_loop3A_601 = arith.index_cast %parallel_loop3A_555 : i32 to index
        %parallel_loop3A_602 = arith.constant 64 : index
        %parallel_loop3A_603 = tpu.vector_load %arg7[%parallel_loop3A_600, %parallel_loop3A_601, %parallel_loop3A_602] {strides = array<i32>} : memref<2x256x80xf32, #tpu.memory_space<vmem>>, vector<1x1x16xf32>,
        %parallel_loop3A_604 = vector.shape_cast %parallel_loop3A_603 : vector<1x1x16xf32> to vector<16xf32>
        %parallel_loop3A_605 = vector.shape_cast %parallel_loop3A_599 : vector<16xf32> to vector<1x1x16xf32>
        tpu.vector_store %arg7[%parallel_loop3A_600, %parallel_loop3A_601, %parallel_loop3A_602], %parallel_loop3A_605 {strides = array<i32>} : memref<2x256x80xf32, #tpu.memory_space<vmem>>, vector<1x1x16xf32>,
        %parallel_loop3A_606 = vector.extract_strided_slice %parallel_loop3A_157 {offsets = [8], sizes = [1], strides = [1]} : vector<16xi32> to vector<1xi32>
        %parallel_loop3A_607 = vector.extract %parallel_loop3A_606[0] : i32 from vector<1xi32>
        %parallel_loop3A_608 = arith.constant 16 : i32
        %parallel_loop3A_609 = arith.muli %parallel_loop3A_150, %parallel_loop3A_608 : i32
        %parallel_loop3A_610 = arith.constant 8 : i32
        %parallel_loop3A_611 = arith.addi %parallel_loop3A_609, %parallel_loop3A_610 : i32
        %parallel_loop3A_612 = arith.index_cast %parallel_loop3A_607 : i32 to index
        %parallel_loop3A_613 = arith.constant 0 : index
        %parallel_loop3A_614 = tpu.vector_load %arg5[%parallel_loop3A_612, %parallel_loop3A_613] {strides = array<i32>} : memref<20x80xf32, #tpu.memory_space<vmem>>, vector<1x16xf32>,
        %parallel_loop3A_615 = vector.shape_cast %parallel_loop3A_614 : vector<1x16xf32> to vector<16xf32>
        %parallel_loop3A_616 = arith.index_cast %rem3A_52 : i32 to index
        %parallel_loop3A_617 = arith.index_cast %parallel_loop3A_611 : i32 to index
        %parallel_loop3A_618 = arith.constant 0 : index
        %parallel_loop3A_619 = tpu.vector_load %arg7[%parallel_loop3A_616, %parallel_loop3A_617, %parallel_loop3A_618] {strides = array<i32>} : memref<2x256x80xf32, #tpu.memory_space<vmem>>, vector<1x1x16xf32>,
        %parallel_loop3A_620 = vector.shape_cast %parallel_loop3A_619 : vector<1x1x16xf32> to vector<16xf32>
        %parallel_loop3A_621 = vector.shape_cast %parallel_loop3A_615 : vector<16xf32> to vector<1x1x16xf32>
        tpu.vector_store %arg7[%parallel_loop3A_616, %parallel_loop3A_617, %parallel_loop3A_618], %parallel_loop3A_621 {strides = array<i32>} : memref<2x256x80xf32, #tpu.memory_space<vmem>>, vector<1x1x16xf32>,
        %parallel_loop3A_622 = arith.index_cast %parallel_loop3A_607 : i32 to index
        %parallel_loop3A_623 = arith.constant 16 : index
        %parallel_loop3A_624 = tpu.vector_load %arg5[%parallel_loop3A_622, %parallel_loop3A_623] {strides = array<i32>} : memref<20x80xf32, #tpu.memory_space<vmem>>, vector<1x16xf32>,
        %parallel_loop3A_625 = vector.shape_cast %parallel_loop3A_624 : vector<1x16xf32> to vector<16xf32>
        %parallel_loop3A_626 = arith.index_cast %rem3A_52 : i32 to index
        %parallel_loop3A_627 = arith.index_cast %parallel_loop3A_611 : i32 to index
        %parallel_loop3A_628 = arith.constant 16 : index
        %parallel_loop3A_629 = tpu.vector_load %arg7[%parallel_loop3A_626, %parallel_loop3A_627, %parallel_loop3A_628] {strides = array<i32>} : memref<2x256x80xf32, #tpu.memory_space<vmem>>, vector<1x1x16xf32>,
        %parallel_loop3A_630 = vector.shape_cast %parallel_loop3A_629 : vector<1x1x16xf32> to vector<16xf32>
        %parallel_loop3A_631 = vector.shape_cast %parallel_loop3A_625 : vector<16xf32> to vector<1x1x16xf32>
        tpu.vector_store %arg7[%parallel_loop3A_626, %parallel_loop3A_627, %parallel_loop3A_628], %parallel_loop3A_631 {strides = array<i32>} : memref<2x256x80xf32, #tpu.memory_space<vmem>>, vector<1x1x16xf32>,
        %parallel_loop3A_632 = arith.index_cast %parallel_loop3A_607 : i32 to index
        %parallel_loop3A_633 = arith.constant 32 : index
        %parallel_loop3A_634 = tpu.vector_load %arg5[%parallel_loop3A_632, %parallel_loop3A_633] {strides = array<i32>} : memref<20x80xf32, #tpu.memory_space<vmem>>, vector<1x16xf32>,
        %parallel_loop3A_635 = vector.shape_cast %parallel_loop3A_634 : vector<1x16xf32> to vector<16xf32>
        %parallel_loop3A_636 = arith.index_cast %rem3A_52 : i32 to index
        %parallel_loop3A_637 = arith.index_cast %parallel_loop3A_611 : i32 to index
        %parallel_loop3A_638 = arith.constant 32 : index
        %parallel_loop3A_639 = tpu.vector_load %arg7[%parallel_loop3A_636, %parallel_loop3A_637, %parallel_loop3A_638] {strides = array<i32>} : memref<2x256x80xf32, #tpu.memory_space<vmem>>, vector<1x1x16xf32>,
        %parallel_loop3A_640 = vector.shape_cast %parallel_loop3A_639 : vector<1x1x16xf32> to vector<16xf32>
        %parallel_loop3A_641 = vector.shape_cast %parallel_loop3A_635 : vector<16xf32> to vector<1x1x16xf32>
        tpu.vector_store %arg7[%parallel_loop3A_636, %parallel_loop3A_637, %parallel_loop3A_638], %parallel_loop3A_641 {strides = array<i32>} : memref<2x256x80xf32, #tpu.memory_space<vmem>>, vector<1x1x16xf32>,
        %parallel_loop3A_642 = arith.index_cast %parallel_loop3A_607 : i32 to index
        %parallel_loop3A_643 = arith.constant 48 : index
        %parallel_loop3A_644 = tpu.vector_load %arg5[%parallel_loop3A_642, %parallel_loop3A_643] {strides = array<i32>} : memref<20x80xf32, #tpu.memory_space<vmem>>, vector<1x16xf32>,
        %parallel_loop3A_645 = vector.shape_cast %parallel_loop3A_644 : vector<1x16xf32> to vector<16xf32>
        %parallel_loop3A_646 = arith.index_cast %rem3A_52 : i32 to index
        %parallel_loop3A_647 = arith.index_cast %parallel_loop3A_611 : i32 to index
        %parallel_loop3A_648 = arith.constant 48 : index
        %parallel_loop3A_649 = tpu.vector_load %arg7[%parallel_loop3A_646, %parallel_loop3A_647, %parallel_loop3A_648] {strides = array<i32>} : memref<2x256x80xf32, #tpu.memory_space<vmem>>, vector<1x1x16xf32>,
        %parallel_loop3A_650 = vector.shape_cast %parallel_loop3A_649 : vector<1x1x16xf32> to vector<16xf32>
        %parallel_loop3A_651 = vector.shape_cast %parallel_loop3A_645 : vector<16xf32> to vector<1x1x16xf32>
        tpu.vector_store %arg7[%parallel_loop3A_646, %parallel_loop3A_647, %parallel_loop3A_648], %parallel_loop3A_651 {strides = array<i32>} : memref<2x256x80xf32, #tpu.memory_space<vmem>>, vector<1x1x16xf32>,
        %parallel_loop3A_652 = arith.index_cast %parallel_loop3A_607 : i32 to index
        %parallel_loop3A_653 = arith.constant 64 : index
        %parallel_loop3A_654 = tpu.vector_load %arg5[%parallel_loop3A_652, %parallel_loop3A_653] {strides = array<i32>} : memref<20x80xf32, #tpu.memory_space<vmem>>, vector<1x16xf32>,
        %parallel_loop3A_655 = vector.shape_cast %parallel_loop3A_654 : vector<1x16xf32> to vector<16xf32>
        %parallel_loop3A_656 = arith.index_cast %rem3A_52 : i32 to index
        %parallel_loop3A_657 = arith.index_cast %parallel_loop3A_611 : i32 to index
        %parallel_loop3A_658 = arith.constant 64 : index
        %parallel_loop3A_659 = tpu.vector_load %arg7[%parallel_loop3A_656, %parallel_loop3A_657, %parallel_loop3A_658] {strides = array<i32>} : memref<2x256x80xf32, #tpu.memory_space<vmem>>, vector<1x1x16xf32>,
        %parallel_loop3A_660 = vector.shape_cast %parallel_loop3A_659 : vector<1x1x16xf32> to vector<16xf32>
        %parallel_loop3A_661 = vector.shape_cast %parallel_loop3A_655 : vector<16xf32> to vector<1x1x16xf32>
        tpu.vector_store %arg7[%parallel_loop3A_656, %parallel_loop3A_657, %parallel_loop3A_658], %parallel_loop3A_661 {strides = array<i32>} : memref<2x256x80xf32, #tpu.memory_space<vmem>>, vector<1x1x16xf32>,
        %parallel_loop3A_662 = vector.extract_strided_slice %parallel_loop3A_157 {offsets = [9], sizes = [1], strides = [1]} : vector<16xi32> to vector<1xi32>
        %parallel_loop3A_663 = vector.extract %parallel_loop3A_662[0] : i32 from vector<1xi32>
        %parallel_loop3A_664 = arith.constant 16 : i32
        %parallel_loop3A_665 = arith.muli %parallel_loop3A_150, %parallel_loop3A_664 : i32
        %parallel_loop3A_666 = arith.constant 9 : i32
        %parallel_loop3A_667 = arith.addi %parallel_loop3A_665, %parallel_loop3A_666 : i32
        %parallel_loop3A_668 = arith.index_cast %parallel_loop3A_663 : i32 to index
        %parallel_loop3A_669 = arith.constant 0 : index
        %parallel_loop3A_670 = tpu.vector_load %arg5[%parallel_loop3A_668, %parallel_loop3A_669] {strides = array<i32>} : memref<20x80xf32, #tpu.memory_space<vmem>>, vector<1x16xf32>,
        %parallel_loop3A_671 = vector.shape_cast %parallel_loop3A_670 : vector<1x16xf32> to vector<16xf32>
        %parallel_loop3A_672 = arith.index_cast %rem3A_52 : i32 to index
        %parallel_loop3A_673 = arith.index_cast %parallel_loop3A_667 : i32 to index
        %parallel_loop3A_674 = arith.constant 0 : index
        %parallel_loop3A_675 = tpu.vector_load %arg7[%parallel_loop3A_672, %parallel_loop3A_673, %parallel_loop3A_674] {strides = array<i32>} : memref<2x256x80xf32, #tpu.memory_space<vmem>>, vector<1x1x16xf32>,
        %parallel_loop3A_676 = vector.shape_cast %parallel_loop3A_675 : vector<1x1x16xf32> to vector<16xf32>
        %parallel_loop3A_677 = vector.shape_cast %parallel_loop3A_671 : vector<16xf32> to vector<1x1x16xf32>
        tpu.vector_store %arg7[%parallel_loop3A_672, %parallel_loop3A_673, %parallel_loop3A_674], %parallel_loop3A_677 {strides = array<i32>} : memref<2x256x80xf32, #tpu.memory_space<vmem>>, vector<1x1x16xf32>,
        %parallel_loop3A_678 = arith.index_cast %parallel_loop3A_663 : i32 to index
        %parallel_loop3A_679 = arith.constant 16 : index
        %parallel_loop3A_680 = tpu.vector_load %arg5[%parallel_loop3A_678, %parallel_loop3A_679] {strides = array<i32>} : memref<20x80xf32, #tpu.memory_space<vmem>>, vector<1x16xf32>,
        %parallel_loop3A_681 = vector.shape_cast %parallel_loop3A_680 : vector<1x16xf32> to vector<16xf32>
        %parallel_loop3A_682 = arith.index_cast %rem3A_52 : i32 to index
        %parallel_loop3A_683 = arith.index_cast %parallel_loop3A_667 : i32 to index
        %parallel_loop3A_684 = arith.constant 16 : index
        %parallel_loop3A_685 = tpu.vector_load %arg7[%parallel_loop3A_682, %parallel_loop3A_683, %parallel_loop3A_684] {strides = array<i32>} : memref<2x256x80xf32, #tpu.memory_space<vmem>>, vector<1x1x16xf32>,
        %parallel_loop3A_686 = vector.shape_cast %parallel_loop3A_685 : vector<1x1x16xf32> to vector<16xf32>
        %parallel_loop3A_687 = vector.shape_cast %parallel_loop3A_681 : vector<16xf32> to vector<1x1x16xf32>
        tpu.vector_store %arg7[%parallel_loop3A_682, %parallel_loop3A_683, %parallel_loop3A_684], %parallel_loop3A_687 {strides = array<i32>} : memref<2x256x80xf32, #tpu.memory_space<vmem>>, vector<1x1x16xf32>,
        %parallel_loop3A_688 = arith.index_cast %parallel_loop3A_663 : i32 to index
        %parallel_loop3A_689 = arith.constant 32 : index
        %parallel_loop3A_690 = tpu.vector_load %arg5[%parallel_loop3A_688, %parallel_loop3A_689] {strides = array<i32>} : memref<20x80xf32, #tpu.memory_space<vmem>>, vector<1x16xf32>,
        %parallel_loop3A_691 = vector.shape_cast %parallel_loop3A_690 : vector<1x16xf32> to vector<16xf32>
        %parallel_loop3A_692 = arith.index_cast %rem3A_52 : i32 to index
        %parallel_loop3A_693 = arith.index_cast %parallel_loop3A_667 : i32 to index
        %parallel_loop3A_694 = arith.constant 32 : index
        %parallel_loop3A_695 = tpu.vector_load %arg7[%parallel_loop3A_692, %parallel_loop3A_693, %parallel_loop3A_694] {strides = array<i32>} : memref<2x256x80xf32, #tpu.memory_space<vmem>>, vector<1x1x16xf32>,
        %parallel_loop3A_696 = vector.shape_cast %parallel_loop3A_695 : vector<1x1x16xf32> to vector<16xf32>
        %parallel_loop3A_697 = vector.shape_cast %parallel_loop3A_691 : vector<16xf32> to vector<1x1x16xf32>
        tpu.vector_store %arg7[%parallel_loop3A_692, %parallel_loop3A_693, %parallel_loop3A_694], %parallel_loop3A_697 {strides = array<i32>} : memref<2x256x80xf32, #tpu.memory_space<vmem>>, vector<1x1x16xf32>,
        %parallel_loop3A_698 = arith.index_cast %parallel_loop3A_663 : i32 to index
        %parallel_loop3A_699 = arith.constant 48 : index
        %parallel_loop3A_700 = tpu.vector_load %arg5[%parallel_loop3A_698, %parallel_loop3A_699] {strides = array<i32>} : memref<20x80xf32, #tpu.memory_space<vmem>>, vector<1x16xf32>,
        %parallel_loop3A_701 = vector.shape_cast %parallel_loop3A_700 : vector<1x16xf32> to vector<16xf32>
        %parallel_loop3A_702 = arith.index_cast %rem3A_52 : i32 to index
        %parallel_loop3A_703 = arith.index_cast %parallel_loop3A_667 : i32 to index
        %parallel_loop3A_704 = arith.constant 48 : index
        %parallel_loop3A_705 = tpu.vector_load %arg7[%parallel_loop3A_702, %parallel_loop3A_703, %parallel_loop3A_704] {strides = array<i32>} : memref<2x256x80xf32, #tpu.memory_space<vmem>>, vector<1x1x16xf32>,
        %parallel_loop3A_706 = vector.shape_cast %parallel_loop3A_705 : vector<1x1x16xf32> to vector<16xf32>
        %parallel_loop3A_707 = vector.shape_cast %parallel_loop3A_701 : vector<16xf32> to vector<1x1x16xf32>
        tpu.vector_store %arg7[%parallel_loop3A_702, %parallel_loop3A_703, %parallel_loop3A_704], %parallel_loop3A_707 {strides = array<i32>} : memref<2x256x80xf32, #tpu.memory_space<vmem>>, vector<1x1x16xf32>,
        %parallel_loop3A_708 = arith.index_cast %parallel_loop3A_663 : i32 to index
        %parallel_loop3A_709 = arith.constant 64 : index
        %parallel_loop3A_710 = tpu.vector_load %arg5[%parallel_loop3A_708, %parallel_loop3A_709] {strides = array<i32>} : memref<20x80xf32, #tpu.memory_space<vmem>>, vector<1x16xf32>,
        %parallel_loop3A_711 = vector.shape_cast %parallel_loop3A_710 : vector<1x16xf32> to vector<16xf32>
        %parallel_loop3A_712 = arith.index_cast %rem3A_52 : i32 to index
        %parallel_loop3A_713 = arith.index_cast %parallel_loop3A_667 : i32 to index
        %parallel_loop3A_714 = arith.constant 64 : index
        %parallel_loop3A_715 = tpu.vector_load %arg7[%parallel_loop3A_712, %parallel_loop3A_713, %parallel_loop3A_714] {strides = array<i32>} : memref<2x256x80xf32, #tpu.memory_space<vmem>>, vector<1x1x16xf32>,
        %parallel_loop3A_716 = vector.shape_cast %parallel_loop3A_715 : vector<1x1x16xf32> to vector<16xf32>
        %parallel_loop3A_717 = vector.shape_cast %parallel_loop3A_711 : vector<16xf32> to vector<1x1x16xf32>
        tpu.vector_store %arg7[%parallel_loop3A_712, %parallel_loop3A_713, %parallel_loop3A_714], %parallel_loop3A_717 {strides = array<i32>} : memref<2x256x80xf32, #tpu.memory_space<vmem>>, vector<1x1x16xf32>,
        %parallel_loop3A_718 = vector.extract_strided_slice %parallel_loop3A_157 {offsets = [10], sizes = [1], strides = [1]} : vector<16xi32> to vector<1xi32>
        %parallel_loop3A_719 = vector.extract %parallel_loop3A_718[0] : i32 from vector<1xi32>
        %parallel_loop3A_720 = arith.constant 16 : i32
        %parallel_loop3A_721 = arith.muli %parallel_loop3A_150, %parallel_loop3A_720 : i32
        %parallel_loop3A_722 = arith.constant 10 : i32
        %parallel_loop3A_723 = arith.addi %parallel_loop3A_721, %parallel_loop3A_722 : i32
        %parallel_loop3A_724 = arith.index_cast %parallel_loop3A_719 : i32 to index
        %parallel_loop3A_725 = arith.constant 0 : index
        %parallel_loop3A_726 = tpu.vector_load %arg5[%parallel_loop3A_724, %parallel_loop3A_725] {strides = array<i32>} : memref<20x80xf32, #tpu.memory_space<vmem>>, vector<1x16xf32>,
        %parallel_loop3A_727 = vector.shape_cast %parallel_loop3A_726 : vector<1x16xf32> to vector<16xf32>
        %parallel_loop3A_728 = arith.index_cast %rem3A_52 : i32 to index
        %parallel_loop3A_729 = arith.index_cast %parallel_loop3A_723 : i32 to index
        %parallel_loop3A_730 = arith.constant 0 : index
        %parallel_loop3A_731 = tpu.vector_load %arg7[%parallel_loop3A_728, %parallel_loop3A_729, %parallel_loop3A_730] {strides = array<i32>} : memref<2x256x80xf32, #tpu.memory_space<vmem>>, vector<1x1x16xf32>,
        %parallel_loop3A_732 = vector.shape_cast %parallel_loop3A_731 : vector<1x1x16xf32> to vector<16xf32>
        %parallel_loop3A_733 = vector.shape_cast %parallel_loop3A_727 : vector<16xf32> to vector<1x1x16xf32>
        tpu.vector_store %arg7[%parallel_loop3A_728, %parallel_loop3A_729, %parallel_loop3A_730], %parallel_loop3A_733 {strides = array<i32>} : memref<2x256x80xf32, #tpu.memory_space<vmem>>, vector<1x1x16xf32>,
        %parallel_loop3A_734 = arith.index_cast %parallel_loop3A_719 : i32 to index
        %parallel_loop3A_735 = arith.constant 16 : index
        %parallel_loop3A_736 = tpu.vector_load %arg5[%parallel_loop3A_734, %parallel_loop3A_735] {strides = array<i32>} : memref<20x80xf32, #tpu.memory_space<vmem>>, vector<1x16xf32>,
        %parallel_loop3A_737 = vector.shape_cast %parallel_loop3A_736 : vector<1x16xf32> to vector<16xf32>
        %parallel_loop3A_738 = arith.index_cast %rem3A_52 : i32 to index
        %parallel_loop3A_739 = arith.index_cast %parallel_loop3A_723 : i32 to index
        %parallel_loop3A_740 = arith.constant 16 : index
        %parallel_loop3A_741 = tpu.vector_load %arg7[%parallel_loop3A_738, %parallel_loop3A_739, %parallel_loop3A_740] {strides = array<i32>} : memref<2x256x80xf32, #tpu.memory_space<vmem>>, vector<1x1x16xf32>,
        %parallel_loop3A_742 = vector.shape_cast %parallel_loop3A_741 : vector<1x1x16xf32> to vector<16xf32>
        %parallel_loop3A_743 = vector.shape_cast %parallel_loop3A_737 : vector<16xf32> to vector<1x1x16xf32>
        tpu.vector_store %arg7[%parallel_loop3A_738, %parallel_loop3A_739, %parallel_loop3A_740], %parallel_loop3A_743 {strides = array<i32>} : memref<2x256x80xf32, #tpu.memory_space<vmem>>, vector<1x1x16xf32>,
        %parallel_loop3A_744 = arith.index_cast %parallel_loop3A_719 : i32 to index
        %parallel_loop3A_745 = arith.constant 32 : index
        %parallel_loop3A_746 = tpu.vector_load %arg5[%parallel_loop3A_744, %parallel_loop3A_745] {strides = array<i32>} : memref<20x80xf32, #tpu.memory_space<vmem>>, vector<1x16xf32>,
        %parallel_loop3A_747 = vector.shape_cast %parallel_loop3A_746 : vector<1x16xf32> to vector<16xf32>
        %parallel_loop3A_748 = arith.index_cast %rem3A_52 : i32 to index
        %parallel_loop3A_749 = arith.index_cast %parallel_loop3A_723 : i32 to index
        %parallel_loop3A_750 = arith.constant 32 : index
        %parallel_loop3A_751 = tpu.vector_load %arg7[%parallel_loop3A_748, %parallel_loop3A_749, %parallel_loop3A_750] {strides = array<i32>} : memref<2x256x80xf32, #tpu.memory_space<vmem>>, vector<1x1x16xf32>,
        %parallel_loop3A_752 = vector.shape_cast %parallel_loop3A_751 : vector<1x1x16xf32> to vector<16xf32>
        %parallel_loop3A_753 = vector.shape_cast %parallel_loop3A_747 : vector<16xf32> to vector<1x1x16xf32>
        tpu.vector_store %arg7[%parallel_loop3A_748, %parallel_loop3A_749, %parallel_loop3A_750], %parallel_loop3A_753 {strides = array<i32>} : memref<2x256x80xf32, #tpu.memory_space<vmem>>, vector<1x1x16xf32>,
        %parallel_loop3A_754 = arith.index_cast %parallel_loop3A_719 : i32 to index
        %parallel_loop3A_755 = arith.constant 48 : index
        %parallel_loop3A_756 = tpu.vector_load %arg5[%parallel_loop3A_754, %parallel_loop3A_755] {strides = array<i32>} : memref<20x80xf32, #tpu.memory_space<vmem>>, vector<1x16xf32>,
        %parallel_loop3A_757 = vector.shape_cast %parallel_loop3A_756 : vector<1x16xf32> to vector<16xf32>
        %parallel_loop3A_758 = arith.index_cast %rem3A_52 : i32 to index
        %parallel_loop3A_759 = arith.index_cast %parallel_loop3A_723 : i32 to index
        %parallel_loop3A_760 = arith.constant 48 : index
        %parallel_loop3A_761 = tpu.vector_load %arg7[%parallel_loop3A_758, %parallel_loop3A_759, %parallel_loop3A_760] {strides = array<i32>} : memref<2x256x80xf32, #tpu.memory_space<vmem>>, vector<1x1x16xf32>,
        %parallel_loop3A_762 = vector.shape_cast %parallel_loop3A_761 : vector<1x1x16xf32> to vector<16xf32>
        %parallel_loop3A_763 = vector.shape_cast %parallel_loop3A_757 : vector<16xf32> to vector<1x1x16xf32>
        tpu.vector_store %arg7[%parallel_loop3A_758, %parallel_loop3A_759, %parallel_loop3A_760], %parallel_loop3A_763 {strides = array<i32>} : memref<2x256x80xf32, #tpu.memory_space<vmem>>, vector<1x1x16xf32>,
        %parallel_loop3A_764 = arith.index_cast %parallel_loop3A_719 : i32 to index
        %parallel_loop3A_765 = arith.constant 64 : index
        %parallel_loop3A_766 = tpu.vector_load %arg5[%parallel_loop3A_764, %parallel_loop3A_765] {strides = array<i32>} : memref<20x80xf32, #tpu.memory_space<vmem>>, vector<1x16xf32>,
        %parallel_loop3A_767 = vector.shape_cast %parallel_loop3A_766 : vector<1x16xf32> to vector<16xf32>
        %parallel_loop3A_768 = arith.index_cast %rem3A_52 : i32 to index
        %parallel_loop3A_769 = arith.index_cast %parallel_loop3A_723 : i32 to index
        %parallel_loop3A_770 = arith.constant 64 : index
        %parallel_loop3A_771 = tpu.vector_load %arg7[%parallel_loop3A_768, %parallel_loop3A_769, %parallel_loop3A_770] {strides = array<i32>} : memref<2x256x80xf32, #tpu.memory_space<vmem>>, vector<1x1x16xf32>,
        %parallel_loop3A_772 = vector.shape_cast %parallel_loop3A_771 : vector<1x1x16xf32> to vector<16xf32>
        %parallel_loop3A_773 = vector.shape_cast %parallel_loop3A_767 : vector<16xf32> to vector<1x1x16xf32>
        tpu.vector_store %arg7[%parallel_loop3A_768, %parallel_loop3A_769, %parallel_loop3A_770], %parallel_loop3A_773 {strides = array<i32>} : memref<2x256x80xf32, #tpu.memory_space<vmem>>, vector<1x1x16xf32>,
        %parallel_loop3A_774 = vector.extract_strided_slice %parallel_loop3A_157 {offsets = [11], sizes = [1], strides = [1]} : vector<16xi32> to vector<1xi32>
        %parallel_loop3A_775 = vector.extract %parallel_loop3A_774[0] : i32 from vector<1xi32>
        %parallel_loop3A_776 = arith.constant 16 : i32
        %parallel_loop3A_777 = arith.muli %parallel_loop3A_150, %parallel_loop3A_776 : i32
        %parallel_loop3A_778 = arith.constant 11 : i32
        %parallel_loop3A_779 = arith.addi %parallel_loop3A_777, %parallel_loop3A_778 : i32
        %parallel_loop3A_780 = arith.index_cast %parallel_loop3A_775 : i32 to index
        %parallel_loop3A_781 = arith.constant 0 : index
        %parallel_loop3A_782 = tpu.vector_load %arg5[%parallel_loop3A_780, %parallel_loop3A_781] {strides = array<i32>} : memref<20x80xf32, #tpu.memory_space<vmem>>, vector<1x16xf32>,
        %parallel_loop3A_783 = vector.shape_cast %parallel_loop3A_782 : vector<1x16xf32> to vector<16xf32>
        %parallel_loop3A_784 = arith.index_cast %rem3A_52 : i32 to index
        %parallel_loop3A_785 = arith.index_cast %parallel_loop3A_779 : i32 to index
        %parallel_loop3A_786 = arith.constant 0 : index
        %parallel_loop3A_787 = tpu.vector_load %arg7[%parallel_loop3A_784, %parallel_loop3A_785, %parallel_loop3A_786] {strides = array<i32>} : memref<2x256x80xf32, #tpu.memory_space<vmem>>, vector<1x1x16xf32>,
        %parallel_loop3A_788 = vector.shape_cast %parallel_loop3A_787 : vector<1x1x16xf32> to vector<16xf32>
        %parallel_loop3A_789 = vector.shape_cast %parallel_loop3A_783 : vector<16xf32> to vector<1x1x16xf32>
        tpu.vector_store %arg7[%parallel_loop3A_784, %parallel_loop3A_785, %parallel_loop3A_786], %parallel_loop3A_789 {strides = array<i32>} : memref<2x256x80xf32, #tpu.memory_space<vmem>>, vector<1x1x16xf32>,
        %parallel_loop3A_790 = arith.index_cast %parallel_loop3A_775 : i32 to index
        %parallel_loop3A_791 = arith.constant 16 : index
        %parallel_loop3A_792 = tpu.vector_load %arg5[%parallel_loop3A_790, %parallel_loop3A_791] {strides = array<i32>} : memref<20x80xf32, #tpu.memory_space<vmem>>, vector<1x16xf32>,
        %parallel_loop3A_793 = vector.shape_cast %parallel_loop3A_792 : vector<1x16xf32> to vector<16xf32>
        %parallel_loop3A_794 = arith.index_cast %rem3A_52 : i32 to index
        %parallel_loop3A_795 = arith.index_cast %parallel_loop3A_779 : i32 to index
        %parallel_loop3A_796 = arith.constant 16 : index
        %parallel_loop3A_797 = tpu.vector_load %arg7[%parallel_loop3A_794, %parallel_loop3A_795, %parallel_loop3A_796] {strides = array<i32>} : memref<2x256x80xf32, #tpu.memory_space<vmem>>, vector<1x1x16xf32>,
        %parallel_loop3A_798 = vector.shape_cast %parallel_loop3A_797 : vector<1x1x16xf32> to vector<16xf32>
        %parallel_loop3A_799 = vector.shape_cast %parallel_loop3A_793 : vector<16xf32> to vector<1x1x16xf32>
        tpu.vector_store %arg7[%parallel_loop3A_794, %parallel_loop3A_795, %parallel_loop3A_796], %parallel_loop3A_799 {strides = array<i32>} : memref<2x256x80xf32, #tpu.memory_space<vmem>>, vector<1x1x16xf32>,
        %parallel_loop3A_800 = arith.index_cast %parallel_loop3A_775 : i32 to index
        %parallel_loop3A_801 = arith.constant 32 : index
        %parallel_loop3A_802 = tpu.vector_load %arg5[%parallel_loop3A_800, %parallel_loop3A_801] {strides = array<i32>} : memref<20x80xf32, #tpu.memory_space<vmem>>, vector<1x16xf32>,
        %parallel_loop3A_803 = vector.shape_cast %parallel_loop3A_802 : vector<1x16xf32> to vector<16xf32>
        %parallel_loop3A_804 = arith.index_cast %rem3A_52 : i32 to index
        %parallel_loop3A_805 = arith.index_cast %parallel_loop3A_779 : i32 to index
        %parallel_loop3A_806 = arith.constant 32 : index
        %parallel_loop3A_807 = tpu.vector_load %arg7[%parallel_loop3A_804, %parallel_loop3A_805, %parallel_loop3A_806] {strides = array<i32>} : memref<2x256x80xf32, #tpu.memory_space<vmem>>, vector<1x1x16xf32>,
        %parallel_loop3A_808 = vector.shape_cast %parallel_loop3A_807 : vector<1x1x16xf32> to vector<16xf32>
        %parallel_loop3A_809 = vector.shape_cast %parallel_loop3A_803 : vector<16xf32> to vector<1x1x16xf32>
        tpu.vector_store %arg7[%parallel_loop3A_804, %parallel_loop3A_805, %parallel_loop3A_806], %parallel_loop3A_809 {strides = array<i32>} : memref<2x256x80xf32, #tpu.memory_space<vmem>>, vector<1x1x16xf32>,
        %parallel_loop3A_810 = arith.index_cast %parallel_loop3A_775 : i32 to index
        %parallel_loop3A_811 = arith.constant 48 : index
        %parallel_loop3A_812 = tpu.vector_load %arg5[%parallel_loop3A_810, %parallel_loop3A_811] {strides = array<i32>} : memref<20x80xf32, #tpu.memory_space<vmem>>, vector<1x16xf32>,
        %parallel_loop3A_813 = vector.shape_cast %parallel_loop3A_812 : vector<1x16xf32> to vector<16xf32>
        %parallel_loop3A_814 = arith.index_cast %rem3A_52 : i32 to index
        %parallel_loop3A_815 = arith.index_cast %parallel_loop3A_779 : i32 to index
        %parallel_loop3A_816 = arith.constant 48 : index
        %parallel_loop3A_817 = tpu.vector_load %arg7[%parallel_loop3A_814, %parallel_loop3A_815, %parallel_loop3A_816] {strides = array<i32>} : memref<2x256x80xf32, #tpu.memory_space<vmem>>, vector<1x1x16xf32>,
        %parallel_loop3A_818 = vector.shape_cast %parallel_loop3A_817 : vector<1x1x16xf32> to vector<16xf32>
        %parallel_loop3A_819 = vector.shape_cast %parallel_loop3A_813 : vector<16xf32> to vector<1x1x16xf32>
        tpu.vector_store %arg7[%parallel_loop3A_814, %parallel_loop3A_815, %parallel_loop3A_816], %parallel_loop3A_819 {strides = array<i32>} : memref<2x256x80xf32, #tpu.memory_space<vmem>>, vector<1x1x16xf32>,
        %parallel_loop3A_820 = arith.index_cast %parallel_loop3A_775 : i32 to index
        %parallel_loop3A_821 = arith.constant 64 : index
        %parallel_loop3A_822 = tpu.vector_load %arg5[%parallel_loop3A_820, %parallel_loop3A_821] {strides = array<i32>} : memref<20x80xf32, #tpu.memory_space<vmem>>, vector<1x16xf32>,
        %parallel_loop3A_823 = vector.shape_cast %parallel_loop3A_822 : vector<1x16xf32> to vector<16xf32>
        %parallel_loop3A_824 = arith.index_cast %rem3A_52 : i32 to index
        %parallel_loop3A_825 = arith.index_cast %parallel_loop3A_779 : i32 to index
        %parallel_loop3A_826 = arith.constant 64 : index
        %parallel_loop3A_827 = tpu.vector_load %arg7[%parallel_loop3A_824, %parallel_loop3A_825, %parallel_loop3A_826] {strides = array<i32>} : memref<2x256x80xf32, #tpu.memory_space<vmem>>, vector<1x1x16xf32>,
        %parallel_loop3A_828 = vector.shape_cast %parallel_loop3A_827 : vector<1x1x16xf32> to vector<16xf32>
        %parallel_loop3A_829 = vector.shape_cast %parallel_loop3A_823 : vector<16xf32> to vector<1x1x16xf32>
        tpu.vector_store %arg7[%parallel_loop3A_824, %parallel_loop3A_825, %parallel_loop3A_826], %parallel_loop3A_829 {strides = array<i32>} : memref<2x256x80xf32, #tpu.memory_space<vmem>>, vector<1x1x16xf32>,
        %parallel_loop3A_830 = vector.extract_strided_slice %parallel_loop3A_157 {offsets = [12], sizes = [1], strides = [1]} : vector<16xi32> to vector<1xi32>
        %parallel_loop3A_831 = vector.extract %parallel_loop3A_830[0] : i32 from vector<1xi32>
        %parallel_loop3A_832 = arith.constant 16 : i32
        %parallel_loop3A_833 = arith.muli %parallel_loop3A_150, %parallel_loop3A_832 : i32
        %parallel_loop3A_834 = arith.constant 12 : i32
        %parallel_loop3A_835 = arith.addi %parallel_loop3A_833, %parallel_loop3A_834 : i32
        %parallel_loop3A_836 = arith.index_cast %parallel_loop3A_831 : i32 to index
        %parallel_loop3A_837 = arith.constant 0 : index
        %parallel_loop3A_838 = tpu.vector_load %arg5[%parallel_loop3A_836, %parallel_loop3A_837] {strides = array<i32>} : memref<20x80xf32, #tpu.memory_space<vmem>>, vector<1x16xf32>,
        %parallel_loop3A_839 = vector.shape_cast %parallel_loop3A_838 : vector<1x16xf32> to vector<16xf32>
        %parallel_loop3A_840 = arith.index_cast %rem3A_52 : i32 to index
        %parallel_loop3A_841 = arith.index_cast %parallel_loop3A_835 : i32 to index
        %parallel_loop3A_842 = arith.constant 0 : index
        %parallel_loop3A_843 = tpu.vector_load %arg7[%parallel_loop3A_840, %parallel_loop3A_841, %parallel_loop3A_842] {strides = array<i32>} : memref<2x256x80xf32, #tpu.memory_space<vmem>>, vector<1x1x16xf32>,
        %parallel_loop3A_844 = vector.shape_cast %parallel_loop3A_843 : vector<1x1x16xf32> to vector<16xf32>
        %parallel_loop3A_845 = vector.shape_cast %parallel_loop3A_839 : vector<16xf32> to vector<1x1x16xf32>
        tpu.vector_store %arg7[%parallel_loop3A_840, %parallel_loop3A_841, %parallel_loop3A_842], %parallel_loop3A_845 {strides = array<i32>} : memref<2x256x80xf32, #tpu.memory_space<vmem>>, vector<1x1x16xf32>,
        %parallel_loop3A_846 = arith.index_cast %parallel_loop3A_831 : i32 to index
        %parallel_loop3A_847 = arith.constant 16 : index
        %parallel_loop3A_848 = tpu.vector_load %arg5[%parallel_loop3A_846, %parallel_loop3A_847] {strides = array<i32>} : memref<20x80xf32, #tpu.memory_space<vmem>>, vector<1x16xf32>,
        %parallel_loop3A_849 = vector.shape_cast %parallel_loop3A_848 : vector<1x16xf32> to vector<16xf32>
        %parallel_loop3A_850 = arith.index_cast %rem3A_52 : i32 to index
        %parallel_loop3A_851 = arith.index_cast %parallel_loop3A_835 : i32 to index
        %parallel_loop3A_852 = arith.constant 16 : index
        %parallel_loop3A_853 = tpu.vector_load %arg7[%parallel_loop3A_850, %parallel_loop3A_851, %parallel_loop3A_852] {strides = array<i32>} : memref<2x256x80xf32, #tpu.memory_space<vmem>>, vector<1x1x16xf32>,
        %parallel_loop3A_854 = vector.shape_cast %parallel_loop3A_853 : vector<1x1x16xf32> to vector<16xf32>
        %parallel_loop3A_855 = vector.shape_cast %parallel_loop3A_849 : vector<16xf32> to vector<1x1x16xf32>
        tpu.vector_store %arg7[%parallel_loop3A_850, %parallel_loop3A_851, %parallel_loop3A_852], %parallel_loop3A_855 {strides = array<i32>} : memref<2x256x80xf32, #tpu.memory_space<vmem>>, vector<1x1x16xf32>,
        %parallel_loop3A_856 = arith.index_cast %parallel_loop3A_831 : i32 to index
        %parallel_loop3A_857 = arith.constant 32 : index
        %parallel_loop3A_858 = tpu.vector_load %arg5[%parallel_loop3A_856, %parallel_loop3A_857] {strides = array<i32>} : memref<20x80xf32, #tpu.memory_space<vmem>>, vector<1x16xf32>,
        %parallel_loop3A_859 = vector.shape_cast %parallel_loop3A_858 : vector<1x16xf32> to vector<16xf32>
        %parallel_loop3A_860 = arith.index_cast %rem3A_52 : i32 to index
        %parallel_loop3A_861 = arith.index_cast %parallel_loop3A_835 : i32 to index
        %parallel_loop3A_862 = arith.constant 32 : index
        %parallel_loop3A_863 = tpu.vector_load %arg7[%parallel_loop3A_860, %parallel_loop3A_861, %parallel_loop3A_862] {strides = array<i32>} : memref<2x256x80xf32, #tpu.memory_space<vmem>>, vector<1x1x16xf32>,
        %parallel_loop3A_864 = vector.shape_cast %parallel_loop3A_863 : vector<1x1x16xf32> to vector<16xf32>
        %parallel_loop3A_865 = vector.shape_cast %parallel_loop3A_859 : vector<16xf32> to vector<1x1x16xf32>
        tpu.vector_store %arg7[%parallel_loop3A_860, %parallel_loop3A_861, %parallel_loop3A_862], %parallel_loop3A_865 {strides = array<i32>} : memref<2x256x80xf32, #tpu.memory_space<vmem>>, vector<1x1x16xf32>,
        %parallel_loop3A_866 = arith.index_cast %parallel_loop3A_831 : i32 to index
        %parallel_loop3A_867 = arith.constant 48 : index
        %parallel_loop3A_868 = tpu.vector_load %arg5[%parallel_loop3A_866, %parallel_loop3A_867] {strides = array<i32>} : memref<20x80xf32, #tpu.memory_space<vmem>>, vector<1x16xf32>,
        %parallel_loop3A_869 = vector.shape_cast %parallel_loop3A_868 : vector<1x16xf32> to vector<16xf32>
        %parallel_loop3A_870 = arith.index_cast %rem3A_52 : i32 to index
        %parallel_loop3A_871 = arith.index_cast %parallel_loop3A_835 : i32 to index
        %parallel_loop3A_872 = arith.constant 48 : index
        %parallel_loop3A_873 = tpu.vector_load %arg7[%parallel_loop3A_870, %parallel_loop3A_871, %parallel_loop3A_872] {strides = array<i32>} : memref<2x256x80xf32, #tpu.memory_space<vmem>>, vector<1x1x16xf32>,
        %parallel_loop3A_874 = vector.shape_cast %parallel_loop3A_873 : vector<1x1x16xf32> to vector<16xf32>
        %parallel_loop3A_875 = vector.shape_cast %parallel_loop3A_869 : vector<16xf32> to vector<1x1x16xf32>
        tpu.vector_store %arg7[%parallel_loop3A_870, %parallel_loop3A_871, %parallel_loop3A_872], %parallel_loop3A_875 {strides = array<i32>} : memref<2x256x80xf32, #tpu.memory_space<vmem>>, vector<1x1x16xf32>,
        %parallel_loop3A_876 = arith.index_cast %parallel_loop3A_831 : i32 to index
        %parallel_loop3A_877 = arith.constant 64 : index
        %parallel_loop3A_878 = tpu.vector_load %arg5[%parallel_loop3A_876, %parallel_loop3A_877] {strides = array<i32>} : memref<20x80xf32, #tpu.memory_space<vmem>>, vector<1x16xf32>,
        %parallel_loop3A_879 = vector.shape_cast %parallel_loop3A_878 : vector<1x16xf32> to vector<16xf32>
        %parallel_loop3A_880 = arith.index_cast %rem3A_52 : i32 to index
        %parallel_loop3A_881 = arith.index_cast %parallel_loop3A_835 : i32 to index
        %parallel_loop3A_882 = arith.constant 64 : index
        %parallel_loop3A_883 = tpu.vector_load %arg7[%parallel_loop3A_880, %parallel_loop3A_881, %parallel_loop3A_882] {strides = array<i32>} : memref<2x256x80xf32, #tpu.memory_space<vmem>>, vector<1x1x16xf32>,
        %parallel_loop3A_884 = vector.shape_cast %parallel_loop3A_883 : vector<1x1x16xf32> to vector<16xf32>
        %parallel_loop3A_885 = vector.shape_cast %parallel_loop3A_879 : vector<16xf32> to vector<1x1x16xf32>
        tpu.vector_store %arg7[%parallel_loop3A_880, %parallel_loop3A_881, %parallel_loop3A_882], %parallel_loop3A_885 {strides = array<i32>} : memref<2x256x80xf32, #tpu.memory_space<vmem>>, vector<1x1x16xf32>,
        %parallel_loop3A_886 = vector.extract_strided_slice %parallel_loop3A_157 {offsets = [13], sizes = [1], strides = [1]} : vector<16xi32> to vector<1xi32>
        %parallel_loop3A_887 = vector.extract %parallel_loop3A_886[0] : i32 from vector<1xi32>
        %parallel_loop3A_888 = arith.constant 16 : i32
        %parallel_loop3A_889 = arith.muli %parallel_loop3A_150, %parallel_loop3A_888 : i32
        %parallel_loop3A_890 = arith.constant 13 : i32
        %parallel_loop3A_891 = arith.addi %parallel_loop3A_889, %parallel_loop3A_890 : i32
        %parallel_loop3A_892 = arith.index_cast %parallel_loop3A_887 : i32 to index
        %parallel_loop3A_893 = arith.constant 0 : index
        %parallel_loop3A_894 = tpu.vector_load %arg5[%parallel_loop3A_892, %parallel_loop3A_893] {strides = array<i32>} : memref<20x80xf32, #tpu.memory_space<vmem>>, vector<1x16xf32>,
        %parallel_loop3A_895 = vector.shape_cast %parallel_loop3A_894 : vector<1x16xf32> to vector<16xf32>
        %parallel_loop3A_896 = arith.index_cast %rem3A_52 : i32 to index
        %parallel_loop3A_897 = arith.index_cast %parallel_loop3A_891 : i32 to index
        %parallel_loop3A_898 = arith.constant 0 : index
        %parallel_loop3A_899 = tpu.vector_load %arg7[%parallel_loop3A_896, %parallel_loop3A_897, %parallel_loop3A_898] {strides = array<i32>} : memref<2x256x80xf32, #tpu.memory_space<vmem>>, vector<1x1x16xf32>,
        %parallel_loop3A_900 = vector.shape_cast %parallel_loop3A_899 : vector<1x1x16xf32> to vector<16xf32>
        %parallel_loop3A_901 = vector.shape_cast %parallel_loop3A_895 : vector<16xf32> to vector<1x1x16xf32>
        tpu.vector_store %arg7[%parallel_loop3A_896, %parallel_loop3A_897, %parallel_loop3A_898], %parallel_loop3A_901 {strides = array<i32>} : memref<2x256x80xf32, #tpu.memory_space<vmem>>, vector<1x1x16xf32>,
        %parallel_loop3A_902 = arith.index_cast %parallel_loop3A_887 : i32 to index
        %parallel_loop3A_903 = arith.constant 16 : index
        %parallel_loop3A_904 = tpu.vector_load %arg5[%parallel_loop3A_902, %parallel_loop3A_903] {strides = array<i32>} : memref<20x80xf32, #tpu.memory_space<vmem>>, vector<1x16xf32>,
        %parallel_loop3A_905 = vector.shape_cast %parallel_loop3A_904 : vector<1x16xf32> to vector<16xf32>
        %parallel_loop3A_906 = arith.index_cast %rem3A_52 : i32 to index
        %parallel_loop3A_907 = arith.index_cast %parallel_loop3A_891 : i32 to index
        %parallel_loop3A_908 = arith.constant 16 : index
        %parallel_loop3A_909 = tpu.vector_load %arg7[%parallel_loop3A_906, %parallel_loop3A_907, %parallel_loop3A_908] {strides = array<i32>} : memref<2x256x80xf32, #tpu.memory_space<vmem>>, vector<1x1x16xf32>,
        %parallel_loop3A_910 = vector.shape_cast %parallel_loop3A_909 : vector<1x1x16xf32> to vector<16xf32>
        %parallel_loop3A_911 = vector.shape_cast %parallel_loop3A_905 : vector<16xf32> to vector<1x1x16xf32>
        tpu.vector_store %arg7[%parallel_loop3A_906, %parallel_loop3A_907, %parallel_loop3A_908], %parallel_loop3A_911 {strides = array<i32>} : memref<2x256x80xf32, #tpu.memory_space<vmem>>, vector<1x1x16xf32>,
        %parallel_loop3A_912 = arith.index_cast %parallel_loop3A_887 : i32 to index
        %parallel_loop3A_913 = arith.constant 32 : index
        %parallel_loop3A_914 = tpu.vector_load %arg5[%parallel_loop3A_912, %parallel_loop3A_913] {strides = array<i32>} : memref<20x80xf32, #tpu.memory_space<vmem>>, vector<1x16xf32>,
        %parallel_loop3A_915 = vector.shape_cast %parallel_loop3A_914 : vector<1x16xf32> to vector<16xf32>
        %parallel_loop3A_916 = arith.index_cast %rem3A_52 : i32 to index
        %parallel_loop3A_917 = arith.index_cast %parallel_loop3A_891 : i32 to index
        %parallel_loop3A_918 = arith.constant 32 : index
        %parallel_loop3A_919 = tpu.vector_load %arg7[%parallel_loop3A_916, %parallel_loop3A_917, %parallel_loop3A_918] {strides = array<i32>} : memref<2x256x80xf32, #tpu.memory_space<vmem>>, vector<1x1x16xf32>,
        %parallel_loop3A_920 = vector.shape_cast %parallel_loop3A_919 : vector<1x1x16xf32> to vector<16xf32>
        %parallel_loop3A_921 = vector.shape_cast %parallel_loop3A_915 : vector<16xf32> to vector<1x1x16xf32>
        tpu.vector_store %arg7[%parallel_loop3A_916, %parallel_loop3A_917, %parallel_loop3A_918], %parallel_loop3A_921 {strides = array<i32>} : memref<2x256x80xf32, #tpu.memory_space<vmem>>, vector<1x1x16xf32>,
        %parallel_loop3A_922 = arith.index_cast %parallel_loop3A_887 : i32 to index
        %parallel_loop3A_923 = arith.constant 48 : index
        %parallel_loop3A_924 = tpu.vector_load %arg5[%parallel_loop3A_922, %parallel_loop3A_923] {strides = array<i32>} : memref<20x80xf32, #tpu.memory_space<vmem>>, vector<1x16xf32>,
        %parallel_loop3A_925 = vector.shape_cast %parallel_loop3A_924 : vector<1x16xf32> to vector<16xf32>
        %parallel_loop3A_926 = arith.index_cast %rem3A_52 : i32 to index
        %parallel_loop3A_927 = arith.index_cast %parallel_loop3A_891 : i32 to index
        %parallel_loop3A_928 = arith.constant 48 : index
        %parallel_loop3A_929 = tpu.vector_load %arg7[%parallel_loop3A_926, %parallel_loop3A_927, %parallel_loop3A_928] {strides = array<i32>} : memref<2x256x80xf32, #tpu.memory_space<vmem>>, vector<1x1x16xf32>,
        %parallel_loop3A_930 = vector.shape_cast %parallel_loop3A_929 : vector<1x1x16xf32> to vector<16xf32>
        %parallel_loop3A_931 = vector.shape_cast %parallel_loop3A_925 : vector<16xf32> to vector<1x1x16xf32>
        tpu.vector_store %arg7[%parallel_loop3A_926, %parallel_loop3A_927, %parallel_loop3A_928], %parallel_loop3A_931 {strides = array<i32>} : memref<2x256x80xf32, #tpu.memory_space<vmem>>, vector<1x1x16xf32>,
        %parallel_loop3A_932 = arith.index_cast %parallel_loop3A_887 : i32 to index
        %parallel_loop3A_933 = arith.constant 64 : index
        %parallel_loop3A_934 = tpu.vector_load %arg5[%parallel_loop3A_932, %parallel_loop3A_933] {strides = array<i32>} : memref<20x80xf32, #tpu.memory_space<vmem>>, vector<1x16xf32>,
        %parallel_loop3A_935 = vector.shape_cast %parallel_loop3A_934 : vector<1x16xf32> to vector<16xf32>
        %parallel_loop3A_936 = arith.index_cast %rem3A_52 : i32 to index
        %parallel_loop3A_937 = arith.index_cast %parallel_loop3A_891 : i32 to index
        %parallel_loop3A_938 = arith.constant 64 : index
        %parallel_loop3A_939 = tpu.vector_load %arg7[%parallel_loop3A_936, %parallel_loop3A_937, %parallel_loop3A_938] {strides = array<i32>} : memref<2x256x80xf32, #tpu.memory_space<vmem>>, vector<1x1x16xf32>,
        %parallel_loop3A_940 = vector.shape_cast %parallel_loop3A_939 : vector<1x1x16xf32> to vector<16xf32>
        %parallel_loop3A_941 = vector.shape_cast %parallel_loop3A_935 : vector<16xf32> to vector<1x1x16xf32>
        tpu.vector_store %arg7[%parallel_loop3A_936, %parallel_loop3A_937, %parallel_loop3A_938], %parallel_loop3A_941 {strides = array<i32>} : memref<2x256x80xf32, #tpu.memory_space<vmem>>, vector<1x1x16xf32>,
        %parallel_loop3A_942 = vector.extract_strided_slice %parallel_loop3A_157 {offsets = [14], sizes = [1], strides = [1]} : vector<16xi32> to vector<1xi32>
        %parallel_loop3A_943 = vector.extract %parallel_loop3A_942[0] : i32 from vector<1xi32>
        %parallel_loop3A_944 = arith.constant 16 : i32
        %parallel_loop3A_945 = arith.muli %parallel_loop3A_150, %parallel_loop3A_944 : i32
        %parallel_loop3A_946 = arith.constant 14 : i32
        %parallel_loop3A_947 = arith.addi %parallel_loop3A_945, %parallel_loop3A_946 : i32
        %parallel_loop3A_948 = arith.index_cast %parallel_loop3A_943 : i32 to index
        %parallel_loop3A_949 = arith.constant 0 : index
        %parallel_loop3A_950 = tpu.vector_load %arg5[%parallel_loop3A_948, %parallel_loop3A_949] {strides = array<i32>} : memref<20x80xf32, #tpu.memory_space<vmem>>, vector<1x16xf32>,
        %parallel_loop3A_951 = vector.shape_cast %parallel_loop3A_950 : vector<1x16xf32> to vector<16xf32>
        %parallel_loop3A_952 = arith.index_cast %rem3A_52 : i32 to index
        %parallel_loop3A_953 = arith.index_cast %parallel_loop3A_947 : i32 to index
        %parallel_loop3A_954 = arith.constant 0 : index
        %parallel_loop3A_955 = tpu.vector_load %arg7[%parallel_loop3A_952, %parallel_loop3A_953, %parallel_loop3A_954] {strides = array<i32>} : memref<2x256x80xf32, #tpu.memory_space<vmem>>, vector<1x1x16xf32>,
        %parallel_loop3A_956 = vector.shape_cast %parallel_loop3A_955 : vector<1x1x16xf32> to vector<16xf32>
        %parallel_loop3A_957 = vector.shape_cast %parallel_loop3A_951 : vector<16xf32> to vector<1x1x16xf32>
        tpu.vector_store %arg7[%parallel_loop3A_952, %parallel_loop3A_953, %parallel_loop3A_954], %parallel_loop3A_957 {strides = array<i32>} : memref<2x256x80xf32, #tpu.memory_space<vmem>>, vector<1x1x16xf32>,
        %parallel_loop3A_958 = arith.index_cast %parallel_loop3A_943 : i32 to index
        %parallel_loop3A_959 = arith.constant 16 : index
        %parallel_loop3A_960 = tpu.vector_load %arg5[%parallel_loop3A_958, %parallel_loop3A_959] {strides = array<i32>} : memref<20x80xf32, #tpu.memory_space<vmem>>, vector<1x16xf32>,
        %parallel_loop3A_961 = vector.shape_cast %parallel_loop3A_960 : vector<1x16xf32> to vector<16xf32>
        %parallel_loop3A_962 = arith.index_cast %rem3A_52 : i32 to index
        %parallel_loop3A_963 = arith.index_cast %parallel_loop3A_947 : i32 to index
        %parallel_loop3A_964 = arith.constant 16 : index
        %parallel_loop3A_965 = tpu.vector_load %arg7[%parallel_loop3A_962, %parallel_loop3A_963, %parallel_loop3A_964] {strides = array<i32>} : memref<2x256x80xf32, #tpu.memory_space<vmem>>, vector<1x1x16xf32>,
        %parallel_loop3A_966 = vector.shape_cast %parallel_loop3A_965 : vector<1x1x16xf32> to vector<16xf32>
        %parallel_loop3A_967 = vector.shape_cast %parallel_loop3A_961 : vector<16xf32> to vector<1x1x16xf32>
        tpu.vector_store %arg7[%parallel_loop3A_962, %parallel_loop3A_963, %parallel_loop3A_964], %parallel_loop3A_967 {strides = array<i32>} : memref<2x256x80xf32, #tpu.memory_space<vmem>>, vector<1x1x16xf32>,
        %parallel_loop3A_968 = arith.index_cast %parallel_loop3A_943 : i32 to index
        %parallel_loop3A_969 = arith.constant 32 : index
        %parallel_loop3A_970 = tpu.vector_load %arg5[%parallel_loop3A_968, %parallel_loop3A_969] {strides = array<i32>} : memref<20x80xf32, #tpu.memory_space<vmem>>, vector<1x16xf32>,
        %parallel_loop3A_971 = vector.shape_cast %parallel_loop3A_970 : vector<1x16xf32> to vector<16xf32>
        %parallel_loop3A_972 = arith.index_cast %rem3A_52 : i32 to index
        %parallel_loop3A_973 = arith.index_cast %parallel_loop3A_947 : i32 to index
        %parallel_loop3A_974 = arith.constant 32 : index
        %parallel_loop3A_975 = tpu.vector_load %arg7[%parallel_loop3A_972, %parallel_loop3A_973, %parallel_loop3A_974] {strides = array<i32>} : memref<2x256x80xf32, #tpu.memory_space<vmem>>, vector<1x1x16xf32>,
        %parallel_loop3A_976 = vector.shape_cast %parallel_loop3A_975 : vector<1x1x16xf32> to vector<16xf32>
        %parallel_loop3A_977 = vector.shape_cast %parallel_loop3A_971 : vector<16xf32> to vector<1x1x16xf32>
        tpu.vector_store %arg7[%parallel_loop3A_972, %parallel_loop3A_973, %parallel_loop3A_974], %parallel_loop3A_977 {strides = array<i32>} : memref<2x256x80xf32, #tpu.memory_space<vmem>>, vector<1x1x16xf32>,
        %parallel_loop3A_978 = arith.index_cast %parallel_loop3A_943 : i32 to index
        %parallel_loop3A_979 = arith.constant 48 : index
        %parallel_loop3A_980 = tpu.vector_load %arg5[%parallel_loop3A_978, %parallel_loop3A_979] {strides = array<i32>} : memref<20x80xf32, #tpu.memory_space<vmem>>, vector<1x16xf32>,
        %parallel_loop3A_981 = vector.shape_cast %parallel_loop3A_980 : vector<1x16xf32> to vector<16xf32>
        %parallel_loop3A_982 = arith.index_cast %rem3A_52 : i32 to index
        %parallel_loop3A_983 = arith.index_cast %parallel_loop3A_947 : i32 to index
        %parallel_loop3A_984 = arith.constant 48 : index
        %parallel_loop3A_985 = tpu.vector_load %arg7[%parallel_loop3A_982, %parallel_loop3A_983, %parallel_loop3A_984] {strides = array<i32>} : memref<2x256x80xf32, #tpu.memory_space<vmem>>, vector<1x1x16xf32>,
        %parallel_loop3A_986 = vector.shape_cast %parallel_loop3A_985 : vector<1x1x16xf32> to vector<16xf32>
        %parallel_loop3A_987 = vector.shape_cast %parallel_loop3A_981 : vector<16xf32> to vector<1x1x16xf32>
        tpu.vector_store %arg7[%parallel_loop3A_982, %parallel_loop3A_983, %parallel_loop3A_984], %parallel_loop3A_987 {strides = array<i32>} : memref<2x256x80xf32, #tpu.memory_space<vmem>>, vector<1x1x16xf32>,
        %parallel_loop3A_988 = arith.index_cast %parallel_loop3A_943 : i32 to index
        %parallel_loop3A_989 = arith.constant 64 : index
        %parallel_loop3A_990 = tpu.vector_load %arg5[%parallel_loop3A_988, %parallel_loop3A_989] {strides = array<i32>} : memref<20x80xf32, #tpu.memory_space<vmem>>, vector<1x16xf32>,
        %parallel_loop3A_991 = vector.shape_cast %parallel_loop3A_990 : vector<1x16xf32> to vector<16xf32>
        %parallel_loop3A_992 = arith.index_cast %rem3A_52 : i32 to index
        %parallel_loop3A_993 = arith.index_cast %parallel_loop3A_947 : i32 to index
        %parallel_loop3A_994 = arith.constant 64 : index
        %parallel_loop3A_995 = tpu.vector_load %arg7[%parallel_loop3A_992, %parallel_loop3A_993, %parallel_loop3A_994] {strides = array<i32>} : memref<2x256x80xf32, #tpu.memory_space<vmem>>, vector<1x1x16xf32>,
        %parallel_loop3A_996 = vector.shape_cast %parallel_loop3A_995 : vector<1x1x16xf32> to vector<16xf32>
        %parallel_loop3A_997 = vector.shape_cast %parallel_loop3A_991 : vector<16xf32> to vector<1x1x16xf32>
        tpu.vector_store %arg7[%parallel_loop3A_992, %parallel_loop3A_993, %parallel_loop3A_994], %parallel_loop3A_997 {strides = array<i32>} : memref<2x256x80xf32, #tpu.memory_space<vmem>>, vector<1x1x16xf32>,
        %parallel_loop3A_998 = vector.extract_strided_slice %parallel_loop3A_157 {offsets = [15], sizes = [1], strides = [1]} : vector<16xi32> to vector<1xi32>
        %parallel_loop3A_999 = vector.extract %parallel_loop3A_998[0] : i32 from vector<1xi32>
        %parallel_loop3A_1000 = arith.constant 16 : i32
        %parallel_loop3A_1001 = arith.muli %parallel_loop3A_150, %parallel_loop3A_1000 : i32
        %parallel_loop3A_1002 = arith.constant 15 : i32
        %parallel_loop3A_1003 = arith.addi %parallel_loop3A_1001, %parallel_loop3A_1002 : i32
        %parallel_loop3A_1004 = arith.index_cast %parallel_loop3A_999 : i32 to index
        %parallel_loop3A_1005 = arith.constant 0 : index
        %parallel_loop3A_1006 = tpu.vector_load %arg5[%parallel_loop3A_1004, %parallel_loop3A_1005] {strides = array<i32>} : memref<20x80xf32, #tpu.memory_space<vmem>>, vector<1x16xf32>,
        %parallel_loop3A_1007 = vector.shape_cast %parallel_loop3A_1006 : vector<1x16xf32> to vector<16xf32>
        %parallel_loop3A_1008 = arith.index_cast %rem3A_52 : i32 to index
        %parallel_loop3A_1009 = arith.index_cast %parallel_loop3A_1003 : i32 to index
        %parallel_loop3A_1010 = arith.constant 0 : index
        %parallel_loop3A_1011 = tpu.vector_load %arg7[%parallel_loop3A_1008, %parallel_loop3A_1009, %parallel_loop3A_1010] {strides = array<i32>} : memref<2x256x80xf32, #tpu.memory_space<vmem>>, vector<1x1x16xf32>,
        %parallel_loop3A_1012 = vector.shape_cast %parallel_loop3A_1011 : vector<1x1x16xf32> to vector<16xf32>
        %parallel_loop3A_1013 = vector.shape_cast %parallel_loop3A_1007 : vector<16xf32> to vector<1x1x16xf32>
        tpu.vector_store %arg7[%parallel_loop3A_1008, %parallel_loop3A_1009, %parallel_loop3A_1010], %parallel_loop3A_1013 {strides = array<i32>} : memref<2x256x80xf32, #tpu.memory_space<vmem>>, vector<1x1x16xf32>,
        %parallel_loop3A_1014 = arith.index_cast %parallel_loop3A_999 : i32 to index
        %parallel_loop3A_1015 = arith.constant 16 : index
        %parallel_loop3A_1016 = tpu.vector_load %arg5[%parallel_loop3A_1014, %parallel_loop3A_1015] {strides = array<i32>} : memref<20x80xf32, #tpu.memory_space<vmem>>, vector<1x16xf32>,
        %parallel_loop3A_1017 = vector.shape_cast %parallel_loop3A_1016 : vector<1x16xf32> to vector<16xf32>
        %parallel_loop3A_1018 = arith.index_cast %rem3A_52 : i32 to index
        %parallel_loop3A_1019 = arith.index_cast %parallel_loop3A_1003 : i32 to index
        %parallel_loop3A_1020 = arith.constant 16 : index
        %parallel_loop3A_1021 = tpu.vector_load %arg7[%parallel_loop3A_1018, %parallel_loop3A_1019, %parallel_loop3A_1020] {strides = array<i32>} : memref<2x256x80xf32, #tpu.memory_space<vmem>>, vector<1x1x16xf32>,
        %parallel_loop3A_1022 = vector.shape_cast %parallel_loop3A_1021 : vector<1x1x16xf32> to vector<16xf32>
        %parallel_loop3A_1023 = vector.shape_cast %parallel_loop3A_1017 : vector<16xf32> to vector<1x1x16xf32>
        tpu.vector_store %arg7[%parallel_loop3A_1018, %parallel_loop3A_1019, %parallel_loop3A_1020], %parallel_loop3A_1023 {strides = array<i32>} : memref<2x256x80xf32, #tpu.memory_space<vmem>>, vector<1x1x16xf32>,
        %parallel_loop3A_1024 = arith.index_cast %parallel_loop3A_999 : i32 to index
        %parallel_loop3A_1025 = arith.constant 32 : index
        %parallel_loop3A_1026 = tpu.vector_load %arg5[%parallel_loop3A_1024, %parallel_loop3A_1025] {strides = array<i32>} : memref<20x80xf32, #tpu.memory_space<vmem>>, vector<1x16xf32>,
        %parallel_loop3A_1027 = vector.shape_cast %parallel_loop3A_1026 : vector<1x16xf32> to vector<16xf32>
        %parallel_loop3A_1028 = arith.index_cast %rem3A_52 : i32 to index
        %parallel_loop3A_1029 = arith.index_cast %parallel_loop3A_1003 : i32 to index
        %parallel_loop3A_1030 = arith.constant 32 : index
        %parallel_loop3A_1031 = tpu.vector_load %arg7[%parallel_loop3A_1028, %parallel_loop3A_1029, %parallel_loop3A_1030] {strides = array<i32>} : memref<2x256x80xf32, #tpu.memory_space<vmem>>, vector<1x1x16xf32>,
        %parallel_loop3A_1032 = vector.shape_cast %parallel_loop3A_1031 : vector<1x1x16xf32> to vector<16xf32>
        %parallel_loop3A_1033 = vector.shape_cast %parallel_loop3A_1027 : vector<16xf32> to vector<1x1x16xf32>
        tpu.vector_store %arg7[%parallel_loop3A_1028, %parallel_loop3A_1029, %parallel_loop3A_1030], %parallel_loop3A_1033 {strides = array<i32>} : memref<2x256x80xf32, #tpu.memory_space<vmem>>, vector<1x1x16xf32>,
        %parallel_loop3A_1034 = arith.index_cast %parallel_loop3A_999 : i32 to index
        %parallel_loop3A_1035 = arith.constant 48 : index
        %parallel_loop3A_1036 = tpu.vector_load %arg5[%parallel_loop3A_1034, %parallel_loop3A_1035] {strides = array<i32>} : memref<20x80xf32, #tpu.memory_space<vmem>>, vector<1x16xf32>,
        %parallel_loop3A_1037 = vector.shape_cast %parallel_loop3A_1036 : vector<1x16xf32> to vector<16xf32>
        %parallel_loop3A_1038 = arith.index_cast %rem3A_52 : i32 to index
        %parallel_loop3A_1039 = arith.index_cast %parallel_loop3A_1003 : i32 to index
        %parallel_loop3A_1040 = arith.constant 48 : index
        %parallel_loop3A_1041 = tpu.vector_load %arg7[%parallel_loop3A_1038, %parallel_loop3A_1039, %parallel_loop3A_1040] {strides = array<i32>} : memref<2x256x80xf32, #tpu.memory_space<vmem>>, vector<1x1x16xf32>,
        %parallel_loop3A_1042 = vector.shape_cast %parallel_loop3A_1041 : vector<1x1x16xf32> to vector<16xf32>
        %parallel_loop3A_1043 = vector.shape_cast %parallel_loop3A_1037 : vector<16xf32> to vector<1x1x16xf32>
        tpu.vector_store %arg7[%parallel_loop3A_1038, %parallel_loop3A_1039, %parallel_loop3A_1040], %parallel_loop3A_1043 {strides = array<i32>} : memref<2x256x80xf32, #tpu.memory_space<vmem>>, vector<1x1x16xf32>,
        %parallel_loop3A_1044 = arith.index_cast %parallel_loop3A_999 : i32 to index
        %parallel_loop3A_1045 = arith.constant 64 : index
        %parallel_loop3A_1046 = tpu.vector_load %arg5[%parallel_loop3A_1044, %parallel_loop3A_1045] {strides = array<i32>} : memref<20x80xf32, #tpu.memory_space<vmem>>, vector<1x16xf32>,
        %parallel_loop3A_1047 = vector.shape_cast %parallel_loop3A_1046 : vector<1x16xf32> to vector<16xf32>
        %parallel_loop3A_1048 = arith.index_cast %rem3A_52 : i32 to index
        %parallel_loop3A_1049 = arith.index_cast %parallel_loop3A_1003 : i32 to index
        %parallel_loop3A_1050 = arith.constant 64 : index
        %parallel_loop3A_1051 = tpu.vector_load %arg7[%parallel_loop3A_1048, %parallel_loop3A_1049, %parallel_loop3A_1050] {strides = array<i32>} : memref<2x256x80xf32, #tpu.memory_space<vmem>>, vector<1x1x16xf32>,
        %parallel_loop3A_1052 = vector.shape_cast %parallel_loop3A_1051 : vector<1x1x16xf32> to vector<16xf32>
        %parallel_loop3A_1053 = vector.shape_cast %parallel_loop3A_1047 : vector<16xf32> to vector<1x1x16xf32>
        tpu.vector_store %arg7[%parallel_loop3A_1048, %parallel_loop3A_1049, %parallel_loop3A_1050], %parallel_loop3A_1053 {strides = array<i32>} : memref<2x256x80xf32, #tpu.memory_space<vmem>>, vector<1x1x16xf32>,
      } {sc.loop_unroll_factor = 1 : i64, sc.parallel_access}
      %jit3A_90 = arith.constant 16 : i32
      %div3A_91 = arith.divsi %scan3A_51, %jit3A_90 : i32
      %sign3A_92 = arith.constant 0 : i32
      %sign3A_93 = arith.cmpi sgt, %scan3A_51, %sign3A_92 : i32
      %sign3A_94 = arith.extui %sign3A_93 : i1 to i32
      %sign3A_95 = arith.constant 0 : i32
      %sign3A_96 = arith.cmpi slt, %scan3A_51, %sign3A_95 : i32
      %sign3A_97 = arith.extui %sign3A_96 : i1 to i32
      %sign3A_98 = arith.subi %sign3A_94, %sign3A_97 : i32
      %sign3A_99 = arith.constant 0 : i32
      %sign3A_100 = arith.cmpi sgt, %jit3A_90, %sign3A_99 : i32
      %sign3A_101 = arith.extui %sign3A_100 : i1 to i32
      %sign3A_102 = arith.constant 0 : i32
      %sign3A_103 = arith.cmpi slt, %jit3A_90, %sign3A_102 : i32
      %sign3A_104 = arith.extui %sign3A_103 : i1 to i32
      %sign3A_105 = arith.subi %sign3A_101, %sign3A_104 : i32
      %ne3A_106 = arith.cmpi ne, %sign3A_98, %sign3A_105 : i32
      %rem3A_107 = arith.remsi %scan3A_51, %jit3A_90 : i32
      %ne3A_108 = arith.constant 0 : i32
      %ne3A_109 = arith.cmpi ne, %rem3A_107, %ne3A_108 : i32
      %and3A_110 = arith.andi %ne3A_106, %ne3A_109 : i1
      %sub3A_111 = arith.constant 1 : i32
      %sub3A_112 = arith.subi %div3A_91, %sub3A_111 : i32
      %select_n3A_113 = arith.select %and3A_110, %sub3A_112, %div3A_91 : i32
      %jit3A_114 = arith.constant 16 : i32
      %eq3A_115 = arith.constant 0 : i32
      %eq3A_116 = arith.cmpi eq, %jit3A_114, %eq3A_115 : i32
      %jit3A_117 = arith.constant 1 : i32
      %select_n3A_118 = arith.select %eq3A_116, %jit3A_117, %jit3A_114 : i32
      %rem3A_119 = arith.remsi %scan3A_51, %select_n3A_118 : i32
      %ne3A_120 = arith.constant 0 : i32
      %ne3A_121 = arith.cmpi ne, %rem3A_119, %ne3A_120 : i32
      %lt3A_122 = arith.constant 0 : i32
      %lt3A_123 = arith.cmpi slt, %rem3A_119, %lt3A_122 : i32
      %lt3A_124 = arith.constant 0 : i32
      %lt3A_125 = arith.cmpi slt, %select_n3A_118, %lt3A_124 : i32
      %ne3A_126 = arith.xori %lt3A_123, %lt3A_125 : i1
      %and3A_127 = arith.andi %ne3A_126, %ne3A_121 : i1
      %add3A_128 = arith.addi %rem3A_119, %select_n3A_118 : i32
      %select_n3A_129 = arith.select %and3A_127, %add3A_128, %rem3A_119 : i32
      %mul3A_130 = arith.constant 256 : i32
      %mul3A_131 = arith.muli %select_n3A_129, %mul3A_130 : i32
      %mul3A_132 = arith.constant 2 : i32
      %mul3A_133 = arith.muli %mul3A_132, %add3A : i32
      %add3A_134 = arith.addi %mul3A_133, %select_n3A_113 : i32
      %dma_start3A = arith.constant 0 : i32
      %dma_start3A_135 = arith.constant 0 : i32
      %dma_start3A_136 = tpu.memref_slice %arg7[%rem3A_52, %dma_start3A, %dma_start3A_135] : memref<2x256x80xf32, #tpu.memory_space<vmem>> -> memref<1x256x80xf32, #tpu.memory_space<vmem>>
      %dma_start3A_137 = tpu.memref_squeeze %dma_start3A_136 : memref<1x256x80xf32, #tpu.memory_space<vmem>> -> memref<256x80xf32, #tpu.memory_space<vmem>>
      %dma_start3A_138 = arith.constant 0 : i32
      %dma_start3A_139 = tpu.memref_slice %arg4[%add3A_134, %mul3A_131, %dma_start3A_138] : memref<64x4096x80xf32, #tpu.memory_space<hbm>> -> memref<1x256x80xf32, #tpu.memory_space<hbm>>
      %dma_start3A_140 = tpu.memref_squeeze %dma_start3A_139 : memref<1x256x80xf32, #tpu.memory_space<hbm>> -> memref<256x80xf32, #tpu.memory_space<hbm>>
      %dma_start3A_141 = tpu.memref_slice %arg8[%rem3A_52] : memref<2x!tpu.dma_semaphore, #tpu.memory_space<semaphore_mem>> -> memref<1x!tpu.dma_semaphore, #tpu.memory_space<semaphore_mem>>
      %dma_start3A_142 = tpu.memref_squeeze %dma_start3A_141 : memref<1x!tpu.dma_semaphore, #tpu.memory_space<semaphore_mem>> -> memref<!tpu.dma_semaphore, #tpu.memory_space<semaphore_mem>>
      %dma_start3A_143 = arith.constant 0 : i32
      %dma_start3A_144 = tpu.memref_slice %arg4[%add3A_134, %mul3A_131, %dma_start3A_143] : memref<64x4096x80xf32, #tpu.memory_space<hbm>> -> memref<1x256x80xf32, #tpu.memory_space<hbm>>
      %dma_start3A_145 = tpu.memref_squeeze %dma_start3A_144 : memref<1x256x80xf32, #tpu.memory_space<hbm>> -> memref<256x80xf32, #tpu.memory_space<hbm>>
      %dma_start3A_146 = arith.constant 0 : i32
      %dma_start3A_147 = arith.constant 0 : i32
      %dma_start3A_148 = tpu.memref_slice %arg7[%rem3A_52, %dma_start3A_146, %dma_start3A_147] : memref<2x256x80xf32, #tpu.memory_space<vmem>> -> memref<1x256x80xf32, #tpu.memory_space<vmem>>
      %dma_start3A_149 = tpu.memref_squeeze %dma_start3A_148 : memref<1x256x80xf32, #tpu.memory_space<vmem>> -> memref<256x80xf32, #tpu.memory_space<vmem>>
      tpu.enqueue_dma source(%dma_start3A_149 : memref<256x80xf32, #tpu.memory_space<vmem>>) target(%dma_start3A_145 : memref<256x80xf32, #tpu.memory_space<hbm>>) target_semaphore(%dma_start3A_142 : memref<!tpu.dma_semaphore, #tpu.memory_space<semaphore_mem>>)
    }
    %scan3A_7 = arith.constant 32 : i32
    %mul3A_8 = arith.constant 2 : i32
    %mul3A_9 = arith.muli %mul3A_8, %add3A : i32
    %dma_wait3A = arith.constant 0 : i32
    %dma_wait3A_10 = arith.constant 0 : i32
    %dma_wait3A_11 = arith.constant 0 : i32
    %dma_wait3A_12 = arith.constant 0 : i32
    %dma_wait3A_13 = tpu.memref_slice %arg7[%dma_wait3A, %dma_wait3A_11, %dma_wait3A_12] : memref<2x256x80xf32, #tpu.memory_space<vmem>> -> memref<1x256x80xf32, #tpu.memory_space<vmem>>
    %dma_wait3A_14 = tpu.memref_squeeze %dma_wait3A_13 : memref<1x256x80xf32, #tpu.memory_space<vmem>> -> memref<256x80xf32, #tpu.memory_space<vmem>>
    %dma_wait3A_15 = arith.constant 0 : i32
    %dma_wait3A_16 = arith.constant 0 : i32
    %dma_wait3A_17 = tpu.memref_slice %arg4[%mul3A_9, %dma_wait3A_15, %dma_wait3A_16] : memref<64x4096x80xf32, #tpu.memory_space<hbm>> -> memref<1x256x80xf32, #tpu.memory_space<hbm>>
    %dma_wait3A_18 = tpu.memref_squeeze %dma_wait3A_17 : memref<1x256x80xf32, #tpu.memory_space<hbm>> -> memref<256x80xf32, #tpu.memory_space<hbm>>
    %dma_wait3A_19 = tpu.memref_slice %arg8[%dma_wait3A_10] : memref<2x!tpu.dma_semaphore, #tpu.memory_space<semaphore_mem>> -> memref<1x!tpu.dma_semaphore, #tpu.memory_space<semaphore_mem>>
    %dma_wait3A_20 = tpu.memref_squeeze %dma_wait3A_19 : memref<1x!tpu.dma_semaphore, #tpu.memory_space<semaphore_mem>> -> memref<!tpu.dma_semaphore, #tpu.memory_space<semaphore_mem>>
    %dma_wait3A_21 = arith.constant 0 : i32
    %dma_wait3A_22 = arith.constant 0 : i32
    %dma_wait3A_23 = tpu.memref_slice %arg4[%mul3A_9, %dma_wait3A_21, %dma_wait3A_22] : memref<64x4096x80xf32, #tpu.memory_space<hbm>> -> memref<1x256x80xf32, #tpu.memory_space<hbm>>
    %dma_wait3A_24 = tpu.memref_squeeze %dma_wait3A_23 : memref<1x256x80xf32, #tpu.memory_space<hbm>> -> memref<256x80xf32, #tpu.memory_space<hbm>>
    %dma_wait3A_25 = arith.constant 0 : i32
    %dma_wait3A_26 = arith.constant 0 : i32
    %dma_wait3A_27 = tpu.memref_slice %arg7[%dma_wait3A, %dma_wait3A_25, %dma_wait3A_26] : memref<2x256x80xf32, #tpu.memory_space<vmem>> -> memref<1x256x80xf32, #tpu.memory_space<vmem>>
    %dma_wait3A_28 = tpu.memref_squeeze %dma_wait3A_27 : memref<1x256x80xf32, #tpu.memory_space<vmem>> -> memref<256x80xf32, #tpu.memory_space<vmem>>
    tpu.wait_dma2 semaphore(%dma_wait3A_20 : memref<!tpu.dma_semaphore, #tpu.memory_space<semaphore_mem>>) src(%dma_wait3A_28 : memref<256x80xf32, #tpu.memory_space<vmem>>) dst(%dma_wait3A_24 : memref<256x80xf32, #tpu.memory_space<hbm>>)
    %mul3A_29 = arith.constant 2 : i32
    %mul3A_30 = arith.muli %mul3A_29, %add3A : i32
    %dma_wait3A_31 = arith.constant 1 : i32
    %dma_wait3A_32 = arith.constant 1 : i32
    %dma_wait3A_33 = arith.constant 0 : i32
    %dma_wait3A_34 = arith.constant 0 : i32
    %dma_wait3A_35 = tpu.memref_slice %arg7[%dma_wait3A_31, %dma_wait3A_33, %dma_wait3A_34] : memref<2x256x80xf32, #tpu.memory_space<vmem>> -> memref<1x256x80xf32, #tpu.memory_space<vmem>>
    %dma_wait3A_36 = tpu.memref_squeeze %dma_wait3A_35 : memref<1x256x80xf32, #tpu.memory_space<vmem>> -> memref<256x80xf32, #tpu.memory_space<vmem>>
    %dma_wait3A_37 = arith.constant 0 : i32
    %dma_wait3A_38 = arith.constant 0 : i32
    %dma_wait3A_39 = tpu.memref_slice %arg4[%mul3A_30, %dma_wait3A_37, %dma_wait3A_38] : memref<64x4096x80xf32, #tpu.memory_space<hbm>> -> memref<1x256x80xf32, #tpu.memory_space<hbm>>
    %dma_wait3A_40 = tpu.memref_squeeze %dma_wait3A_39 : memref<1x256x80xf32, #tpu.memory_space<hbm>> -> memref<256x80xf32, #tpu.memory_space<hbm>>
    %dma_wait3A_41 = tpu.memref_slice %arg8[%dma_wait3A_32] : memref<2x!tpu.dma_semaphore, #tpu.memory_space<semaphore_mem>> -> memref<1x!tpu.dma_semaphore, #tpu.memory_space<semaphore_mem>>
    %dma_wait3A_42 = tpu.memref_squeeze %dma_wait3A_41 : memref<1x!tpu.dma_semaphore, #tpu.memory_space<semaphore_mem>> -> memref<!tpu.dma_semaphore, #tpu.memory_space<semaphore_mem>>
    %dma_wait3A_43 = arith.constant 0 : i32
    %dma_wait3A_44 = arith.constant 0 : i32
    %dma_wait3A_45 = tpu.memref_slice %arg4[%mul3A_30, %dma_wait3A_43, %dma_wait3A_44] : memref<64x4096x80xf32, #tpu.memory_space<hbm>> -> memref<1x256x80xf32, #tpu.memory_space<hbm>>
    %dma_wait3A_46 = tpu.memref_squeeze %dma_wait3A_45 : memref<1x256x80xf32, #tpu.memory_space<hbm>> -> memref<256x80xf32, #tpu.memory_space<hbm>>
    %dma_wait3A_47 = arith.constant 0 : i32
    %dma_wait3A_48 = arith.constant 0 : i32
    %dma_wait3A_49 = tpu.memref_slice %arg7[%dma_wait3A_31, %dma_wait3A_47, %dma_wait3A_48] : memref<2x256x80xf32, #tpu.memory_space<vmem>> -> memref<1x256x80xf32, #tpu.memory_space<vmem>>
    %dma_wait3A_50 = tpu.memref_squeeze %dma_wait3A_49 : memref<1x256x80xf32, #tpu.memory_space<vmem>> -> memref<256x80xf32, #tpu.memory_space<vmem>>
    tpu.wait_dma2 semaphore(%dma_wait3A_42 : memref<!tpu.dma_semaphore, #tpu.memory_space<semaphore_mem>>) src(%dma_wait3A_50 : memref<256x80xf32, #tpu.memory_space<vmem>>) dst(%dma_wait3A_46 : memref<256x80xf32, #tpu.memory_space<hbm>>)
    return
  }
}

</mosaic_0001>

<sc_bundles>
// kernel: _emb.3.cloned.1.call-start
scs
__scs_entry_jumppad:
0x0: {  	(pc) =	sbr.rel $0x88, $3  }
0x1: {  	(tag) =	ssettag $0x0;
	lr =	simm.s32 $0x1  }
0x2: {  	[smem:$0x3F9F] =	sst lr;
	_ =	strace $0xD0000000  }
0x3: {  	_ = 	snop  }
0x4: {  	_ = 	snop  }
0x5: {  	_ = 	snop  }
0x6: {  	_ = 	snop  }
0x7: {  	_ = 	snop  }
__scs_overlays_trampoline_lowered:
0x8: {  	[smem:$0x3FAE] =	sst s0  }
0x9: {  	[smem:$0x3FAF] =	sst s1  }
0xa: {  	[smem:$0x3FB0] =	sst s2  }
0xb: {  	[smem:$0x3FB1] =	sst s3  }
0xc: {  	[smem:$0x3FB2] =	sst s4  }
0xd: {  	[smem:$0x3FB3] =	sst s5  }
0xe: {  	[smem:$0x3FB4] =	sst s6  }
0xf: {  	[smem:$0x3FB5] =	sst s7  }
0x10: {  	[smem:$0x3FB6] =	sst s8  }
0x11: {  	[smem:$0x3FB7] =	sst s9;
	s0 =	simm.s32 @!p0 $0x0  }
0x12: {  	s1 =	sld [smem:$0x3F9D];
	s0 =	simm.s32 @p0 $0x1  }
0x13: {  	[smem:$0x3FB8] =	sst s0;
	s0 =	simm.s32 @!p1 $0x0  }
0x14: {  	s2 =	sld [smem:$0x3F9C];
	s0 =	simm.s32 @p1 $0x1  }
0x15: {  	[smem:$0x3FB9] =	sst s0;
	s0 =	simm.s32 @!p2 $0x0  }
0x16: {  	s3 =	sld [smem:$0x3FDB];
	s0 =	simm.s32 @p2 $0x1  }
0x17: {  	s4 =	simm.s32 $0x1BF5;
	[smem:$0x3FBB] =	sst s0  }
0x18: {  	s0 =	sld [smem:$0x3F9E];
	_ =	swait.ge [sflag:s4], $0x0  }
0x19: {  	s7 =	sld [smem:$0x3F9F]  }
0x1a: {  	s8 =	sadd.s32 $0xFFFFE003, lr  }
0x1b: {  	s9 =	sadd.s32 $0xFFFFFEF7, lr;
	s5 =	simm.s32 $0xFFFFFFFF;
	p2 =	slt.u32 s8, $0xFFFFF086  }
0x1c: {  	p1 =	slt.u32 s9, $0xF7A;
	s5 =	simm.s32 @!p2 $0x0  }
0x1d: {  	s5 =	simm.s32 @p1 $0x1;
	p0 =	seq.s32 s7, s2  }
0x1e: {  	s7 =	smul.u32 @!p0 $0xF7A, s2;
	p2 =	seq.s32 @!p0 s5, $0x0  }
0x1f: {  	s9 =	smul.u32 $0xF7A, s1;
	s8 =	simm.s32 @!p0 $0x1BF5;
	p2 =	por !p2, p0  }
0x20: {  	[sflag:s8] =	ssyncset.s32 @!p0 $0xFFFFF086;
	s6 =	sadd.s32 @!p0 s3, s7;
	s7 =	simm.s32 @!p0 $0x108  }
0x21: {  	s3 =	sadd.s32 s3, s9;
	s6 =	sadd.s32 @!p0 $0x88, s6;
	s7 =	simm.s32 @p2 $0x1082  }
0x22: {  	[simem:s7], [sflag:s8] =	dma.local @!p0 [hbm:s6], $0xF7A  }
0x23: {  	s9 =	sor.u32 $0xD0000000, s2;
	s6 =	simm.s32 $0x108;
	_ =	swait.ge @!p0 [sflag:s8], $0x0  }
0x24: {  	s3 =	sadd.s32 $0x88, s3;
	s6 =	simm.s32 @!p1 $0x1082;
	[sflag:s4] =	ssyncset.s32 $0xFFFFF086  }
0x25: {  	[simem:s6], [sflag:s4] =	dma.local [hbm:s3], $0xF7A  }
0x26: {  	[smem:$0x3F9F] =	sst s1;
	(tag) =	ssettag s2;
	_ =	strace s9  }
0x27: {  	s1 =	sld [smem:$0x3FAF]  }
0x28: {  	s2 =	sld [smem:$0x3FB0]  }
0x29: {  	s4 =	sld [smem:$0x3FB2]  }
0x2a: {  	p0 =	seq.s32 s5, $0x0;
	s5 =	sld [smem:$0x3FB3]  }
0x2b: {  	s6 =	sld [smem:$0x3FB4]  }
0x2c: {  	s7 =	sld [smem:$0x3FB5]  }
0x2d: {  	s3 =	simm.s32 $0x108;
	s8 =	sld [smem:$0x3FB6]  }
0x2e: {  	s3 =	simm.s32 @!p0 $0x1082;
	s9 =	sld [smem:$0x3FB7]  }
0x2f: {  	lr =	sadd.s32 s0, s3;
	s0 =	sld [smem:$0x3FAE]  }
0x30: {  	s3 =	sld [smem:$0x3FB1]  }
0x31: {  	[smem:$0x3FBA] =	sst s10  }
0x32: {  	s10 =	sld [smem:$0x3FB8];
	_ =	sdelay $0x3  }
0x33: {  	p0 =	seq.s32 s10, $0x1;
	s10 =	sld [smem:$0x3FBA];
	_ =	sdelay $0x3  }
0x34: {  	[smem:$0x3FBA] =	sst s10  }
0x35: {  	s10 =	sld [smem:$0x3FB9];
	_ =	sdelay $0x3  }
0x36: {  	p1 =	seq.s32 s10, $0x1;
	s10 =	sld [smem:$0x3FBA];
	_ =	sdelay $0x3  }
0x37: {  	[smem:$0x3FBA] =	sst s10  }
0x38: {  	s10 =	sld [smem:$0x3FBB]  }
0x39: {  	_ = 	snop;
	(pc) =	sbr.ind lr, $3  }
0x3a: {  	_ = 	snop  }
0x3b: {  	_ = 	snop  }
0x3c: {  	p2 =	seq.s32 s10, $0x1;
	s10 =	sld [smem:$0x3FBA]  }
0x3d: {  	_ =	shalt  }
0x3e: {  	_ =	shalt  }
0x3f: {  	_ =	shalt  }
0x40: {  	_ =	shalt  }
0x41: {  	_ =	shalt  }
0x42: {  	_ =	shalt  }
0x43: {  	_ =	shalt  }
0x44: {  	_ =	shalt  }
0x45: {  	_ =	shalt  }
0x46: {  	_ =	shalt  }
0x47: {  	_ =	shalt  }
0x48: {  	_ =	shalt  }
0x49: {  	_ =	shalt  }
0x4a: {  	_ =	shalt  }
0x4b: {  	_ =	shalt  }
0x4c: {  	_ =	shalt  }
0x4d: {  	_ =	shalt  }
0x4e: {  	_ =	shalt  }
0x4f: {  	_ =	shalt  }
0x50: {  	_ =	shalt  }
0x51: {  	_ =	shalt  }
0x52: {  	_ =	shalt  }
0x53: {  	_ =	shalt  }
0x54: {  	_ =	shalt  }
0x55: {  	_ =	shalt  }
0x56: {  	_ =	shalt  }
0x57: {  	_ =	shalt  }
0x58: {  	_ =	shalt  }
0x59: {  	_ =	shalt  }
0x5a: {  	_ =	shalt  }
0x5b: {  	_ =	shalt  }
0x5c: {  	_ =	shalt  }
0x5d: {  	_ =	shalt  }
0x5e: {  	_ =	shalt  }
0x5f: {  	_ =	shalt  }
0x60: {  	_ =	shalt  }
0x61: {  	_ =	shalt  }
0x62: {  	_ =	shalt  }
0x63: {  	_ =	shalt  }
0x64: {  	_ =	shalt  }
0x65: {  	_ =	shalt  }
0x66: {  	_ =	shalt  }
0x67: {  	_ =	shalt  }
0x68: {  	_ =	shalt  }
0x69: {  	_ =	shalt  }
0x6a: {  	_ =	shalt  }
0x6b: {  	_ =	shalt  }
0x6c: {  	_ =	shalt  }
0x6d: {  	_ =	shalt  }
0x6e: {  	_ =	shalt  }
0x6f: {  	_ =	shalt  }
0x70: {  	_ =	shalt  }
0x71: {  	_ =	shalt  }
0x72: {  	_ =	shalt  }
0x73: {  	_ =	shalt  }
0x74: {  	_ =	shalt  }
0x75: {  	_ =	shalt  }
0x76: {  	_ =	shalt  }
0x77: {  	_ =	shalt  }
0x78: {  	_ =	shalt  }
0x79: {  	_ =	shalt  }
0x7a: {  	_ =	shalt  }
0x7b: {  	_ =	shalt  }
0x7c: {  	_ =	shalt  }
0x7d: {  	_ =	shalt  }
0x7e: {  	_ =	shalt  }
0x7f: {  	_ =	shalt  }
0x80: {  	_ =	shalt  }
0x81: {  	_ =	shalt  }
0x82: {  	_ =	shalt  }
0x83: {  	_ =	shalt  }
0x84: {  	_ =	shalt  }
0x85: {  	_ =	shalt  }
0x86: {  	_ =	shalt  }
0x87: {  	_ =	shalt  }
.Lfunc_end0:
.L_simem_size_0:
called_computation_lowered:
.L_overlay_start_0:
0x88: {  	s2 =	sld [smem:$0x3FD9]  }
0x89: {  	s3 =	sld [smem:$0x3FFE];
	_ =	sdelay $0x1  }
0x8a: {  	s1 =	srdreg.scid  }
0x8b: {  	s0 =	sand.u32 $0x1, s1  }
0x8c: {  	s17 =	sshll.u32 s0, $0xA;
	s2 =	sadd.s32 s3, s2  }
0x8d: {  	s2 =	sadd.s32 s2, s17  }
0x8e: {  	[smem:$0x3FC6] =	sst s2  }
0x8f: {  	_ = 	snop  }
0x90: {  	s2 =	sld [smem:$0x3FC9]  }
0x91: {  	s18 =	sld [smem:$0x3FC8];
	(tm) =	ssettm $0x1  }
0x92: {  	s4 =	sld [smem:$0x3FFB];
	_ =	sdelay $0x3  }
0x93: {  	_ =	strace s4  }
0x94: {  	s4 =	sld [smem:$0x3FFC];
	_ =	sdelay $0x3  }
0x95: {  	_ =	strace s4  }
0x96: {  	s4 =	sld [smem:$0x3FFD];
	_ =	sdelay $0x3  }
0x97: {  	_ =	strace s4  }
0x98: {  	_ =	strace $0x8FFFFFFF  }
0x99: {  	s19 =	sld [smem:$0x3FDB];
	_ =	sdelay $0x1  }
0x9a: {  	s5 =	simm.s32 $_scs_section_size  }
0x9b: {  	s6 =	simm.s32 $_size__tile_overlayer_lowered;
	s7 =	simm.s32 $_tile_overlayer_lowered  }
0x9c: {  	s22 =	simm.s32 $0x1BFF;
	s21 =	sshll.u32 s7, $0x1;
	s4 =	sadd.s32 s5, s19  }
0x9d: {  	s8 =	simm.s32 $0x0;
	s20 =	sshll.u32 s6, $0x1;
	s6 =	sadd.s32 s21, s4  }
0x9e: {  	[timem:s8], [sflag:s22] =	dma.local [hbm:s6], s20  }
0x9f: {  	_ =	swait.ge [sflag:s22], s20  }
0xa0: {  	s5 =	ssub.s32 $0x0, s20;
	[sflag:s22] =	ssyncset.done $0x0  }
0xa1: {  	[sflag:s22] =	ssyncadd.s32 s5;
	_ =	sdelay $0x1  }
0xa2: {  	s23 =	simm.s32 $0x1B8B  }
0xa3: {  	_ =	swait.ge [sflag:s23], $0x1  }
0xa4: {  	[sflag:s23] =	ssyncset.done $0x0  }
0xa5: {  	s25 =	simm.s32 $0x1B8E;
	s24 =	sld [smem:$0x3FFE];
	[sflag:s23] =	ssyncadd.s32 $0xFFFFFFFF  }
0xa6: {  	s26 =	simm.s32 $execute0_lowered;
	[smem:$0x3FD2] =	sst s25  }
0xa7: {  	s6 =	sshll.u32 s26, $0x1;
	_ =	strace $0x80000046;
	[dreg:$0x1] =	wrdreg $0xFFFFFFFF  }
0xa8: {  	s28 =	simm.s32 $_size_execute0_lowered;
	s4 =	sadd.s32 s4, s6;
	[dreg:$0x0] =	wrdreg $0x0  }
0xa9: {  	s6 =	sshll.u32 s28, $0x1;
	[dreg:$0x2] =	wrdreg s4  }
0xaa: {  	[dreg:$0x3] =	wrdreg s6  }
0xab: {  	[dreg:$0x4] =	wrdreg $0xC0  }
0xac: {  	_ =	task [dreg:s8], $0x5FFFF  }
0xad: {  	[dreg:$0x1] =	wrdreg $0xFFFFFFFF  }
0xae: {  	[dreg:$0x0] =	wrdreg $0x60  }
0xaf: {  	[dreg:$0x2] =	wrdreg s2  }
0xb0: {  	[dreg:$0x3] =	wrdreg s18  }
0xb1: {  	[dreg:$0x4] =	wrdreg s24  }
0xb2: {  	[dreg:$0x5] =	wrdreg $0x9  }
0xb3: {  	_ =	task.clear_ibuf [dreg:s8], $0x6FFFF;
	_ =	strace $0x90000046  }
0xb4: {  	s29 =	simm.s32 $0x9;
	_ =	strace $0x80000048  }
0xb5: {  	_ =	swait.ge [sflag:s29], $0x1  }
0xb6: {  	[sflag:s29] =	ssyncadd.s32 $0xFFFFFFFF  }
0xb7: {  	_ =	strace $0x90000048  }
0xb8: {  	_ =	sfence  }
0xb9: {  	s30 =	sld [smem:$0x0];
	_ =	sdelay $0x2  }
0xba: {  	s31 =	sshll.u32 s1, $0xD;
	s1 =	sshrl.u32 s1, $0x2  }
0xbb: {  	s3 =	sand.u32 $0x4000, s31;
	s1 =	sadd.s32 s1, s30  }
0xbc: {  	s0 =	sor.u32 s3, s0;
	s1 =	sshll.u32 s1, $0x11  }
0xbd: {  	s0 =	sor.u32 s1, s0  }
0xbe: {  	s0 =	sadd.s32 $0x8F2B, s0  }
0xbf: {  	[sflag:s0] =	ssyncadd.remote.s32 $0x1  }
0xc0: {  	_ =	sfence.sel $0xFFFF  }
0xc1: {  	[dreg:$0x0] =	wrdreg $0xFFFFFFFF;
	(pc) =	sbr.abs _section_cstart, $3  }
0xc2: {  	[dreg:$0x1] =	wrdreg $0xFFFFFFFF  }
0xc3: {  	_ =	task.clear_ibuf [dreg:s8], $0x2FFFF;
	_ =	strace $0x9FFFFFFF  }
0xc4: {  	(tm) =	ssettm $0x7FFFFFFF  }
0xc5: {  	_ =	shalt  }
tec
execute0_lowered:
.L_overlay_start_1:
0x0: {  	(tag) =	ssettag $0x1  }
0x1: {  	s0 =	rddreg [dreg:$0x0]  }
0x2: {  	s1 =	rddreg [dreg:$0x2]  }
0x3: {  	s2 =	simm.s32 $0x0;
	s24 =	srdreg.scid;
	s4 =	stileid.u32  }
0x4: {  	[smem:$0x7FF] =	sst s2;
	s2 =	sand.u32 $0x1, s24;
	s1 =	sadd.s32 $0x400, s1  }
0x5: {  	s25 =	sshll.u32 s4, $0x2;
	s26 =	sshll.u32 s4, $0xB;
	_ =	strace $0x80000047  }
0x6: {  	[dreg:$0x4] =	wrdreg s1;
	s3 =	sshll.u32 s2, $0x1;
	s2 =	ssub.s32 $0x2, s2  }
0x7: {  	s1 =	sand.u32 $0x7000, s26;
	s5 =	sor.u32 s3, s25;
	s28 =	sshrl.u32 s2, $0x1  }
0x8: {  	s0 =	sadd.s32 s0, s1;
	s29 =	sshll.u32 s5, $0x4;
	s2 =	ssub.s32 s2, s28  }
0x9: {  	[dreg:$0x5] =	wrdreg s5;
	s30 =	sand.u32 $0x60, s29;
	s31 =	smax.u32 s2, $0x1  }
0xa: {  	s0 =	sadd.s32 s30, s0;
	[dreg:$0x7] =	wrdreg s31  }
0xb: {  	s2 =	simm.s32 $0x0;
	[dreg:$0x6] =	wrdreg s0  }
.LBB2_1:
0xc: {  	[dreg:$0x8] =	wrdreg s2  }
0xd: {  	s0 =	rddreg [dreg:$0x1];
	s1 =	simm.s32 $0x0;
	s29 =	simm.s32 $0x3  }
0xe: {  	[tilespmem:s1], [sflag:$0x3] =	stream.linear.gather [hbm4b:s0+s1], $0xA00, $0x38;
	[tilespmem:$0x12C00] =	vst v63  }
0xf: {  	_ =	swait.ge [sflag:s29], $0xA00  }
0x10: {  	s31 =	simm.s32 $0x100;
	s3 =	simm.s32 $0x400;
	[sflag:s29] =	ssyncset.done $0x0  }
0x11: {  	s4 =	simm.s32 $0xC00;
	s30 =	rddreg [dreg:$0x6];
	[sflag:s29] =	ssyncadd.s32 $0xFFFFF600  }
0x12: {  	[tilespmem:s4], [sflag:$0x3] =	stream.strided.gather [hbm4b:s30+s31], $0x2000, s3, s31, $0x38;
	[tilespmem:$0x12C00] =	vst v63  }
0x13: {  	_ =	swait.ge [sflag:s29], $0x2000  }
0x14: {  	p0 =	por $0x0, $0x0;
	[sflag:s29] =	ssyncset.done $0x0  }
0x15: {  	s15 =	simm.s32 $0x0;
	s16 =	simm.s32 $0x0;
	[sflag:s29] =	ssyncadd.s32 $0xFFFFE000  }
.LBB2_2:
0x16: {  	s17 =	sand.u32 $0x1, s16;
	p1 =	slt.u32 s16, $0x2;
	s1 =	sshll.u32 s16, $0x3  }
0x17: {  	s31 =	simm.s32 $0x0;
	s0 =	sadd.s32 @!p1 $0x1, s17;
	s1 =	sand.u32 $0x3FFFFF80, s1  }
0x18: {  	s2 =	sand.u32 $0x1F00, s15;
	_ =	swait.ge @!p1 [sflag:s0], $0x8000;
	s26 =	sadd.s32 $0xC00, s1  }
0x19: {  	s1 =	sand.u32 $0x70, s31;
	[sflag:s0] =	ssyncset.done @!p1 $0x0;
	s2 =	sadd.s32 s2, s26  }
0x1a: {  	[sflag:s0] =	ssyncadd.s32 @!p1 $0xFFFF8000;
	s3 =	sadd.s32 s1, s2  }
0x1b: {  	v0 =	vld [tilespmem:s3+$0x0];
	_ =	sdelay $0x4  }
0x1c: {  	v0 =	vshll.u32 v0, $0x9  }
0x1d: {  	v5 =	vshra.s32 v0, $0x2  }
0x1e: {  	(v2sf) =	vpush v5, $0x0;
	_ =	sdelay $0xe  }
0x1f: {  	s4 =	spop (v2sf)  }
0x20: {  	v0 =	vld [tilespmem:s4+$0x0]  }
0x21: {  	s1 =	simm.s32 $0x1  }
0x22: {  	s1 =	simm.s32 @!p0 $0x0  }
0x23: {  	s1 =	sshll.u32 s1, $0xF  }
0x24: {  	s22 =	sor.u32 $0x3000, s1  }
0x25: {  	[tilespmem:s22+$0xFFFFFC00] =	vst v0  }
0x26: {  	v0 =	vld [tilespmem:s4+$0x10];
	_ =	sdelay $0x4  }
0x27: {  	[tilespmem:s22+$0xFFFFFC10] =	vst v0  }
0x28: {  	v0 =	vld [tilespmem:s4+$0x20];
	_ =	sdelay $0x1  }
0x29: {  	(v2sf) =	vpush v5, $0x1;
	_ =	sdelay $0x2  }
0x2a: {  	[tilespmem:s22+$0xFFFFFC20] =	vst v0  }
0x2b: {  	v0 =	vld [tilespmem:s4+$0x30];
	_ =	sdelay $0x4  }
0x2c: {  	[tilespmem:s22+$0xFFFFFC30] =	vst v0  }
0x2d: {  	v0 =	vld [tilespmem:s4+$0x40];
	_ =	sdelay $0x4  }
0x2e: {  	s5 =	spop (v2sf);
	[tilespmem:s22+$0xFFFFFC40] =	vst v0  }
0x2f: {  	v0 =	vld [tilespmem:s5+$0x0];
	_ =	sdelay $0x4  }
0x30: {  	[tilespmem:s22+$0xFFFFFC80] =	vst v0  }
0x31: {  	v0 =	vld [tilespmem:s5+$0x10];
	_ =	sdelay $0x4  }
0x32: {  	[tilespmem:s22+$0xFFFFFC90] =	vst v0  }
0x33: {  	v0 =	vld [tilespmem:s5+$0x20];
	_ =	sdelay $0x1  }
0x34: {  	(v2sf) =	vpush v5, $0x2;
	_ =	sdelay $0x2  }
0x35: {  	[tilespmem:s22+$0xFFFFFCA0] =	vst v0  }
0x36: {  	v0 =	vld [tilespmem:s5+$0x30];
	_ =	sdelay $0x4  }
0x37: {  	[tilespmem:s22+$0xFFFFFCB0] =	vst v0  }
0x38: {  	s6 =	sadd.s32 $0x20, s15;
	v0 =	vld [tilespmem:s5+$0x40]  }
0x39: {  	s7 =	simm.s32 $0x10;
	s3 =	sand.u32 $0x1F00, s6  }
0x3a: {  	s8 =	sand.u32 $0x70, s7;
	s9 =	sadd.s32 s3, s26  }
0x3b: {  	s1 =	sadd.s32 s8, s9  }
0x3c: {  	v1 =	vld [tilespmem:s1+$0x0]  }
0x3d: {  	s10 =	spop (v2sf);
	[tilespmem:s22+$0xFFFFFCC0] =	vst v0  }
0x3e: {  	v0 =	vld [tilespmem:s10+$0x0];
	_ =	sdelay $0x2  }
0x3f: {  	v1 =	vshll.u32 v1, $0x9  }
0x40: {  	v2 =	vshra.s32 v1, $0x2  }
0x41: {  	(v2sf) =	vpush v2, $0x0;
	[tilespmem:s22+$0xFFFFFD00] =	vst v0  }
0x42: {  	v0 =	vld [tilespmem:s10+$0x10];
	_ =	sdelay $0x4  }
0x43: {  	[tilespmem:s22+$0xFFFFFD10] =	vst v0  }
0x44: {  	v0 =	vld [tilespmem:s10+$0x20];
	_ =	sdelay $0x1  }
0x45: {  	(v2sf) =	vpush v5, $0x3;
	_ =	sdelay $0x2  }
0x46: {  	[tilespmem:s22+$0xFFFFFD20] =	vst v0  }
0x47: {  	v0 =	vld [tilespmem:s10+$0x30];
	_ =	sdelay $0x1  }
0x48: {  	s11 =	spop (v2sf)  }
0x49: {  	v1 =	vld [tilespmem:s11+$0x0];
	_ =	sdelay $0x1  }
0x4a: {  	[tilespmem:s22+$0xFFFFFD30] =	vst v0  }
0x4b: {  	v0 =	vld [tilespmem:s10+$0x40]  }
0x4c: {  	s18 =	sadd.s32 $0x800, s22  }
0x4d: {  	[tilespmem:s18+$0xFFFFFC00] =	vst v1  }
0x4e: {  	v1 =	vld [tilespmem:s11+$0x10];
	_ =	sdelay $0x1  }
0x4f: {  	s12 =	spop (v2sf);
	[tilespmem:s22+$0xFFFFFD40] =	vst v0  }
0x50: {  	v0 =	vld [tilespmem:s12+$0x0];
	_ =	sdelay $0x1  }
0x51: {  	[tilespmem:s18+$0xFFFFFC10] =	vst v1  }
0x52: {  	v1 =	vld [tilespmem:s11+$0x20];
	_ =	sdelay $0x1  }
0x53: {  	(v2sf) =	vpush v2, $0x1;
	[tilespmem:s22+$0xFFFFFD80] =	vst v0  }
0x54: {  	v0 =	vld [tilespmem:s12+$0x10];
	_ =	sdelay $0x1  }
0x55: {  	[tilespmem:s18+$0xFFFFFC20] =	vst v1  }
0x56: {  	v1 =	vld [tilespmem:s11+$0x30];
	_ =	sdelay $0x1  }
0x57: {  	[tilespmem:s22+$0xFFFFFD90] =	vst v0  }
0x58: {  	v0 =	vld [tilespmem:s12+$0x20];
	_ =	sdelay $0x1  }
0x59: {  	(v2sf) =	vpush v5, $0x4;
	[tilespmem:s18+$0xFFFFFC30] =	vst v1  }
0x5a: {  	v1 =	vld [tilespmem:s11+$0x40];
	_ =	sdelay $0x1  }
0x5b: {  	[tilespmem:s22+$0xFFFFFDA0] =	vst v0  }
0x5c: {  	v0 =	vld [tilespmem:s12+$0x30];
	_ =	sdelay $0x1  }
0x5d: {  	s13 =	spop (v2sf);
	[tilespmem:s18+$0xFFFFFC40] =	vst v1  }
0x5e: {  	v1 =	vld [tilespmem:s13+$0x0];
	_ =	sdelay $0x1  }
0x5f: {  	[tilespmem:s22+$0xFFFFFDB0] =	vst v0  }
0x60: {  	v0 =	vld [tilespmem:s12+$0x40];
	_ =	sdelay $0x1  }
0x61: {  	[tilespmem:s18+$0xFFFFFC80] =	vst v1  }
0x62: {  	v1 =	vld [tilespmem:s13+$0x10];
	_ =	sdelay $0x1  }
0x63: {  	s14 =	spop (v2sf);
	[tilespmem:s22+$0xFFFFFDC0] =	vst v0  }
0x64: {  	v0 =	vld [tilespmem:s14+$0x0];
	_ =	sdelay $0x1  }
0x65: {  	[tilespmem:s18+$0xFFFFFC90] =	vst v1  }
0x66: {  	v1 =	vld [tilespmem:s13+$0x20];
	_ =	sdelay $0x1  }
0x67: {  	(v2sf) =	vpush v2, $0x2;
	[tilespmem:s22+$0xFFFFFE00] =	vst v0  }
0x68: {  	v0 =	vld [tilespmem:s14+$0x10];
	_ =	sdelay $0x1  }
0x69: {  	[tilespmem:s18+$0xFFFFFCA0] =	vst v1  }
0x6a: {  	v1 =	vld [tilespmem:s13+$0x30];
	_ =	sdelay $0x1  }
0x6b: {  	[tilespmem:s22+$0xFFFFFE10] =	vst v0  }
0x6c: {  	v0 =	vld [tilespmem:s14+$0x20]  }
0x6d: {  	s0 =	sadd.s32 $0x20, s6  }
0x6e: {  	s19 =	simm.s32 $0x20;
	(v2sf) =	vpush v5, $0x5;
	s4 =	sand.u32 $0x1F00, s0;
	[tilespmem:s18+$0xFFFFFCB0] =	vst v1  }
0x6f: {  	s20 =	sand.u32 $0x70, s19;
	s21 =	sadd.s32 s4, s26;
	v1 =	vld [tilespmem:s13+$0x40]  }
0x70: {  	s2 =	sadd.s32 s20, s21  }
0x71: {  	v3 =	vld [tilespmem:s2+$0x0];
	[tilespmem:s22+$0xFFFFFE20] =	vst v0  }
0x72: {  	v0 =	vld [tilespmem:s14+$0x30];
	_ =	sdelay $0x1  }
0x73: {  	s23 =	spop (v2sf);
	[tilespmem:s18+$0xFFFFFCC0] =	vst v1  }
0x74: {  	v1 =	vld [tilespmem:s23+$0x0]  }
0x75: {  	v3 =	vshll.u32 v3, $0x9  }
0x76: {  	[tilespmem:s22+$0xFFFFFE30] =	vst v0;
	v0 =	vshra.s32 v3, $0x2  }
0x77: {  	v3 =	vld [tilespmem:s14+$0x40];
	(v2sf) =	vpush v0, $0x0;
	_ =	sdelay $0x1  }
0x78: {  	[tilespmem:s18+$0xFFFFFD00] =	vst v1  }
0x79: {  	v1 =	vld [tilespmem:s23+$0x10];
	_ =	sdelay $0x1  }
0x7a: {  	s24 =	spop (v2sf);
	[tilespmem:s22+$0xFFFFFE40] =	vst v3  }
0x7b: {  	v3 =	vld [tilespmem:s24+$0x0];
	_ =	sdelay $0x1  }
0x7c: {  	[tilespmem:s18+$0xFFFFFD10] =	vst v1  }
0x7d: {  	v1 =	vld [tilespmem:s23+$0x20];
	_ =	sdelay $0x1  }
0x7e: {  	(v2sf) =	vpush v2, $0x3;
	[tilespmem:s22+$0xFFFFFE80] =	vst v3  }
0x7f: {  	v3 =	vld [tilespmem:s24+$0x10];
	_ =	sdelay $0x1  }
0x80: {  	[tilespmem:s18+$0xFFFFFD20] =	vst v1  }
0x81: {  	v1 =	vld [tilespmem:s23+$0x30];
	s25 =	spop (v2sf)  }
0x82: {  	v4 =	vld [tilespmem:s25+$0x0]  }
0x83: {  	[tilespmem:s22+$0xFFFFFE90] =	vst v3  }
0x84: {  	v3 =	vld [tilespmem:s24+$0x20];
	_ =	sdelay $0x1  }
0x85: {  	s19 =	sadd.s32 $0x800, s18;
	[tilespmem:s18+$0xFFFFFD30] =	vst v1;
	(v2sf) =	vpush v5, $0x6  }
0x86: {  	v1 =	vld [tilespmem:s23+$0x40];
	[tilespmem:s19+$0xFFFFFC00] =	vst v4  }
0x87: {  	v4 =	vld [tilespmem:s25+$0x10]  }
0x88: {  	[tilespmem:s22+$0xFFFFFEA0] =	vst v3  }
0x89: {  	v3 =	vld [tilespmem:s24+$0x30];
	_ =	sdelay $0x1  }
0x8a: {  	[tilespmem:s18+$0xFFFFFD40] =	vst v1;
	s29 =	spop (v2sf)  }
0x8b: {  	v1 =	vld [tilespmem:s29+$0x0];
	[tilespmem:s19+$0xFFFFFC10] =	vst v4  }
0x8c: {  	v4 =	vld [tilespmem:s25+$0x20]  }
0x8d: {  	[tilespmem:s22+$0xFFFFFEB0] =	vst v3  }
0x8e: {  	v3 =	vld [tilespmem:s24+$0x40]  }
0x8f: {  	(v2sf) =	vpush v0, $0x1  }
0x90: {  	[tilespmem:s18+$0xFFFFFD80] =	vst v1  }
0x91: {  	v1 =	vld [tilespmem:s29+$0x10];
	[tilespmem:s19+$0xFFFFFC20] =	vst v4  }
0x92: {  	v4 =	vld [tilespmem:s25+$0x30]  }
0x93: {  	s30 =	spop (v2sf);
	[tilespmem:s22+$0xFFFFFEC0] =	vst v3  }
0x94: {  	v3 =	vld [tilespmem:s30+$0x0];
	_ =	sdelay $0x1  }
0x95: {  	[tilespmem:s18+$0xFFFFFD90] =	vst v1  }
0x96: {  	v1 =	vld [tilespmem:s29+$0x20];
	[tilespmem:s19+$0xFFFFFC30] =	vst v4  }
0x97: {  	s0 =	sadd.s32 $0x20, s0;
	v4 =	vld [tilespmem:s25+$0x40]  }
0x98: {  	s31 =	simm.s32 $0x30;
	s5 =	sand.u32 $0x1F00, s0;
	(v2sf) =	vpush v2, $0x4;
	[tilespmem:s22+$0xFFFFFF00] =	vst v3  }
0x99: {  	s4 =	sand.u32 $0x70, s31;
	s6 =	sadd.s32 s5, s26;
	v3 =	vld [tilespmem:s30+$0x10]  }
0x9a: {  	s3 =	sadd.s32 s4, s6  }
0x9b: {  	v6 =	vld [tilespmem:s3+$0x0];
	[tilespmem:s18+$0xFFFFFDA0] =	vst v1  }
0x9c: {  	v1 =	vld [tilespmem:s29+$0x30];
	[tilespmem:s19+$0xFFFFFC40] =	vst v4  }
0x9d: {  	s7 =	spop (v2sf)  }
0x9e: {  	v4 =	vld [tilespmem:s7+$0x0];
	[tilespmem:s22+$0xFFFFFF10] =	vst v3  }
0x9f: {  	v3 =	vld [tilespmem:s30+$0x20];
	_ =	sdelay $0x1  }
0xa0: {  	[tilespmem:s18+$0xFFFFFDB0] =	vst v1;
	(v2sf) =	vpush v5, $0x7  }
0xa1: {  	v1 =	vld [tilespmem:s29+$0x40]  }
0xa2: {  	[tilespmem:s19+$0xFFFFFC80] =	vst v4  }
0xa3: {  	v4 =	vld [tilespmem:s7+$0x10];
	[tilespmem:s22+$0xFFFFFF20] =	vst v3  }
0xa4: {  	v3 =	vld [tilespmem:s30+$0x30];
	_ =	sdelay $0x1  }
0xa5: {  	s8 =	spop (v2sf);
	[tilespmem:s18+$0xFFFFFDC0] =	vst v1  }
0xa6: {  	v1 =	vld [tilespmem:s8+$0x0]  }
0xa7: {  	[tilespmem:s19+$0xFFFFFC90] =	vst v4  }
0xa8: {  	v4 =	vld [tilespmem:s7+$0x20];
	[tilespmem:s22+$0xFFFFFF30] =	vst v3  }
0xa9: {  	v3 =	vld [tilespmem:s30+$0x40]  }
0xaa: {  	(v2sf) =	vpush v0, $0x2  }
0xab: {  	[tilespmem:s18+$0xFFFFFE00] =	vst v1  }
0xac: {  	v1 =	vld [tilespmem:s8+$0x10]  }
0xad: {  	[tilespmem:s19+$0xFFFFFCA0] =	vst v4  }
0xae: {  	s9 =	spop (v2sf);
	v4 =	vld [tilespmem:s7+$0x30];
	[tilespmem:s22+$0xFFFFFF40] =	vst v3  }
0xaf: {  	v3 =	vld [tilespmem:s9+$0x0];
	_ =	sdelay $0x1  }
0xb0: {  	[tilespmem:s18+$0xFFFFFE10] =	vst v1  }
0xb1: {  	v1 =	vld [tilespmem:s8+$0x20]  }
0xb2: {  	[tilespmem:s19+$0xFFFFFCB0] =	vst v4  }
0xb3: {  	(v2sf) =	vpush v2, $0x5;
	v4 =	vld [tilespmem:s7+$0x40];
	[tilespmem:s22+$0xFFFFFF80] =	vst v3  }
0xb4: {  	v3 =	vld [tilespmem:s9+$0x10];
	_ =	sdelay $0x1  }
0xb5: {  	[tilespmem:s18+$0xFFFFFE20] =	vst v1  }
0xb6: {  	v1 =	vld [tilespmem:s8+$0x30]  }
0xb7: {  	s10 =	spop (v2sf);
	[tilespmem:s19+$0xFFFFFCC0] =	vst v4  }
0xb8: {  	v4 =	vld [tilespmem:s10+$0x0];
	[tilespmem:s22+$0xFFFFFF90] =	vst v3  }
0xb9: {  	v3 =	vld [tilespmem:s9+$0x20];
	_ =	sdelay $0x1  }
0xba: {  	(v2sf) =	vpush v5, $0x8;
	[tilespmem:s18+$0xFFFFFE30] =	vst v1;
	v1 =	vshll.u32 v6, $0x9  }
0xbb: {  	v6 =	vld [tilespmem:s8+$0x40];
	v1 =	vshra.s32 v1, $0x2  }
0xbc: {  	(v2sf) =	vpush v1, $0x0;
	[tilespmem:s19+$0xFFFFFD00] =	vst v4  }
0xbd: {  	v4 =	vld [tilespmem:s10+$0x10];
	[tilespmem:s22+$0xFFFFFFA0] =	vst v3  }
0xbe: {  	v3 =	vld [tilespmem:s9+$0x30];
	_ =	sdelay $0x1  }
0xbf: {  	s11 =	spop (v2sf);
	[tilespmem:s18+$0xFFFFFE40] =	vst v6  }
0xc0: {  	v6 =	vld [tilespmem:s11+$0x0]  }
0xc1: {  	[tilespmem:s19+$0xFFFFFD10] =	vst v4  }
0xc2: {  	v4 =	vld [tilespmem:s10+$0x20];
	[tilespmem:s22+$0xFFFFFFB0] =	vst v3  }
0xc3: {  	v3 =	vld [tilespmem:s9+$0x40]  }
0xc4: {  	(v2sf) =	vpush v0, $0x3  }
0xc5: {  	[tilespmem:s18+$0xFFFFFE80] =	vst v6  }
0xc6: {  	v6 =	vld [tilespmem:s11+$0x10]  }
0xc7: {  	[tilespmem:s19+$0xFFFFFD20] =	vst v4  }
0xc8: {  	s12 =	spop (v2sf);
	v4 =	vld [tilespmem:s10+$0x30];
	[tilespmem:s22+$0xFFFFFFC0] =	vst v3  }
0xc9: {  	v3 =	vld [tilespmem:s12+$0x0]  }
0xca: {  	s13 =	spop (v2sf)  }
0xcb: {  	v7 =	vld [tilespmem:s13+$0x0];
	[tilespmem:s18+$0xFFFFFE90] =	vst v6  }
0xcc: {  	v6 =	vld [tilespmem:s11+$0x20]  }
0xcd: {  	[tilespmem:s19+$0xFFFFFD30] =	vst v4  }
0xce: {  	(v2sf) =	vpush v2, $0x6;
	v4 =	vld [tilespmem:s10+$0x40];
	[tilespmem:s22+$0x0] =	vst v3  }
0xcf: {  	s20 =	sadd.s32 $0x800, s19;
	v3 =	vld [tilespmem:s12+$0x10]  }
0xd0: {  	[tilespmem:s20+$0xFFFFFC00] =	vst v7  }
0xd1: {  	v7 =	vld [tilespmem:s13+$0x10];
	[tilespmem:s18+$0xFFFFFEA0] =	vst v6  }
0xd2: {  	v6 =	vld [tilespmem:s11+$0x30]  }
0xd3: {  	s14 =	spop (v2sf);
	[tilespmem:s19+$0xFFFFFD40] =	vst v4  }
0xd4: {  	v4 =	vld [tilespmem:s14+$0x0];
	[tilespmem:s22+$0x10] =	vst v3  }
0xd5: {  	v3 =	vld [tilespmem:s12+$0x20]  }
0xd6: {  	[tilespmem:s20+$0xFFFFFC10] =	vst v7  }
0xd7: {  	(v2sf) =	vpush v5, $0x9;
	v7 =	vld [tilespmem:s13+$0x20];
	[tilespmem:s18+$0xFFFFFEB0] =	vst v6  }
0xd8: {  	v6 =	vld [tilespmem:s11+$0x40]  }
0xd9: {  	(v2sf) =	vpush v1, $0x1;
	[tilespmem:s19+$0xFFFFFD80] =	vst v4  }
0xda: {  	v4 =	vld [tilespmem:s14+$0x10];
	[tilespmem:s22+$0x20] =	vst v3  }
0xdb: {  	v3 =	vld [tilespmem:s12+$0x30]  }
0xdc: {  	[tilespmem:s20+$0xFFFFFC20] =	vst v7  }
0xdd: {  	s21 =	spop (v2sf);
	v7 =	vld [tilespmem:s13+$0x30];
	[tilespmem:s18+$0xFFFFFEC0] =	vst v6  }
0xde: {  	v6 =	vld [tilespmem:s21+$0x0]  }
0xdf: {  	[tilespmem:s19+$0xFFFFFD90] =	vst v4  }
0xe0: {  	v4 =	vld [tilespmem:s14+$0x20];
	[tilespmem:s22+$0x30] =	vst v3  }
0xe1: {  	v3 =	vld [tilespmem:s12+$0x40]  }
0xe2: {  	(v2sf) =	vpush v0, $0x4;
	[tilespmem:s20+$0xFFFFFC30] =	vst v7  }
0xe3: {  	v7 =	vld [tilespmem:s13+$0x40];
	[tilespmem:s18+$0xFFFFFF00] =	vst v6  }
0xe4: {  	v6 =	vld [tilespmem:s21+$0x10]  }
0xe5: {  	[tilespmem:s19+$0xFFFFFDA0] =	vst v4  }
0xe6: {  	s23 =	spop (v2sf);
	v4 =	vld [tilespmem:s14+$0x30];
	[tilespmem:s22+$0x40] =	vst v3  }
0xe7: {  	v3 =	vld [tilespmem:s23+$0x0]  }
0xe8: {  	s24 =	spop (v2sf);
	[tilespmem:s20+$0xFFFFFC40] =	vst v7  }
0xe9: {  	v7 =	vld [tilespmem:s24+$0x0];
	[tilespmem:s18+$0xFFFFFF10] =	vst v6  }
0xea: {  	v6 =	vld [tilespmem:s21+$0x20]  }
0xeb: {  	[tilespmem:s19+$0xFFFFFDB0] =	vst v4  }
0xec: {  	(v2sf) =	vpush v2, $0x7;
	v4 =	vld [tilespmem:s14+$0x40];
	[tilespmem:s22+$0x80] =	vst v3  }
0xed: {  	v3 =	vld [tilespmem:s23+$0x10]  }
0xee: {  	[tilespmem:s20+$0xFFFFFC80] =	vst v7  }
0xef: {  	v7 =	vld [tilespmem:s24+$0x10];
	[tilespmem:s18+$0xFFFFFF20] =	vst v6  }
0xf0: {  	v6 =	vld [tilespmem:s21+$0x30]  }
0xf1: {  	s25 =	spop (v2sf);
	[tilespmem:s19+$0xFFFFFDC0] =	vst v4  }
0xf2: {  	v4 =	vld [tilespmem:s25+$0x0];
	[tilespmem:s22+$0x90] =	vst v3  }
0xf3: {  	v3 =	vld [tilespmem:s23+$0x20]  }
0xf4: {  	[tilespmem:s20+$0xFFFFFC90] =	vst v7  }
0xf5: {  	(v2sf) =	vpush v5, $0xA;
	v7 =	vld [tilespmem:s24+$0x20];
	[tilespmem:s18+$0xFFFFFF30] =	vst v6  }
0xf6: {  	v6 =	vld [tilespmem:s21+$0x40]  }
0xf7: {  	(v2sf) =	vpush v1, $0x2;
	[tilespmem:s19+$0xFFFFFE00] =	vst v4  }
0xf8: {  	v4 =	vld [tilespmem:s25+$0x10];
	[tilespmem:s22+$0xA0] =	vst v3  }
0xf9: {  	v3 =	vld [tilespmem:s23+$0x30]  }
0xfa: {  	[tilespmem:s20+$0xFFFFFCA0] =	vst v7  }
0xfb: {  	s29 =	spop (v2sf);
	v7 =	vld [tilespmem:s24+$0x30];
	[tilespmem:s18+$0xFFFFFF40] =	vst v6  }
0xfc: {  	v6 =	vld [tilespmem:s29+$0x0]  }
0xfd: {  	[tilespmem:s19+$0xFFFFFE10] =	vst v4  }
0xfe: {  	v4 =	vld [tilespmem:s25+$0x20];
	[tilespmem:s22+$0xB0] =	vst v3  }
0xff: {  	s0 =	sadd.s32 $0x20, s0;
	v3 =	vld [tilespmem:s23+$0x40]  }
0x100: {  	s31 =	sand.u32 $0x1F00, s0;
	s30 =	simm.s32 $0x40;
	(v2sf) =	vpush v0, $0x5;
	[tilespmem:s20+$0xFFFFFCB0] =	vst v7  }
0x101: {  	s5 =	sadd.s32 s31, s26;
	s1 =	sand.u32 $0x70, s30;
	v7 =	vld [tilespmem:s24+$0x40];
	[tilespmem:s18+$0xFFFFFF80] =	vst v6  }
0x102: {  	s1 =	sadd.s32 s1, s5;
	v6 =	vld [tilespmem:s29+$0x10]  }
0x103: {  	v8 =	vld [tilespmem:s1+$0x0];
	[tilespmem:s19+$0xFFFFFE20] =	vst v4  }
0x104: {  	s4 =	spop (v2sf);
	v4 =	vld [tilespmem:s25+$0x30];
	[tilespmem:s22+$0xC0] =	vst v3  }
0x105: {  	v3 =	vld [tilespmem:s4+$0x0]  }
0x106: {  	s5 =	spop (v2sf);
	[tilespmem:s20+$0xFFFFFCC0] =	vst v7  }
0x107: {  	v7 =	vld [tilespmem:s5+$0x0];
	[tilespmem:s18+$0xFFFFFF90] =	vst v6  }
0x108: {  	v6 =	vld [tilespmem:s29+$0x20]  }
0x109: {  	[tilespmem:s19+$0xFFFFFE30] =	vst v4;
	v4 =	vshll.u32 v8, $0x9  }
0x10a: {  	(v2sf) =	vpush v2, $0x8;
	v8 =	vld [tilespmem:s25+$0x40];
	[tilespmem:s22+$0x100] =	vst v3;
	v3 =	vshra.s32 v4, $0x2  }
0x10b: {  	v4 =	vld [tilespmem:s4+$0x10];
	(v2sf) =	vpush v3, $0x0  }
0x10c: {  	[tilespmem:s20+$0xFFFFFD00] =	vst v7  }
0x10d: {  	v7 =	vld [tilespmem:s5+$0x10];
	[tilespmem:s18+$0xFFFFFFA0] =	vst v6  }
0x10e: {  	v6 =	vld [tilespmem:s29+$0x30]  }
0x10f: {  	s6 =	spop (v2sf);
	[tilespmem:s19+$0xFFFFFE40] =	vst v8  }
0x110: {  	v8 =	vld [tilespmem:s6+$0x0];
	[tilespmem:s22+$0x110] =	vst v4  }
0x111: {  	v4 =	vld [tilespmem:s4+$0x20]  }
0x112: {  	[tilespmem:s20+$0xFFFFFD10] =	vst v7  }
0x113: {  	(v2sf) =	vpush v5, $0xB;
	v7 =	vld [tilespmem:s5+$0x20];
	[tilespmem:s18+$0xFFFFFFB0] =	vst v6  }
0x114: {  	v6 =	vld [tilespmem:s29+$0x40]  }
0x115: {  	(v2sf) =	vpush v1, $0x3;
	[tilespmem:s19+$0xFFFFFE80] =	vst v8  }
0x116: {  	[tilespmem:s22+$0x120] =	vst v4;
	v4 =	vld [tilespmem:s6+$0x10]  }
0x117: {  	v8 =	vld [tilespmem:s4+$0x30]  }
0x118: {  	[tilespmem:s20+$0xFFFFFD20] =	vst v7  }
0x119: {  	s7 =	spop (v2sf);
	v7 =	vld [tilespmem:s5+$0x30];
	[tilespmem:s18+$0xFFFFFFC0] =	vst v6  }
0x11a: {  	v6 =	vld [tilespmem:s7+$0x0];
	s8 =	spop (v2sf)  }
0x11b: {  	v9 =	vld [tilespmem:s8+$0x0];
	[tilespmem:s19+$0xFFFFFE90] =	vst v4  }
0x11c: {  	v4 =	vld [tilespmem:s6+$0x20];
	[tilespmem:s22+$0x130] =	vst v8  }
0x11d: {  	v8 =	vld [tilespmem:s4+$0x40]  }
0x11e: {  	[tilespmem:s20+$0xFFFFFD30] =	vst v7;
	(v2sf) =	vpush v0, $0x6  }
0x11f: {  	s21 =	sadd.s32 $0x800, s20;
	v7 =	vld [tilespmem:s5+$0x40];
	[tilespmem:s18+$0x0] =	vst v6  }
0x120: {  	v6 =	vld [tilespmem:s7+$0x10];
	[tilespmem:s21+$0xFFFFFC00] =	vst v9  }
0x121: {  	v9 =	vld [tilespmem:s8+$0x10];
	[tilespmem:s19+$0xFFFFFEA0] =	vst v4  }
0x122: {  	s9 =	spop (v2sf);
	v4 =	vld [tilespmem:s6+$0x30];
	[tilespmem:s22+$0x140] =	vst v8  }
0x123: {  	v8 =	vld [tilespmem:s9+$0x0]  }
0x124: {  	s10 =	spop (v2sf);
	[tilespmem:s20+$0xFFFFFD40] =	vst v7  }
0x125: {  	v7 =	vld [tilespmem:s10+$0x0];
	[tilespmem:s18+$0x10] =	vst v6  }
0x126: {  	v6 =	vld [tilespmem:s7+$0x20];
	[tilespmem:s21+$0xFFFFFC10] =	vst v9  }
0x127: {  	v9 =	vld [tilespmem:s8+$0x20];
	[tilespmem:s19+$0xFFFFFEB0] =	vst v4  }
0x128: {  	(v2sf) =	vpush v2, $0x9;
	v4 =	vld [tilespmem:s6+$0x40];
	[tilespmem:s22+$0x180] =	vst v8  }
0x129: {  	(v2sf) =	vpush v3, $0x1;
	v8 =	vld [tilespmem:s9+$0x10]  }
0x12a: {  	[tilespmem:s20+$0xFFFFFD80] =	vst v7  }
0x12b: {  	v7 =	vld [tilespmem:s10+$0x10];
	[tilespmem:s18+$0x20] =	vst v6  }
0x12c: {  	v6 =	vld [tilespmem:s7+$0x30];
	[tilespmem:s21+$0xFFFFFC20] =	vst v9  }
0x12d: {  	s11 =	spop (v2sf);
	v9 =	vld [tilespmem:s8+$0x30];
	[tilespmem:s19+$0xFFFFFEC0] =	vst v4  }
0x12e: {  	v4 =	vld [tilespmem:s11+$0x0];
	[tilespmem:s22+$0x190] =	vst v8  }
0x12f: {  	v8 =	vld [tilespmem:s9+$0x20]  }
0x130: {  	[tilespmem:s20+$0xFFFFFD90] =	vst v7  }
0x131: {  	(v2sf) =	vpush v5, $0xC;
	v7 =	vld [tilespmem:s10+$0x20];
	[tilespmem:s18+$0x30] =	vst v6  }
0x132: {  	v6 =	vld [tilespmem:s7+$0x40];
	[tilespmem:s21+$0xFFFFFC30] =	vst v9  }
0x133: {  	(v2sf) =	vpush v1, $0x4;
	v9 =	vld [tilespmem:s8+$0x40];
	[tilespmem:s19+$0xFFFFFF00] =	vst v4  }
0x134: {  	v4 =	vld [tilespmem:s11+$0x10];
	[tilespmem:s22+$0x1A0] =	vst v8  }
0x135: {  	v8 =	vld [tilespmem:s9+$0x30]  }
0x136: {  	[tilespmem:s20+$0xFFFFFDA0] =	vst v7  }
0x137: {  	s12 =	spop (v2sf);
	v7 =	vld [tilespmem:s10+$0x30];
	[tilespmem:s18+$0x40] =	vst v6  }
0x138: {  	s13 =	spop (v2sf);
	v6 =	vld [tilespmem:s12+$0x0];
	[tilespmem:s21+$0xFFFFFC40] =	vst v9  }
0x139: {  	v9 =	vld [tilespmem:s13+$0x0];
	[tilespmem:s19+$0xFFFFFF10] =	vst v4  }
0x13a: {  	v4 =	vld [tilespmem:s11+$0x20];
	[tilespmem:s22+$0x1B0] =	vst v8  }
0x13b: {  	v8 =	vld [tilespmem:s9+$0x40]  }
0x13c: {  	(v2sf) =	vpush v0, $0x7;
	[tilespmem:s20+$0xFFFFFDB0] =	vst v7  }
0x13d: {  	v7 =	vld [tilespmem:s10+$0x40];
	[tilespmem:s18+$0x80] =	vst v6  }
0x13e: {  	v6 =	vld [tilespmem:s12+$0x10];
	[tilespmem:s21+$0xFFFFFC80] =	vst v9  }
0x13f: {  	v9 =	vld [tilespmem:s13+$0x10];
	[tilespmem:s19+$0xFFFFFF20] =	vst v4  }
0x140: {  	s14 =	spop (v2sf);
	v4 =	vld [tilespmem:s11+$0x30];
	[tilespmem:s22+$0x1C0] =	vst v8  }
0x141: {  	v8 =	vld [tilespmem:s14+$0x0]  }
0x142: {  	s6 =	spop (v2sf);
	[tilespmem:s20+$0xFFFFFDC0] =	vst v7  }
0x143: {  	v7 =	vld [tilespmem:s6+$0x0];
	[tilespmem:s18+$0x90] =	vst v6  }
0x144: {  	v6 =	vld [tilespmem:s12+$0x20];
	[tilespmem:s21+$0xFFFFFC90] =	vst v9  }
0x145: {  	v9 =	vld [tilespmem:s13+$0x20];
	[tilespmem:s19+$0xFFFFFF30] =	vst v4  }
0x146: {  	(v2sf) =	vpush v2, $0xA;
	v4 =	vld [tilespmem:s11+$0x40];
	[tilespmem:s22+$0x200] =	vst v8  }
0x147: {  	(v2sf) =	vpush v3, $0x2;
	v8 =	vld [tilespmem:s14+$0x10]  }
0x148: {  	[tilespmem:s20+$0xFFFFFE00] =	vst v7  }
0x149: {  	v7 =	vld [tilespmem:s6+$0x10];
	[tilespmem:s18+$0xA0] =	vst v6  }
0x14a: {  	v6 =	vld [tilespmem:s12+$0x30];
	[tilespmem:s21+$0xFFFFFCA0] =	vst v9  }
0x14b: {  	s23 =	spop (v2sf);
	v9 =	vld [tilespmem:s13+$0x30];
	[tilespmem:s19+$0xFFFFFF40] =	vst v4  }
0x14c: {  	v4 =	vld [tilespmem:s23+$0x0];
	[tilespmem:s22+$0x210] =	vst v8  }
0x14d: {  	v8 =	vld [tilespmem:s14+$0x20]  }
0x14e: {  	[tilespmem:s20+$0xFFFFFE10] =	vst v7  }
0x14f: {  	(v2sf) =	vpush v5, $0xD;
	v7 =	vld [tilespmem:s6+$0x20];
	[tilespmem:s18+$0xB0] =	vst v6  }
0x150: {  	s24 =	sadd.s32 $0x20, s0;
	v6 =	vld [tilespmem:s12+$0x40];
	[tilespmem:s21+$0xFFFFFCB0] =	vst v9  }
0x151: {  	s25 =	simm.s32 $0x50;
	s29 =	sand.u32 $0x1F00, s24;
	(v2sf) =	vpush v1, $0x5;
	v9 =	vld [tilespmem:s13+$0x40];
	[tilespmem:s19+$0xFFFFFF80] =	vst v4  }
0x152: {  	s0 =	sand.u32 $0x70, s25;
	s2 =	sadd.s32 s29, s26;
	v4 =	vld [tilespmem:s23+$0x10];
	[tilespmem:s22+$0x220] =	vst v8  }
0x153: {  	s0 =	sadd.s32 s0, s2;
	v8 =	vld [tilespmem:s14+$0x30]  }
0x154: {  	v10 =	vld [tilespmem:s0+$0x0];
	[tilespmem:s20+$0xFFFFFE20] =	vst v7  }
0x155: {  	s30 =	spop (v2sf);
	v7 =	vld [tilespmem:s6+$0x30];
	[tilespmem:s18+$0xC0] =	vst v6  }
0x156: {  	s31 =	spop (v2sf);
	v6 =	vld [tilespmem:s30+$0x0];
	[tilespmem:s21+$0xFFFFFCC0] =	vst v9  }
0x157: {  	v9 =	vld [tilespmem:s31+$0x0];
	[tilespmem:s19+$0xFFFFFF90] =	vst v4  }
0x158: {  	v11 =	vld [tilespmem:s23+$0x20];
	[tilespmem:s22+$0x230] =	vst v8  }
0x159: {  	v8 =	vld [tilespmem:s14+$0x40]  }
0x15a: {  	(v2sf) =	vpush v0, $0x8;
	[tilespmem:s20+$0xFFFFFE30] =	vst v7;
	v4 =	vshll.u32 v10, $0x9  }
0x15b: {  	v7 =	vld [tilespmem:s6+$0x40];
	[tilespmem:s18+$0x100] =	vst v6;
	v4 =	vshra.s32 v4, $0x2  }
0x15c: {  	v6 =	vld [tilespmem:s30+$0x10];
	(v2sf) =	vpush v4, $0x0;
	[tilespmem:s21+$0xFFFFFD00] =	vst v9  }
0x15d: {  	v9 =	vld [tilespmem:s31+$0x10];
	[tilespmem:s19+$0xFFFFFFA0] =	vst v11  }
0x15e: {  	s0 =	spop (v2sf);
	v10 =	vld [tilespmem:s23+$0x30];
	[tilespmem:s22+$0x240] =	vst v8  }
0x15f: {  	v8 =	vld [tilespmem:s0+$0x0]  }
0x160: {  	s7 =	spop (v2sf);
	[tilespmem:s20+$0xFFFFFE40] =	vst v7  }
0x161: {  	v7 =	vld [tilespmem:s7+$0x0];
	[tilespmem:s18+$0x110] =	vst v6  }
0x162: {  	s28 =	sadd.s32 $0x20, s24;
	v11 =	vld [tilespmem:s30+$0x20];
	[tilespmem:s21+$0xFFFFFD10] =	vst v9  }
0x163: {  	s8 =	simm.s32 $0x60;
	s9 =	sand.u32 $0x1F00, s28;
	v9 =	vld [tilespmem:s31+$0x20];
	[tilespmem:s19+$0xFFFFFFB0] =	vst v10  }
0x164: {  	s3 =	sand.u32 $0x70, s8;
	s6 =	sadd.s32 s9, s26;
	(v2sf) =	vpush v2, $0xB;
	v10 =	vld [tilespmem:s23+$0x40];
	[tilespmem:s22+$0x280] =	vst v8  }
0x165: {  	s10 =	sadd.s32 s3, s6;
	(v2sf) =	vpush v3, $0x3;
	v8 =	vld [tilespmem:s0+$0x10]  }
0x166: {  	v6 =	vld [tilespmem:s10+$0x0];
	[tilespmem:s20+$0xFFFFFE80] =	vst v7  }
0x167: {  	[tilespmem:s18+$0x120] =	vst v11;
	v7 =	vld [tilespmem:s7+$0x10]  }
0x168: {  	[tilespmem:s21+$0xFFFFFD20] =	vst v9;
	v9 =	vld [tilespmem:s30+$0x30]  }
0x169: {  	s11 =	spop (v2sf);
	v11 =	vld [tilespmem:s31+$0x30];
	[tilespmem:s19+$0xFFFFFFC0] =	vst v10  }
0x16a: {  	v10 =	vld [tilespmem:s11+$0x0];
	[tilespmem:s22+$0x290] =	vst v8  }
0x16b: {  	s12 =	spop (v2sf);
	v8 =	vld [tilespmem:s0+$0x20]  }
0x16c: {  	[tilespmem:s20+$0xFFFFFE90] =	vst v7;
	v12 =	vld [tilespmem:s12+$0x0]  }
0x16d: {  	(v2sf) =	vpush v5, $0xE;
	v7 =	vld [tilespmem:s7+$0x20];
	[tilespmem:s18+$0x130] =	vst v9  }
0x16e: {  	[tilespmem:s21+$0xFFFFFD30] =	vst v11;
	v9 =	vld [tilespmem:s30+$0x40]  }
0x16f: {  	(v2sf) =	vpush v1, $0x6;
	v11 =	vld [tilespmem:s31+$0x40];
	[tilespmem:s19+$0x0] =	vst v10  }
0x170: {  	s23 =	sadd.s32 $0x800, s21;
	v10 =	vld [tilespmem:s11+$0x10];
	[tilespmem:s22+$0x2A0] =	vst v8  }
0x171: {  	[tilespmem:s23+$0xFFFFFC00] =	vst v12;
	v8 =	vld [tilespmem:s0+$0x30]  }
0x172: {  	[tilespmem:s20+$0xFFFFFEA0] =	vst v7;
	v12 =	vld [tilespmem:s12+$0x10]  }
0x173: {  	s13 =	spop (v2sf);
	v7 =	vld [tilespmem:s7+$0x30];
	[tilespmem:s18+$0x140] =	vst v9  }
0x174: {  	s14 =	spop (v2sf);
	[tilespmem:s21+$0xFFFFFD40] =	vst v11;
	v9 =	vld [tilespmem:s13+$0x0]  }
0x175: {  	v11 =	vld [tilespmem:s14+$0x0];
	[tilespmem:s19+$0x10] =	vst v10  }
0x176: {  	v10 =	vld [tilespmem:s11+$0x20];
	[tilespmem:s22+$0x2B0] =	vst v8  }
0x177: {  	[tilespmem:s23+$0xFFFFFC10] =	vst v12;
	v8 =	vld [tilespmem:s0+$0x40]  }
0x178: {  	(v2sf) =	vpush v0, $0x9;
	[tilespmem:s20+$0xFFFFFEB0] =	vst v7;
	v12 =	vld [tilespmem:s12+$0x20]  }
0x179: {  	v7 =	vld [tilespmem:s7+$0x40];
	[tilespmem:s18+$0x180] =	vst v9  }
0x17a: {  	(v2sf) =	vpush v4, $0x1;
	[tilespmem:s21+$0xFFFFFD80] =	vst v11;
	v9 =	vld [tilespmem:s13+$0x10]  }
0x17b: {  	v11 =	vld [tilespmem:s14+$0x10];
	[tilespmem:s19+$0x20] =	vst v10  }
0x17c: {  	s24 =	spop (v2sf);
	v10 =	vld [tilespmem:s11+$0x30];
	[tilespmem:s22+$0x2C0] =	vst v8  }
0x17d: {  	[tilespmem:s23+$0xFFFFFC20] =	vst v12;
	v8 =	vld [tilespmem:s24+$0x0]  }
0x17e: {  	s25 =	spop (v2sf);
	[tilespmem:s20+$0xFFFFFEC0] =	vst v7;
	v12 =	vld [tilespmem:s12+$0x30]  }
0x17f: {  	v7 =	vld [tilespmem:s25+$0x0];
	[tilespmem:s18+$0x190] =	vst v9  }
0x180: {  	[tilespmem:s21+$0xFFFFFD90] =	vst v11;
	v9 =	vld [tilespmem:s13+$0x20]  }
0x181: {  	v11 =	vld [tilespmem:s14+$0x20];
	[tilespmem:s19+$0x30] =	vst v10  }
0x182: {  	(v2sf) =	vpush v2, $0xC;
	v10 =	vld [tilespmem:s11+$0x40];
	[tilespmem:s22+$0x300] =	vst v8  }
0x183: {  	(v2sf) =	vpush v3, $0x4;
	[tilespmem:s23+$0xFFFFFC30] =	vst v12;
	v8 =	vld [tilespmem:s24+$0x10]  }
0x184: {  	[tilespmem:s20+$0xFFFFFF00] =	vst v7;
	v12 =	vld [tilespmem:s12+$0x40]  }
0x185: {  	v7 =	vld [tilespmem:s25+$0x10];
	[tilespmem:s18+$0x1A0] =	vst v9  }
0x186: {  	[tilespmem:s21+$0xFFFFFDA0] =	vst v11;
	v9 =	vld [tilespmem:s13+$0x30]  }
0x187: {  	s29 =	spop (v2sf);
	v11 =	vld [tilespmem:s14+$0x30];
	[tilespmem:s19+$0x40] =	vst v10  }
0x188: {  	v10 =	vld [tilespmem:s29+$0x0];
	[tilespmem:s22+$0x310] =	vst v8  }
0x189: {  	s30 =	spop (v2sf);
	[tilespmem:s23+$0xFFFFFC40] =	vst v12;
	v8 =	vld [tilespmem:s24+$0x20]  }
0x18a: {  	[tilespmem:s20+$0xFFFFFF10] =	vst v7;
	v12 =	vld [tilespmem:s30+$0x0]  }
0x18b: {  	(v2sf) =	vpush v5, $0xF;
	v7 =	vld [tilespmem:s25+$0x20];
	[tilespmem:s18+$0x1B0] =	vst v9  }
0x18c: {  	[tilespmem:s21+$0xFFFFFDB0] =	vst v11;
	v5 =	vld [tilespmem:s13+$0x40]  }
0x18d: {  	(v2sf) =	vpush v1, $0x7;
	v9 =	vld [tilespmem:s14+$0x40];
	[tilespmem:s19+$0x80] =	vst v10  }
0x18e: {  	v10 =	vld [tilespmem:s29+$0x10];
	[tilespmem:s22+$0x320] =	vst v8  }
0x18f: {  	[tilespmem:s23+$0xFFFFFC80] =	vst v12;
	v8 =	vld [tilespmem:s24+$0x30]  }
0x190: {  	[tilespmem:s20+$0xFFFFFF20] =	vst v7;
	v11 =	vld [tilespmem:s30+$0x10]  }
0x191: {  	s7 =	spop (v2sf);
	v7 =	vld [tilespmem:s25+$0x30];
	[tilespmem:s18+$0x1C0] =	vst v5  }
0x192: {  	s8 =	spop (v2sf);
	[tilespmem:s21+$0xFFFFFDC0] =	vst v9;
	v5 =	vld [tilespmem:s7+$0x0]  }
0x193: {  	v9 =	vld [tilespmem:s8+$0x0];
	[tilespmem:s19+$0x90] =	vst v10  }
0x194: {  	v10 =	vld [tilespmem:s29+$0x20];
	[tilespmem:s22+$0x330] =	vst v8  }
0x195: {  	[tilespmem:s23+$0xFFFFFC90] =	vst v11;
	v8 =	vld [tilespmem:s24+$0x40]  }
0x196: {  	(v2sf) =	vpush v0, $0xA;
	[tilespmem:s20+$0xFFFFFF30] =	vst v7;
	v11 =	vld [tilespmem:s30+$0x20]  }
0x197: {  	v7 =	vld [tilespmem:s25+$0x40];
	[tilespmem:s18+$0x200] =	vst v5  }
0x198: {  	(v2sf) =	vpush v4, $0x2;
	[tilespmem:s21+$0xFFFFFE00] =	vst v9;
	v5 =	vld [tilespmem:s7+$0x10]  }
0x199: {  	v9 =	vld [tilespmem:s8+$0x10];
	[tilespmem:s19+$0xA0] =	vst v10  }
0x19a: {  	s2 =	spop (v2sf);
	v10 =	vld [tilespmem:s29+$0x30];
	[tilespmem:s22+$0x340] =	vst v8  }
0x19b: {  	[tilespmem:s23+$0xFFFFFCA0] =	vst v11;
	v8 =	vld [tilespmem:s2+$0x0]  }
0x19c: {  	s6 =	spop (v2sf);
	[tilespmem:s20+$0xFFFFFF40] =	vst v7;
	v11 =	vld [tilespmem:s30+$0x30]  }
0x19d: {  	v63 =	vld [tilespmem:s6+$0x0];
	[tilespmem:s18+$0x210] =	vst v5  }
0x19e: {  	[tilespmem:s21+$0xFFFFFE10] =	vst v9;
	v9 =	vld [tilespmem:s7+$0x20]  }
0x19f: {  	v13 =	vld [tilespmem:s8+$0x20];
	[tilespmem:s19+$0xB0] =	vst v10  }
0x1a0: {  	(v2sf) =	vpush v2, $0xD;
	v14 =	vld [tilespmem:s29+$0x40];
	[tilespmem:s22+$0x380] =	vst v8  }
0x1a1: {  	(v2sf) =	vpush v3, $0x5;
	[tilespmem:s23+$0xFFFFFCB0] =	vst v11;
	v7 =	vld [tilespmem:s2+$0x10]  }
0x1a2: {  	[tilespmem:s20+$0xFFFFFF80] =	vst v63;
	v8 =	vld [tilespmem:s30+$0x40]  }
0x1a3: {  	v5 =	vld [tilespmem:s6+$0x10];
	[tilespmem:s18+$0x220] =	vst v9  }
0x1a4: {  	s31 =	sshll.u32 s17, $0xF;
	s0 =	simm.s32 $0x70;
	[tilespmem:s21+$0xFFFFFE20] =	vst v13;
	v9 =	vld [tilespmem:s7+$0x30]  }
0x1a5: {  	s25 =	sshrl.u32 s16, $0x4;
	s24 =	sor.u32 $0x2C00, s31;
	s1 =	spop (v2sf);
	v10 =	vld [tilespmem:s8+$0x30];
	[tilespmem:s19+$0xC0] =	vst v14  }
.LBB2_3:
0x1a6: {  	p1 =	sne.s32 s0, $0xF0;
	v11 =	vld [tilespmem:s1+$0x0];
	[tilespmem:s22+$0x390] =	vst v7  }
0x1a7: {  	[tilespmem:s23+$0xFFFFFCC0] =	vst v8;
	s4 =	spop (v2sf);
	v7 =	vld [tilespmem:s2+$0x20]  }
0x1a8: {  	v8 =	vld [tilespmem:s4+$0x0];
	[tilespmem:s20+$0xFFFFFF90] =	vst v5  }
0x1a9: {  	v12 =	vld [tilespmem:s6+$0x20];
	[tilespmem:s18+$0x230] =	vst v9  }
0x1aa: {  	[tilespmem:s21+$0xFFFFFE30] =	vst v10;
	v9 =	vld [tilespmem:s7+$0x40]  }
0x1ab: {  	v5 =	vshll.u32 v6, $0x9;
	v6 =	vld [tilespmem:s8+$0x40];
	(v2sf) =	vpush v1, $0x8;
	[tilespmem:s19+$0x100] =	vst v11  }
0x1ac: {  	v5 =	vshra.s32 v5, $0x2;
	v10 =	vld [tilespmem:s1+$0x10];
	[tilespmem:s22+$0x3A0] =	vst v7  }
0x1ad: {  	(v2sf) =	vpush v5, $0x0;
	[tilespmem:s23+$0xFFFFFD00] =	vst v8;
	v7 =	vld [tilespmem:s2+$0x30]  }
0x1ae: {  	v8 =	vld [tilespmem:s4+$0x10];
	[tilespmem:s20+$0xFFFFFFA0] =	vst v12  }
0x1af: {  	v11 =	vld [tilespmem:s6+$0x30];
	[tilespmem:s18+$0x240] =	vst v9;
	s5 =	spop (v2sf)  }
0x1b0: {  	[tilespmem:s21+$0xFFFFFE40] =	vst v6;
	s3 =	spop (v2sf);
	v6 =	vld [tilespmem:s5+$0x0]  }
0x1b1: {  	v9 =	vld [tilespmem:s3+$0x0];
	[tilespmem:s19+$0x110] =	vst v10  }
0x1b2: {  	v10 =	vld [tilespmem:s1+$0x20];
	[tilespmem:s22+$0x3B0] =	vst v7  }
0x1b3: {  	s28 =	sadd.s32 $0x20, s28;
	[tilespmem:s23+$0xFFFFFD10] =	vst v8;
	v7 =	vld [tilespmem:s2+$0x40]  }
0x1b4: {  	s2 =	sand.u32 $0x1F00, s28;
	v8 =	vld [tilespmem:s4+$0x20];
	[tilespmem:s20+$0xFFFFFFB0] =	vst v11  }
0x1b5: {  	s7 =	sand.u32 $0x70, s0;
	s2 =	sadd.s32 s2, s26;
	v11 =	vld [tilespmem:s6+$0x40];
	(v2sf) =	vpush v0, $0xB;
	[tilespmem:s18+$0x280] =	vst v6  }
0x1b6: {  	s2 =	sadd.s32 s7, s2;
	(v2sf) =	vpush v4, $0x3;
	[tilespmem:s21+$0xFFFFFE80] =	vst v9;
	v9 =	vld [tilespmem:s5+$0x10]  }
0x1b7: {  	v6 =	vld [tilespmem:s2+$0x0];
	[tilespmem:s19+$0x120] =	vst v10  }
0x1b8: {  	v10 =	vld [tilespmem:s3+$0x10];
	[tilespmem:s22+$0x3C0] =	vst v7;
	s22 =	smov.u32 s18;
	s18 =	smov.u32 s19;
	s19 =	smov.u32 s20  }
0x1b9: {  	s20 =	smov.u32 s21;
	s21 =	smov.u32 s23;
	[tilespmem:s23+$0xFFFFFD20] =	vst v8;
	v7 =	vld [tilespmem:s1+$0x30]  }
0x1ba: {  	v8 =	vld [tilespmem:s4+$0x30];
	[tilespmem:s19+$0xFFFFFFC0] =	vst v11;
	s7 =	spop (v2sf)  }
0x1bb: {  	v11 =	vld [tilespmem:s7+$0x0];
	[tilespmem:s22+$0x290] =	vst v9  }
0x1bc: {  	s6 =	spop (v2sf);
	v9 =	vld [tilespmem:s5+$0x20]  }
0x1bd: {  	v12 =	vld [tilespmem:s6+$0x0];
	[tilespmem:s20+$0xFFFFFE90] =	vst v10  }
0x1be: {  	v10 =	vld [tilespmem:s3+$0x20];
	[tilespmem:s18+$0x130] =	vst v7;
	(v2sf) =	vpush v2, $0xE  }
0x1bf: {  	[tilespmem:s23+$0xFFFFFD30] =	vst v8;
	v7 =	vld [tilespmem:s1+$0x40]  }
0x1c0: {  	v8 =	vld [tilespmem:s4+$0x40];
	(v2sf) =	vpush v3, $0x6;
	[tilespmem:s19+$0x0] =	vst v11  }
0x1c1: {  	s23 =	sadd.s32 $0x800, s23;
	v11 =	vld [tilespmem:s7+$0x10];
	[tilespmem:s22+$0x2A0] =	vst v9  }
0x1c2: {  	[tilespmem:s23+$0xFFFFFC00] =	vst v12;
	v9 =	vld [tilespmem:s5+$0x30]  }
0x1c3: {  	v12 =	vld [tilespmem:s6+$0x10];
	[tilespmem:s20+$0xFFFFFEA0] =	vst v10  }
0x1c4: {  	v10 =	vld [tilespmem:s3+$0x30];
	[tilespmem:s18+$0x140] =	vst v7;
	s4 =	spop (v2sf)  }
0x1c5: {  	[tilespmem:s21+$0xFFFFFD40] =	vst v8;
	s2 =	spop (v2sf);
	v7 =	vld [tilespmem:s4+$0x0]  }
0x1c6: {  	v8 =	vld [tilespmem:s2+$0x0];
	[tilespmem:s19+$0x10] =	vst v11  }
0x1c7: {  	v11 =	vld [tilespmem:s7+$0x20];
	[tilespmem:s22+$0x2B0] =	vst v9  }
0x1c8: {  	[tilespmem:s23+$0xFFFFFC10] =	vst v12;
	v9 =	vld [tilespmem:s5+$0x40]  }
0x1c9: {  	v12 =	vld [tilespmem:s6+$0x20];
	[tilespmem:s20+$0xFFFFFEB0] =	vst v10;
	(v2sf) =	vpush v1, $0x9  }
0x1ca: {  	v10 =	vld [tilespmem:s3+$0x40];
	[tilespmem:s18+$0x180] =	vst v7  }
0x1cb: {  	(v2sf) =	vpush v5, $0x1;
	[tilespmem:s21+$0xFFFFFD80] =	vst v8;
	v7 =	vld [tilespmem:s4+$0x10]  }
0x1cc: {  	v8 =	vld [tilespmem:s2+$0x10];
	[tilespmem:s19+$0x20] =	vst v11  }
0x1cd: {  	v11 =	vld [tilespmem:s7+$0x30];
	[tilespmem:s22+$0x2C0] =	vst v9;
	s3 =	spop (v2sf)  }
0x1ce: {  	[tilespmem:s23+$0xFFFFFC20] =	vst v12;
	v9 =	vld [tilespmem:s3+$0x0]  }
0x1cf: {  	v12 =	vld [tilespmem:s6+$0x30];
	[tilespmem:s20+$0xFFFFFEC0] =	vst v10;
	s5 =	spop (v2sf)  }
0x1d0: {  	v10 =	vld [tilespmem:s5+$0x0];
	[tilespmem:s18+$0x190] =	vst v7  }
0x1d1: {  	[tilespmem:s21+$0xFFFFFD90] =	vst v8;
	v7 =	vld [tilespmem:s4+$0x20]  }
0x1d2: {  	v8 =	vld [tilespmem:s2+$0x20];
	[tilespmem:s19+$0x30] =	vst v11  }
0x1d3: {  	v11 =	vld [tilespmem:s7+$0x40];
	(v2sf) =	vpush v0, $0xC;
	[tilespmem:s22+$0x300] =	vst v9  }
0x1d4: {  	[tilespmem:s23+$0xFFFFFC30] =	vst v12;
	(v2sf) =	vpush v4, $0x4;
	v9 =	vld [tilespmem:s3+$0x10]  }
0x1d5: {  	v12 =	vld [tilespmem:s6+$0x40];
	[tilespmem:s20+$0xFFFFFF00] =	vst v10  }
0x1d6: {  	v10 =	vld [tilespmem:s5+$0x10];
	[tilespmem:s18+$0x1A0] =	vst v7  }
0x1d7: {  	[tilespmem:s21+$0xFFFFFDA0] =	vst v8;
	v7 =	vld [tilespmem:s4+$0x30]  }
0x1d8: {  	v8 =	vld [tilespmem:s2+$0x30];
	[tilespmem:s19+$0x40] =	vst v11;
	s9 =	spop (v2sf)  }
0x1d9: {  	v11 =	vld [tilespmem:s9+$0x0];
	[tilespmem:s22+$0x310] =	vst v9  }
0x1da: {  	[tilespmem:s23+$0xFFFFFC40] =	vst v12;
	s1 =	spop (v2sf);
	v9 =	vld [tilespmem:s3+$0x20]  }
0x1db: {  	v12 =	vld [tilespmem:s1+$0x0];
	[tilespmem:s20+$0xFFFFFF10] =	vst v10  }
0x1dc: {  	v10 =	vld [tilespmem:s5+$0x20];
	[tilespmem:s18+$0x1B0] =	vst v7;
	(v2sf) =	vpush v2, $0xF;
	v2 =	vmovc v0;
	v0 =	vmovc v1;
	v1 =	vmov v3;
	v3 =	vmov v4  }
0x1dd: {  	v4 =	vmov v5;
	[tilespmem:s21+$0xFFFFFDB0] =	vst v8;
	v7 =	vld [tilespmem:s4+$0x40]  }
0x1de: {  	v5 =	vld [tilespmem:s2+$0x40];
	(v2sf) =	vpush v1, $0x7;
	[tilespmem:s19+$0x80] =	vst v11  }
0x1df: {  	v8 =	vld [tilespmem:s9+$0x10];
	[tilespmem:s22+$0x320] =	vst v9  }
0x1e0: {  	[tilespmem:s23+$0xFFFFFC80] =	vst v12;
	v9 =	vld [tilespmem:s3+$0x30]  }
0x1e1: {  	v11 =	vld [tilespmem:s1+$0x10];
	[tilespmem:s20+$0xFFFFFF20] =	vst v10  }
0x1e2: {  	v10 =	vld [tilespmem:s5+$0x30];
	[tilespmem:s18+$0x1C0] =	vst v7;
	s7 =	spop (v2sf)  }
0x1e3: {  	[tilespmem:s21+$0xFFFFFDC0] =	vst v5;
	s8 =	spop (v2sf);
	v5 =	vld [tilespmem:s7+$0x0]  }
0x1e4: {  	v7 =	vld [tilespmem:s8+$0x0];
	[tilespmem:s19+$0x90] =	vst v8  }
0x1e5: {  	v8 =	vld [tilespmem:s9+$0x20];
	[tilespmem:s22+$0x330] =	vst v9  }
0x1e6: {  	[tilespmem:s23+$0xFFFFFC90] =	vst v11;
	v9 =	vld [tilespmem:s3+$0x40]  }
0x1e7: {  	v11 =	vld [tilespmem:s1+$0x20];
	[tilespmem:s20+$0xFFFFFF30] =	vst v10;
	(v2sf) =	vpush v0, $0xA  }
0x1e8: {  	v10 =	vld [tilespmem:s5+$0x40];
	[tilespmem:s18+$0x200] =	vst v5  }
0x1e9: {  	(v2sf) =	vpush v4, $0x2;
	[tilespmem:s21+$0xFFFFFE00] =	vst v7;
	v5 =	vld [tilespmem:s7+$0x10]  }
0x1ea: {  	v7 =	vld [tilespmem:s8+$0x10];
	[tilespmem:s19+$0xA0] =	vst v8  }
0x1eb: {  	v8 =	vld [tilespmem:s9+$0x30];
	[tilespmem:s22+$0x340] =	vst v9;
	s2 =	spop (v2sf)  }
0x1ec: {  	[tilespmem:s23+$0xFFFFFCA0] =	vst v11;
	v9 =	vld [tilespmem:s2+$0x0]  }
0x1ed: {  	v11 =	vld [tilespmem:s1+$0x30];
	[tilespmem:s20+$0xFFFFFF40] =	vst v10;
	s6 =	spop (v2sf)  }
0x1ee: {  	v10 =	vld [tilespmem:s6+$0x0];
	[tilespmem:s18+$0x210] =	vst v5  }
0x1ef: {  	[tilespmem:s21+$0xFFFFFE10] =	vst v7;
	v12 =	vld [tilespmem:s7+$0x20]  }
0x1f0: {  	v13 =	vld [tilespmem:s8+$0x20];
	[tilespmem:s19+$0xB0] =	vst v8  }
0x1f1: {  	v14 =	vld [tilespmem:s9+$0x40];
	(v2sf) =	vpush v2, $0xD;
	[tilespmem:s22+$0x380] =	vst v9  }
.Ltmp0:
0x1f2: {  	[tilespmem:s23+$0xFFFFFCB0] =	vst v11;
	(v2sf) =	vpush v3, $0x5;
	v7 =	vld [tilespmem:s2+$0x10];
	(pc) =	sbr.rel @p1 .LBB2_3-.Ltmp0, $4  }
0x1f3: {  	v8 =	vld [tilespmem:s1+$0x40];
	[tilespmem:s20+$0xFFFFFF80] =	vst v10  }
0x1f4: {  	v5 =	vld [tilespmem:s6+$0x10];
	[tilespmem:s18+$0x220] =	vst v12  }
0x1f5: {  	[tilespmem:s21+$0xFFFFFE20] =	vst v13;
	v9 =	vld [tilespmem:s7+$0x30]  }
0x1f6: {  	s0 =	sadd.s32 $0x10, s0;
	v10 =	vld [tilespmem:s8+$0x30];
	[tilespmem:s19+$0xC0] =	vst v14;
	s1 =	spop (v2sf)  }
0x1f7: {  	v11 =	vld [tilespmem:s1+$0x0];
	[tilespmem:s22+$0x390] =	vst v7  }
0x1f8: {  	v60 =	vshll.u32 v6, $0x9;
	[tilespmem:s23+$0xFFFFFCC0] =	vst v8;
	s3 =	spop (v2sf);
	v59 =	vld [tilespmem:s2+$0x20]  }
0x1f9: {  	(v2sf) =	vpush v1, $0x8;
	v58 =	vld [tilespmem:s3+$0x0];
	[tilespmem:s20+$0xFFFFFF90] =	vst v5;
	v5 =	vshra.s32 v60, $0x2  }
0x1fa: {  	v61 =	vld [tilespmem:s6+$0x20];
	[tilespmem:s18+$0x230] =	vst v9;
	(v2sf) =	vpush v5, $0x0  }
0x1fb: {  	[tilespmem:s21+$0xFFFFFE30] =	vst v10;
	v9 =	vld [tilespmem:s7+$0x40]  }
0x1fc: {  	v10 =	vld [tilespmem:s8+$0x40];
	[tilespmem:s19+$0x100] =	vst v11  }
0x1fd: {  	v11 =	vld [tilespmem:s1+$0x10];
	[tilespmem:s22+$0x3A0] =	vst v59  }
0x1fe: {  	[tilespmem:s23+$0xFFFFFD00] =	vst v58;
	v8 =	vld [tilespmem:s2+$0x30]  }
0x1ff: {  	v7 =	vld [tilespmem:s3+$0x10];
	[tilespmem:s20+$0xFFFFFFA0] =	vst v61  }
0x200: {  	v6 =	vld [tilespmem:s6+$0x30];
	[tilespmem:s18+$0x240] =	vst v9;
	s4 =	spop (v2sf)  }
0x201: {  	[tilespmem:s21+$0xFFFFFE40] =	vst v10;
	s5 =	spop (v2sf);
	v9 =	vld [tilespmem:s4+$0x0]  }
0x202: {  	v10 =	vld [tilespmem:s5+$0x0];
	[tilespmem:s19+$0x110] =	vst v11  }
0x203: {  	v11 =	vld [tilespmem:s1+$0x20];
	[tilespmem:s22+$0x3B0] =	vst v8  }
0x204: {  	[tilespmem:s23+$0xFFFFFD10] =	vst v7;
	v63 =	vld [tilespmem:s2+$0x40]  }
0x205: {  	(v2sf) =	vpush v0, $0xB;
	v62 =	vld [tilespmem:s3+$0x20];
	[tilespmem:s20+$0xFFFFFFB0] =	vst v6  }
0x206: {  	v6 =	vld [tilespmem:s6+$0x40];
	[tilespmem:s18+$0x280] =	vst v9  }
0x207: {  	(v2sf) =	vpush v4, $0x3;
	[tilespmem:s21+$0xFFFFFE80] =	vst v10;
	v9 =	vld [tilespmem:s4+$0x10]  }
0x208: {  	s0 =	spop (v2sf);
	[tilespmem:s19+$0x120] =	vst v11;
	v10 =	vld [tilespmem:s5+$0x10]  }
0x209: {  	v15 =	vld [tilespmem:s1+$0x30];
	s9 =	spop (v2sf);
	[tilespmem:s22+$0x3C0] =	vst v63  }
0x20a: {  	[tilespmem:s23+$0xFFFFFD20] =	vst v62;
	v17 =	vld [tilespmem:s9+$0x0]  }
0x20b: {  	v16 =	vld [tilespmem:s3+$0x30];
	[tilespmem:s20+$0xFFFFFFC0] =	vst v6  }
0x20c: {  	[tilespmem:s18+$0x290] =	vst v9;
	v18 =	vld [tilespmem:s0+$0x0]  }
0x20d: {  	[tilespmem:s21+$0xFFFFFE90] =	vst v10;
	v19 =	vld [tilespmem:s4+$0x20]  }
0x20e: {  	s26 =	sadd.s32 $0x800, s23;
	[tilespmem:s19+$0x130] =	vst v15;
	v20 =	vld [tilespmem:s5+$0x20]  }
0x20f: {  	(v2sf) =	vpush v2, $0xE;
	v21 =	vld [tilespmem:s1+$0x40];
	[tilespmem:s26+$0xFFFFFC00] =	vst v17  }
0x210: {  	(v2sf) =	vpush v3, $0x6;
	[tilespmem:s23+$0xFFFFFD30] =	vst v16;
	v23 =	vld [tilespmem:s9+$0x10]  }
0x211: {  	v22 =	vld [tilespmem:s3+$0x40];
	[tilespmem:s20+$0x0] =	vst v18  }
0x212: {  	[tilespmem:s18+$0x2A0] =	vst v19;
	v24 =	vld [tilespmem:s0+$0x10]  }
0x213: {  	[tilespmem:s21+$0xFFFFFEA0] =	vst v20;
	v25 =	vld [tilespmem:s4+$0x30]  }
0x214: {  	s10 =	spop (v2sf);
	[tilespmem:s19+$0x140] =	vst v21;
	v26 =	vld [tilespmem:s5+$0x30]  }
0x215: {  	v27 =	vld [tilespmem:s10+$0x0];
	[tilespmem:s26+$0xFFFFFC10] =	vst v23  }
0x216: {  	s11 =	spop (v2sf);
	[tilespmem:s23+$0xFFFFFD40] =	vst v22;
	v29 =	vld [tilespmem:s9+$0x20]  }
0x217: {  	(v2sf) =	vpush v1, $0x9;
	v28 =	vld [tilespmem:s11+$0x0];
	[tilespmem:s20+$0x10] =	vst v24  }
0x218: {  	(v2sf) =	vpush v5, $0x1;
	[tilespmem:s18+$0x2B0] =	vst v25;
	v30 =	vld [tilespmem:s0+$0x20]  }
0x219: {  	[tilespmem:s21+$0xFFFFFEB0] =	vst v26;
	v31 =	vld [tilespmem:s4+$0x40]  }
0x21a: {  	[tilespmem:s19+$0x180] =	vst v27;
	v32 =	vld [tilespmem:s5+$0x40]  }
0x21b: {  	v33 =	vld [tilespmem:s10+$0x10];
	[tilespmem:s26+$0xFFFFFC20] =	vst v29  }
0x21c: {  	[tilespmem:s23+$0xFFFFFD80] =	vst v28;
	v35 =	vld [tilespmem:s9+$0x30]  }
0x21d: {  	v34 =	vld [tilespmem:s11+$0x10];
	[tilespmem:s20+$0x20] =	vst v30  }
0x21e: {  	s12 =	spop (v2sf);
	[tilespmem:s18+$0x2C0] =	vst v31;
	v36 =	vld [tilespmem:s0+$0x30]  }
0x21f: {  	s13 =	spop (v2sf);
	[tilespmem:s21+$0xFFFFFEC0] =	vst v32;
	v37 =	vld [tilespmem:s12+$0x0]  }
0x220: {  	[tilespmem:s19+$0x190] =	vst v33;
	v38 =	vld [tilespmem:s13+$0x0]  }
0x221: {  	v39 =	vld [tilespmem:s10+$0x20];
	[tilespmem:s26+$0xFFFFFC30] =	vst v35  }
0x222: {  	[tilespmem:s23+$0xFFFFFD90] =	vst v34;
	v41 =	vld [tilespmem:s9+$0x40]  }
0x223: {  	(v2sf) =	vpush v0, $0xC;
	v40 =	vld [tilespmem:s11+$0x20];
	[tilespmem:s20+$0x30] =	vst v36  }
0x224: {  	[tilespmem:s18+$0x300] =	vst v37;
	v42 =	vld [tilespmem:s0+$0x40]  }
0x225: {  	(v2sf) =	vpush v4, $0x4;
	[tilespmem:s21+$0xFFFFFF00] =	vst v38;
	v43 =	vld [tilespmem:s12+$0x10]  }
0x226: {  	s14 =	spop (v2sf);
	[tilespmem:s19+$0x1A0] =	vst v39;
	v44 =	vld [tilespmem:s13+$0x10]  }
0x227: {  	s29 =	spop (v2sf);
	v45 =	vld [tilespmem:s10+$0x30];
	[tilespmem:s26+$0xFFFFFC40] =	vst v41  }
0x228: {  	[tilespmem:s23+$0xFFFFFDA0] =	vst v40;
	v47 =	vld [tilespmem:s29+$0x0]  }
0x229: {  	v46 =	vld [tilespmem:s11+$0x30];
	[tilespmem:s20+$0x40] =	vst v42  }
0x22a: {  	[tilespmem:s18+$0x310] =	vst v43;
	v48 =	vld [tilespmem:s14+$0x0]  }
0x22b: {  	[tilespmem:s21+$0xFFFFFF10] =	vst v44;
	v49 =	vld [tilespmem:s12+$0x20]  }
0x22c: {  	[tilespmem:s19+$0x1B0] =	vst v45;
	v50 =	vld [tilespmem:s13+$0x20]  }
0x22d: {  	(v2sf) =	vpush v2, $0xF;
	v51 =	vld [tilespmem:s10+$0x40];
	[tilespmem:s26+$0xFFFFFC80] =	vst v47  }
0x22e: {  	(v2sf) =	vpush v3, $0x7;
	[tilespmem:s23+$0xFFFFFDB0] =	vst v46;
	v6 =	vld [tilespmem:s29+$0x10]  }
0x22f: {  	v11 =	vld [tilespmem:s11+$0x40];
	[tilespmem:s20+$0x80] =	vst v48  }
0x230: {  	v9 =	vld [tilespmem:s14+$0x10];
	[tilespmem:s18+$0x320] =	vst v49  }
0x231: {  	v10 =	vld [tilespmem:s12+$0x30];
	[tilespmem:s21+$0xFFFFFF20] =	vst v50  }
0x232: {  	s30 =	spop (v2sf);
	v8 =	vld [tilespmem:s13+$0x30];
	[tilespmem:s19+$0x1C0] =	vst v51  }
0x233: {  	v2 =	vld [tilespmem:s30+$0x0];
	[tilespmem:s26+$0xFFFFFC90] =	vst v6  }
0x234: {  	s31 =	spop (v2sf);
	[tilespmem:s23+$0xFFFFFDC0] =	vst v11;
	v6 =	vld [tilespmem:s29+$0x20]  }
0x235: {  	(v2sf) =	vpush v1, $0xA;
	v11 =	vld [tilespmem:s31+$0x0];
	[tilespmem:s20+$0x90] =	vst v9  }
0x236: {  	(v2sf) =	vpush v5, $0x2;
	v9 =	vld [tilespmem:s14+$0x20];
	[tilespmem:s18+$0x330] =	vst v10  }
0x237: {  	v10 =	vld [tilespmem:s12+$0x40];
	[tilespmem:s21+$0xFFFFFF30] =	vst v8  }
0x238: {  	v8 =	vld [tilespmem:s13+$0x40];
	[tilespmem:s19+$0x200] =	vst v2  }
0x239: {  	v2 =	vld [tilespmem:s30+$0x10];
	[tilespmem:s26+$0xFFFFFCA0] =	vst v6  }
0x23a: {  	[tilespmem:s23+$0xFFFFFE00] =	vst v11;
	v6 =	vld [tilespmem:s29+$0x30]  }
0x23b: {  	v11 =	vld [tilespmem:s31+$0x10];
	[tilespmem:s20+$0xA0] =	vst v9  }
0x23c: {  	s28 =	spop (v2sf);
	v9 =	vld [tilespmem:s14+$0x30];
	[tilespmem:s18+$0x340] =	vst v10  }
0x23d: {  	s6 =	spop (v2sf);
	v10 =	vld [tilespmem:s28+$0x0];
	[tilespmem:s21+$0xFFFFFF40] =	vst v8  }
0x23e: {  	v8 =	vld [tilespmem:s6+$0x0];
	[tilespmem:s19+$0x210] =	vst v2  }
0x23f: {  	v2 =	vld [tilespmem:s30+$0x20];
	[tilespmem:s26+$0xFFFFFCB0] =	vst v6  }
0x240: {  	[tilespmem:s23+$0xFFFFFE10] =	vst v11;
	v6 =	vld [tilespmem:s29+$0x40]  }
0x241: {  	v11 =	vld [tilespmem:s31+$0x20];
	[tilespmem:s20+$0xB0] =	vst v9  }
0x242: {  	v9 =	vld [tilespmem:s14+$0x40];
	[tilespmem:s18+$0x380] =	vst v10  }
0x243: {  	v10 =	vld [tilespmem:s28+$0x10];
	[tilespmem:s21+$0xFFFFFF80] =	vst v8  }
0x244: {  	s11 =	spop (v2sf);
	v8 =	vld [tilespmem:s6+$0x10];
	[tilespmem:s19+$0x220] =	vst v2  }
0x245: {  	s2 =	spop (v2sf);
	v2 =	vld [tilespmem:s30+$0x30];
	[tilespmem:s26+$0xFFFFFCC0] =	vst v6  }
0x246: {  	[tilespmem:s23+$0xFFFFFE20] =	vst v11;
	v6 =	vld [tilespmem:s2+$0x0]  }
0x247: {  	v11 =	vld [tilespmem:s31+$0x30];
	[tilespmem:s20+$0xC0] =	vst v9  }
0x248: {  	v9 =	vld [tilespmem:s11+$0x0];
	[tilespmem:s18+$0x390] =	vst v10  }
0x249: {  	v10 =	vld [tilespmem:s28+$0x20];
	[tilespmem:s21+$0xFFFFFF90] =	vst v8  }
0x24a: {  	v8 =	vld [tilespmem:s6+$0x20];
	[tilespmem:s19+$0x230] =	vst v2  }
0x24b: {  	v52 =	vld [tilespmem:s30+$0x40];
	[tilespmem:s26+$0xFFFFFD00] =	vst v6  }
0x24c: {  	[tilespmem:s23+$0xFFFFFE30] =	vst v11;
	v53 =	vld [tilespmem:s2+$0x10]  }
0x24d: {  	[tilespmem:s20+$0x100] =	vst v9  }
0x24e: {  	v12 =	vld [tilespmem:s31+$0x40];
	[tilespmem:s18+$0x3A0] =	vst v10  }
0x24f: {  	(v2sf) =	vpush v0, $0xD;
	v54 =	vld [tilespmem:s11+$0x10];
	[tilespmem:s21+$0xFFFFFFA0] =	vst v8  }
0x250: {  	(v2sf) =	vpush v4, $0x5;
	v55 =	vld [tilespmem:s28+$0x30];
	[tilespmem:s19+$0x240] =	vst v52  }
0x251: {  	(v2sf) =	vpush v3, $0x8;
	v56 =	vld [tilespmem:s6+$0x30];
	[tilespmem:s26+$0xFFFFFD10] =	vst v53  }
0x252: {  	v8 =	vld [tilespmem:s2+$0x20]  }
0x253: {  	(v2sf) =	vpush v1, $0xB  }
0x254: {  	(v2sf) =	vpush v5, $0x3;
	_ =	sdelay $0x2  }
0x255: {  	[tilespmem:s26+$0xFFFFFD20] =	vst v8  }
0x256: {  	v8 =	vld [tilespmem:s2+$0x30];
	_ =	sdelay $0x4  }
0x257: {  	[tilespmem:s26+$0xFFFFFD30] =	vst v8  }
0x258: {  	v8 =	vld [tilespmem:s2+$0x40]  }
0x259: {  	s31 =	spop (v2sf)  }
0x25a: {  	s3 =	spop (v2sf)  }
0x25b: {  	s14 =	spop (v2sf)  }
0x25c: {  	s10 =	spop (v2sf)  }
0x25d: {  	s5 =	spop (v2sf);
	[tilespmem:s26+$0xFFFFFD40] =	vst v8  }
0x25e: {  	v8 =	vld [tilespmem:s5+$0x0];
	_ =	sdelay $0x4  }
0x25f: {  	[tilespmem:s26+$0xFFFFFD80] =	vst v8  }
0x260: {  	v8 =	vld [tilespmem:s5+$0x10];
	_ =	sdelay $0x3  }
0x261: {  	(v2sf) =	vpush v0, $0xE  }
0x262: {  	(v2sf) =	vpush v4, $0x6;
	[tilespmem:s26+$0xFFFFFD90] =	vst v8  }
0x263: {  	(v2sf) =	vpush v3, $0x9;
	v8 =	vld [tilespmem:s5+$0x20]  }
0x264: {  	(v2sf) =	vpush v1, $0xC  }
0x265: {  	(v2sf) =	vpush v5, $0x4;
	_ =	sdelay $0x2  }
0x266: {  	[tilespmem:s26+$0xFFFFFDA0] =	vst v8  }
0x267: {  	v8 =	vld [tilespmem:s5+$0x30];
	_ =	sdelay $0x4  }
0x268: {  	[tilespmem:s26+$0xFFFFFDB0] =	vst v8  }
0x269: {  	v8 =	vld [tilespmem:s5+$0x40]  }
0x26a: {  	s29 =	spop (v2sf)  }
0x26b: {  	s7 =	spop (v2sf)  }
0x26c: {  	s9 =	spop (v2sf)  }
0x26d: {  	s1 =	spop (v2sf)  }
0x26e: {  	s12 =	spop (v2sf);
	[tilespmem:s26+$0xFFFFFDC0] =	vst v8  }
0x26f: {  	v8 =	vld [tilespmem:s12+$0x0];
	_ =	sdelay $0x4  }
0x270: {  	[tilespmem:s26+$0xFFFFFE00] =	vst v8  }
0x271: {  	v8 =	vld [tilespmem:s12+$0x10];
	_ =	sdelay $0x3  }
0x272: {  	(v2sf) =	vpush v0, $0xF  }
0x273: {  	(v2sf) =	vpush v4, $0x7;
	[tilespmem:s26+$0xFFFFFE10] =	vst v8  }
0x274: {  	(v2sf) =	vpush v3, $0xA;
	v57 =	vld [tilespmem:s12+$0x20]  }
0x275: {  	(v2sf) =	vpush v1, $0xD  }
0x276: {  	(v2sf) =	vpush v5, $0x5;
	_ =	sdelay $0x2  }
0x277: {  	[tilespmem:s26+$0xFFFFFE20] =	vst v57  }
0x278: {  	v0 =	vld [tilespmem:s12+$0x30];
	_ =	sdelay $0x4  }
0x279: {  	[tilespmem:s26+$0xFFFFFE30] =	vst v0  }
0x27a: {  	v0 =	vld [tilespmem:s12+$0x40]  }
0x27b: {  	s22 =	spop (v2sf)  }
0x27c: {  	[tilespmem:s23+$0xFFFFFE40] =	vst v12;
	s4 =	spop (v2sf)  }
0x27d: {  	v58 =	vld [tilespmem:s3+$0x0];
	s8 =	spop (v2sf)  }
0x27e: {  	s2 =	spop (v2sf)  }
0x27f: {  	s13 =	spop (v2sf);
	[tilespmem:s26+$0xFFFFFE40] =	vst v0  }
0x280: {  	v0 =	vld [tilespmem:s13+$0x0];
	_ =	sdelay $0x1  }
0x281: {  	[tilespmem:s23+$0xFFFFFE80] =	vst v58  }
0x282: {  	v8 =	vld [tilespmem:s3+$0x10];
	_ =	sdelay $0x1  }
0x283: {  	[tilespmem:s26+$0xFFFFFE80] =	vst v0  }
0x284: {  	v0 =	vld [tilespmem:s13+$0x10];
	_ =	sdelay $0x1  }
0x285: {  	[tilespmem:s23+$0xFFFFFE90] =	vst v8  }
0x286: {  	v8 =	vld [tilespmem:s3+$0x20];
	_ =	sdelay $0x1  }
0x287: {  	(v2sf) =	vpush v4, $0x8;
	[tilespmem:s26+$0xFFFFFE90] =	vst v0  }
0x288: {  	(v2sf) =	vpush v3, $0xB;
	v0 =	vld [tilespmem:s13+$0x20]  }
0x289: {  	(v2sf) =	vpush v1, $0xE  }
0x28a: {  	(v2sf) =	vpush v5, $0x6;
	[tilespmem:s23+$0xFFFFFEA0] =	vst v8  }
0x28b: {  	v8 =	vld [tilespmem:s3+$0x30];
	_ =	sdelay $0x1  }
0x28c: {  	[tilespmem:s26+$0xFFFFFEA0] =	vst v0  }
0x28d: {  	v0 =	vld [tilespmem:s13+$0x30];
	_ =	sdelay $0x1  }
0x28e: {  	[tilespmem:s23+$0xFFFFFEB0] =	vst v8  }
0x28f: {  	v8 =	vld [tilespmem:s3+$0x40];
	_ =	sdelay $0x1  }
0x290: {  	[tilespmem:s26+$0xFFFFFEB0] =	vst v0  }
0x291: {  	v0 =	vld [tilespmem:s13+$0x40];
	_ =	sdelay $0x1  }
0x292: {  	s3 =	spop (v2sf);
	[tilespmem:s23+$0xFFFFFEC0] =	vst v8  }
0x293: {  	v8 =	vld [tilespmem:s7+$0x0];
	s13 =	spop (v2sf)  }
0x294: {  	s0 =	spop (v2sf)  }
0x295: {  	s30 =	spop (v2sf);
	[tilespmem:s26+$0xFFFFFEC0] =	vst v0  }
0x296: {  	v0 =	vld [tilespmem:s30+$0x0];
	_ =	sdelay $0x1  }
0x297: {  	[tilespmem:s23+$0xFFFFFF00] =	vst v8  }
0x298: {  	v8 =	vld [tilespmem:s7+$0x10];
	_ =	sdelay $0x1  }
0x299: {  	[tilespmem:s26+$0xFFFFFF00] =	vst v0  }
0x29a: {  	v0 =	vld [tilespmem:s30+$0x10];
	_ =	sdelay $0x1  }
0x29b: {  	[tilespmem:s23+$0xFFFFFF10] =	vst v8  }
0x29c: {  	v8 =	vld [tilespmem:s7+$0x20];
	_ =	sdelay $0x1  }
0x29d: {  	(v2sf) =	vpush v4, $0x9;
	[tilespmem:s26+$0xFFFFFF10] =	vst v0  }
0x29e: {  	(v2sf) =	vpush v3, $0xC;
	v0 =	vld [tilespmem:s30+$0x20]  }
0x29f: {  	(v2sf) =	vpush v1, $0xF  }
0x2a0: {  	[tilespmem:s23+$0xFFFFFF20] =	vst v8;
	(v2sf) =	vpush v5, $0x7  }
0x2a1: {  	v59 =	vld [tilespmem:s7+$0x30];
	_ =	sdelay $0x1  }
0x2a2: {  	[tilespmem:s26+$0xFFFFFF20] =	vst v0  }
0x2a3: {  	v0 =	vld [tilespmem:s30+$0x30];
	_ =	sdelay $0x1  }
0x2a4: {  	[tilespmem:s23+$0xFFFFFF30] =	vst v59  }
0x2a5: {  	v1 =	vld [tilespmem:s7+$0x40];
	_ =	sdelay $0x1  }
0x2a6: {  	[tilespmem:s26+$0xFFFFFF30] =	vst v0  }
0x2a7: {  	v0 =	vld [tilespmem:s30+$0x40];
	_ =	sdelay $0x1  }
0x2a8: {  	s5 =	spop (v2sf);
	[tilespmem:s23+$0xFFFFFF40] =	vst v1  }
0x2a9: {  	v1 =	vld [tilespmem:s4+$0x0];
	s12 =	spop (v2sf)  }
0x2aa: {  	s30 =	spop (v2sf)  }
0x2ab: {  	s7 =	spop (v2sf);
	[tilespmem:s26+$0xFFFFFF40] =	vst v0  }
0x2ac: {  	v0 =	vld [tilespmem:s7+$0x0];
	_ =	sdelay $0x1  }
0x2ad: {  	[tilespmem:s23+$0xFFFFFF80] =	vst v1  }
0x2ae: {  	v1 =	vld [tilespmem:s4+$0x10];
	_ =	sdelay $0x1  }
0x2af: {  	[tilespmem:s26+$0xFFFFFF80] =	vst v0  }
0x2b0: {  	v0 =	vld [tilespmem:s7+$0x10];
	_ =	sdelay $0x1  }
0x2b1: {  	[tilespmem:s23+$0xFFFFFF90] =	vst v1  }
0x2b2: {  	v1 =	vld [tilespmem:s4+$0x20];
	_ =	sdelay $0x1  }
0x2b3: {  	[tilespmem:s26+$0xFFFFFF90] =	vst v0  }
0x2b4: {  	(v2sf) =	vpush v4, $0xA;
	v0 =	vld [tilespmem:s7+$0x20]  }
0x2b5: {  	(v2sf) =	vpush v3, $0xD  }
0x2b6: {  	[tilespmem:s23+$0xFFFFFFA0] =	vst v1;
	(v2sf) =	vpush v5, $0x8  }
0x2b7: {  	v1 =	vld [tilespmem:s4+$0x30];
	_ =	sdelay $0x1  }
0x2b8: {  	[tilespmem:s26+$0xFFFFFFA0] =	vst v0  }
0x2b9: {  	v0 =	vld [tilespmem:s7+$0x30]  }
0x2ba: {  	[tilespmem:s21+$0xFFFFFFB0] =	vst v56  }
0x2bb: {  	v7 =	vld [tilespmem:s6+$0x40];
	[tilespmem:s23+$0xFFFFFFB0] =	vst v1  }
0x2bc: {  	v1 =	vld [tilespmem:s4+$0x40];
	_ =	sdelay $0x1  }
0x2bd: {  	[tilespmem:s26+$0xFFFFFFB0] =	vst v0  }
0x2be: {  	v0 =	vld [tilespmem:s7+$0x40]  }
0x2bf: {  	[tilespmem:s21+$0xFFFFFFC0] =	vst v7  }
0x2c0: {  	v7 =	vld [tilespmem:s14+$0x0];
	[tilespmem:s23+$0xFFFFFFC0] =	vst v1  }
0x2c1: {  	s4 =	spop (v2sf);
	v1 =	vld [tilespmem:s3+$0x0]  }
0x2c2: {  	s7 =	spop (v2sf)  }
0x2c3: {  	s6 =	spop (v2sf);
	[tilespmem:s26+$0xFFFFFFC0] =	vst v0  }
0x2c4: {  	v0 =	vld [tilespmem:s6+$0x0]  }
0x2c5: {  	[tilespmem:s21+$0x0] =	vst v7  }
0x2c6: {  	v7 =	vld [tilespmem:s14+$0x10];
	[tilespmem:s23+$0x0] =	vst v1  }
0x2c7: {  	v1 =	vld [tilespmem:s3+$0x10];
	_ =	sdelay $0x1  }
0x2c8: {  	[tilespmem:s26+$0x0] =	vst v0  }
0x2c9: {  	v0 =	vld [tilespmem:s6+$0x10]  }
0x2ca: {  	[tilespmem:s21+$0x10] =	vst v7  }
0x2cb: {  	v7 =	vld [tilespmem:s14+$0x20];
	[tilespmem:s23+$0x10] =	vst v1  }
0x2cc: {  	v1 =	vld [tilespmem:s3+$0x20];
	_ =	sdelay $0x1  }
0x2cd: {  	[tilespmem:s26+$0x10] =	vst v0  }
0x2ce: {  	(v2sf) =	vpush v4, $0xB;
	v0 =	vld [tilespmem:s6+$0x20]  }
0x2cf: {  	[tilespmem:s21+$0x20] =	vst v7;
	(v2sf) =	vpush v3, $0xE  }
0x2d0: {  	v7 =	vld [tilespmem:s14+$0x30];
	[tilespmem:s23+$0x20] =	vst v1;
	(v2sf) =	vpush v5, $0x9  }
0x2d1: {  	v1 =	vld [tilespmem:s3+$0x30];
	_ =	sdelay $0x1  }
0x2d2: {  	[tilespmem:s26+$0x20] =	vst v0  }
0x2d3: {  	v0 =	vld [tilespmem:s6+$0x30]  }
0x2d4: {  	[tilespmem:s21+$0x30] =	vst v7  }
0x2d5: {  	v7 =	vld [tilespmem:s14+$0x40];
	[tilespmem:s23+$0x30] =	vst v1  }
0x2d6: {  	v1 =	vld [tilespmem:s3+$0x40];
	_ =	sdelay $0x1  }
0x2d7: {  	[tilespmem:s26+$0x30] =	vst v0  }
0x2d8: {  	v0 =	vld [tilespmem:s6+$0x40]  }
0x2d9: {  	[tilespmem:s21+$0x40] =	vst v7  }
0x2da: {  	v7 =	vld [tilespmem:s9+$0x0];
	[tilespmem:s23+$0x40] =	vst v1  }
0x2db: {  	s3 =	spop (v2sf);
	v1 =	vld [tilespmem:s5+$0x0]  }
0x2dc: {  	s6 =	spop (v2sf)  }
0x2dd: {  	s14 =	spop (v2sf);
	[tilespmem:s26+$0x40] =	vst v0  }
0x2de: {  	v0 =	vld [tilespmem:s14+$0x0]  }
0x2df: {  	[tilespmem:s21+$0x80] =	vst v7  }
0x2e0: {  	v7 =	vld [tilespmem:s9+$0x10];
	[tilespmem:s23+$0x80] =	vst v1  }
0x2e1: {  	v1 =	vld [tilespmem:s5+$0x10];
	_ =	sdelay $0x1  }
0x2e2: {  	[tilespmem:s26+$0x80] =	vst v0  }
0x2e3: {  	v0 =	vld [tilespmem:s14+$0x10]  }
0x2e4: {  	[tilespmem:s21+$0x90] =	vst v7  }
0x2e5: {  	v7 =	vld [tilespmem:s9+$0x20];
	[tilespmem:s23+$0x90] =	vst v1  }
0x2e6: {  	v1 =	vld [tilespmem:s5+$0x20];
	_ =	sdelay $0x1  }
0x2e7: {  	[tilespmem:s26+$0x90] =	vst v0  }
0x2e8: {  	(v2sf) =	vpush v4, $0xC;
	v0 =	vld [tilespmem:s14+$0x20]  }
0x2e9: {  	[tilespmem:s21+$0xA0] =	vst v7;
	(v2sf) =	vpush v3, $0xF  }
0x2ea: {  	v60 =	vld [tilespmem:s9+$0x30];
	[tilespmem:s23+$0xA0] =	vst v1;
	(v2sf) =	vpush v5, $0xA  }
0x2eb: {  	v1 =	vld [tilespmem:s5+$0x30];
	_ =	sdelay $0x1  }
0x2ec: {  	[tilespmem:s26+$0xA0] =	vst v0  }
0x2ed: {  	v0 =	vld [tilespmem:s14+$0x30]  }
0x2ee: {  	[tilespmem:s21+$0xB0] =	vst v60  }
0x2ef: {  	v3 =	vld [tilespmem:s9+$0x40];
	[tilespmem:s23+$0xB0] =	vst v1  }
0x2f0: {  	v1 =	vld [tilespmem:s5+$0x40];
	_ =	sdelay $0x1  }
0x2f1: {  	[tilespmem:s26+$0xB0] =	vst v0  }
0x2f2: {  	v0 =	vld [tilespmem:s14+$0x40]  }
0x2f3: {  	[tilespmem:s21+$0xC0] =	vst v3  }
0x2f4: {  	v3 =	vld [tilespmem:s8+$0x0];
	[tilespmem:s23+$0xC0] =	vst v1  }
0x2f5: {  	v1 =	vld [tilespmem:s4+$0x0];
	s14 =	spop (v2sf)  }
0x2f6: {  	s9 =	spop (v2sf)  }
0x2f7: {  	s5 =	spop (v2sf);
	[tilespmem:s26+$0xC0] =	vst v0  }
0x2f8: {  	v0 =	vld [tilespmem:s5+$0x0]  }
0x2f9: {  	[tilespmem:s21+$0x100] =	vst v3  }
0x2fa: {  	v3 =	vld [tilespmem:s8+$0x10];
	[tilespmem:s23+$0x100] =	vst v1  }
0x2fb: {  	v1 =	vld [tilespmem:s4+$0x10];
	_ =	sdelay $0x1  }
0x2fc: {  	[tilespmem:s26+$0x100] =	vst v0  }
0x2fd: {  	[tilespmem:s20+$0x110] =	vst v54;
	v0 =	vld [tilespmem:s5+$0x10]  }
0x2fe: {  	v6 =	vld [tilespmem:s11+$0x20];
	[tilespmem:s21+$0x110] =	vst v3  }
0x2ff: {  	v3 =	vld [tilespmem:s8+$0x20];
	[tilespmem:s23+$0x110] =	vst v1  }
0x300: {  	v1 =	vld [tilespmem:s4+$0x20];
	_ =	sdelay $0x1  }
0x301: {  	[tilespmem:s26+$0x110] =	vst v0  }
0x302: {  	[tilespmem:s20+$0x120] =	vst v6;
	v0 =	vld [tilespmem:s5+$0x20]  }
0x303: {  	v6 =	vld [tilespmem:s11+$0x30];
	[tilespmem:s21+$0x120] =	vst v3;
	(v2sf) =	vpush v4, $0xD  }
0x304: {  	v3 =	vld [tilespmem:s8+$0x30];
	[tilespmem:s23+$0x120] =	vst v1;
	(v2sf) =	vpush v5, $0xB  }
0x305: {  	v1 =	vld [tilespmem:s4+$0x30];
	_ =	sdelay $0x1  }
0x306: {  	[tilespmem:s26+$0x120] =	vst v0  }
0x307: {  	[tilespmem:s20+$0x130] =	vst v6;
	v0 =	vld [tilespmem:s5+$0x30]  }
0x308: {  	v6 =	vld [tilespmem:s11+$0x40];
	[tilespmem:s21+$0x130] =	vst v3  }
0x309: {  	v3 =	vld [tilespmem:s8+$0x40];
	[tilespmem:s23+$0x130] =	vst v1  }
0x30a: {  	v1 =	vld [tilespmem:s4+$0x40];
	_ =	sdelay $0x1  }
0x30b: {  	[tilespmem:s26+$0x130] =	vst v0  }
0x30c: {  	[tilespmem:s20+$0x140] =	vst v6;
	v0 =	vld [tilespmem:s5+$0x40]  }
0x30d: {  	v6 =	vld [tilespmem:s10+$0x0];
	[tilespmem:s21+$0x140] =	vst v3  }
0x30e: {  	v3 =	vld [tilespmem:s13+$0x0];
	[tilespmem:s23+$0x140] =	vst v1  }
0x30f: {  	v1 =	vld [tilespmem:s3+$0x0]  }
0x310: {  	s11 =	spop (v2sf)  }
0x311: {  	s8 =	spop (v2sf);
	[tilespmem:s26+$0x140] =	vst v0  }
0x312: {  	[tilespmem:s20+$0x180] =	vst v6;
	v0 =	vld [tilespmem:s8+$0x0]  }
0x313: {  	v6 =	vld [tilespmem:s10+$0x10];
	[tilespmem:s21+$0x180] =	vst v3  }
0x314: {  	v3 =	vld [tilespmem:s13+$0x10];
	[tilespmem:s23+$0x180] =	vst v1  }
0x315: {  	v1 =	vld [tilespmem:s3+$0x10];
	_ =	sdelay $0x1  }
0x316: {  	[tilespmem:s26+$0x180] =	vst v0  }
0x317: {  	[tilespmem:s20+$0x190] =	vst v6;
	v0 =	vld [tilespmem:s8+$0x10]  }
0x318: {  	v6 =	vld [tilespmem:s10+$0x20];
	[tilespmem:s21+$0x190] =	vst v3  }
0x319: {  	v3 =	vld [tilespmem:s13+$0x20];
	[tilespmem:s23+$0x190] =	vst v1  }
0x31a: {  	v1 =	vld [tilespmem:s3+$0x20];
	_ =	sdelay $0x1  }
0x31b: {  	[tilespmem:s26+$0x190] =	vst v0  }
0x31c: {  	[tilespmem:s20+$0x1A0] =	vst v6;
	v0 =	vld [tilespmem:s8+$0x20]  }
0x31d: {  	v6 =	vld [tilespmem:s10+$0x30];
	(v2sf) =	vpush v4, $0xE;
	[tilespmem:s21+$0x1A0] =	vst v3  }
0x31e: {  	(v2sf) =	vpush v5, $0xC;
	v3 =	vld [tilespmem:s13+$0x30];
	[tilespmem:s23+$0x1A0] =	vst v1  }
0x31f: {  	v1 =	vld [tilespmem:s3+$0x30];
	_ =	sdelay $0x1  }
0x320: {  	[tilespmem:s26+$0x1A0] =	vst v0  }
0x321: {  	[tilespmem:s20+$0x1B0] =	vst v6;
	v0 =	vld [tilespmem:s8+$0x30]  }
0x322: {  	v6 =	vld [tilespmem:s10+$0x40];
	[tilespmem:s21+$0x1B0] =	vst v3  }
0x323: {  	v3 =	vld [tilespmem:s13+$0x40];
	[tilespmem:s23+$0x1B0] =	vst v1  }
0x324: {  	v1 =	vld [tilespmem:s3+$0x40];
	_ =	sdelay $0x1  }
0x325: {  	[tilespmem:s26+$0x1B0] =	vst v0  }
0x326: {  	[tilespmem:s20+$0x1C0] =	vst v6;
	v0 =	vld [tilespmem:s8+$0x40]  }
0x327: {  	v6 =	vld [tilespmem:s1+$0x0];
	[tilespmem:s21+$0x1C0] =	vst v3  }
0x328: {  	v3 =	vld [tilespmem:s12+$0x0];
	[tilespmem:s23+$0x1C0] =	vst v1  }
0x329: {  	v1 =	vld [tilespmem:s14+$0x0]  }
0x32a: {  	s4 =	spop (v2sf)  }
0x32b: {  	s5 =	spop (v2sf);
	[tilespmem:s26+$0x1C0] =	vst v0  }
0x32c: {  	[tilespmem:s20+$0x200] =	vst v6;
	v0 =	vld [tilespmem:s5+$0x0]  }
0x32d: {  	v6 =	vld [tilespmem:s1+$0x10];
	[tilespmem:s21+$0x200] =	vst v3  }
0x32e: {  	v3 =	vld [tilespmem:s12+$0x10];
	[tilespmem:s23+$0x200] =	vst v1  }
0x32f: {  	v1 =	vld [tilespmem:s14+$0x10];
	_ =	sdelay $0x1  }
0x330: {  	[tilespmem:s26+$0x200] =	vst v0  }
0x331: {  	[tilespmem:s20+$0x210] =	vst v6;
	v0 =	vld [tilespmem:s5+$0x10]  }
0x332: {  	v6 =	vld [tilespmem:s1+$0x20];
	[tilespmem:s21+$0x210] =	vst v3  }
0x333: {  	v3 =	vld [tilespmem:s12+$0x20];
	[tilespmem:s23+$0x210] =	vst v1  }
0x334: {  	v1 =	vld [tilespmem:s14+$0x20];
	_ =	sdelay $0x1  }
0x335: {  	[tilespmem:s26+$0x210] =	vst v0  }
0x336: {  	[tilespmem:s20+$0x220] =	vst v6;
	v0 =	vld [tilespmem:s5+$0x20]  }
0x337: {  	v61 =	vld [tilespmem:s1+$0x30];
	(v2sf) =	vpush v4, $0xF;
	[tilespmem:s21+$0x220] =	vst v3  }
0x338: {  	(v2sf) =	vpush v5, $0xD;
	v3 =	vld [tilespmem:s12+$0x30];
	[tilespmem:s23+$0x220] =	vst v1  }
0x339: {  	v1 =	vld [tilespmem:s14+$0x30];
	_ =	sdelay $0x1  }
0x33a: {  	[tilespmem:s26+$0x220] =	vst v0  }
0x33b: {  	[tilespmem:s20+$0x230] =	vst v61;
	v0 =	vld [tilespmem:s5+$0x30]  }
0x33c: {  	v4 =	vld [tilespmem:s1+$0x40];
	[tilespmem:s21+$0x230] =	vst v3  }
0x33d: {  	v3 =	vld [tilespmem:s12+$0x40];
	[tilespmem:s23+$0x230] =	vst v1  }
0x33e: {  	v1 =	vld [tilespmem:s14+$0x40];
	_ =	sdelay $0x1  }
0x33f: {  	v62 =	vld [tilespmem:s31+$0x0];
	[tilespmem:s26+$0x230] =	vst v0  }
0x340: {  	[tilespmem:s20+$0x240] =	vst v4;
	v0 =	vld [tilespmem:s5+$0x40]  }
0x341: {  	v4 =	vld [tilespmem:s2+$0x0];
	[tilespmem:s21+$0x240] =	vst v3  }
0x342: {  	v3 =	vld [tilespmem:s7+$0x0];
	[tilespmem:s23+$0x240] =	vst v1  }
0x343: {  	v1 =	vld [tilespmem:s11+$0x0]  }
0x344: {  	[tilespmem:s19+$0x280] =	vst v62;
	s10 =	spop (v2sf)  }
0x345: {  	v6 =	vld [tilespmem:s31+$0x10];
	s12 =	spop (v2sf);
	[tilespmem:s26+$0x240] =	vst v0  }
0x346: {  	[tilespmem:s20+$0x280] =	vst v4;
	v0 =	vld [tilespmem:s12+$0x0]  }
0x347: {  	v4 =	vld [tilespmem:s2+$0x10];
	[tilespmem:s21+$0x280] =	vst v3  }
0x348: {  	v3 =	vld [tilespmem:s7+$0x10];
	[tilespmem:s23+$0x280] =	vst v1  }
0x349: {  	v1 =	vld [tilespmem:s11+$0x10]  }
0x34a: {  	[tilespmem:s19+$0x290] =	vst v6  }
0x34b: {  	v6 =	vld [tilespmem:s31+$0x20];
	[tilespmem:s26+$0x280] =	vst v0  }
0x34c: {  	[tilespmem:s20+$0x290] =	vst v4;
	v0 =	vld [tilespmem:s12+$0x10]  }
0x34d: {  	v4 =	vld [tilespmem:s2+$0x20];
	[tilespmem:s21+$0x290] =	vst v3  }
0x34e: {  	v3 =	vld [tilespmem:s7+$0x20];
	[tilespmem:s23+$0x290] =	vst v1  }
0x34f: {  	v1 =	vld [tilespmem:s11+$0x20]  }
0x350: {  	[tilespmem:s19+$0x2A0] =	vst v6  }
0x351: {  	v6 =	vld [tilespmem:s31+$0x30];
	[tilespmem:s26+$0x290] =	vst v0  }
0x352: {  	[tilespmem:s20+$0x2A0] =	vst v4;
	v0 =	vld [tilespmem:s12+$0x20]  }
0x353: {  	v4 =	vld [tilespmem:s2+$0x30];
	[tilespmem:s21+$0x2A0] =	vst v3  }
0x354: {  	(v2sf) =	vpush v5, $0xE;
	v3 =	vld [tilespmem:s7+$0x30];
	[tilespmem:s23+$0x2A0] =	vst v1  }
0x355: {  	v1 =	vld [tilespmem:s11+$0x30]  }
0x356: {  	[tilespmem:s19+$0x2B0] =	vst v6  }
0x357: {  	v6 =	vld [tilespmem:s31+$0x40];
	[tilespmem:s26+$0x2A0] =	vst v0  }
0x358: {  	[tilespmem:s20+$0x2B0] =	vst v4;
	v0 =	vld [tilespmem:s12+$0x30]  }
0x359: {  	v4 =	vld [tilespmem:s2+$0x40];
	[tilespmem:s21+$0x2B0] =	vst v3  }
0x35a: {  	v3 =	vld [tilespmem:s7+$0x40];
	[tilespmem:s23+$0x2B0] =	vst v1  }
0x35b: {  	v1 =	vld [tilespmem:s11+$0x40]  }
0x35c: {  	[tilespmem:s19+$0x2C0] =	vst v6  }
0x35d: {  	v6 =	vld [tilespmem:s29+$0x0];
	[tilespmem:s26+$0x2B0] =	vst v0  }
0x35e: {  	[tilespmem:s20+$0x2C0] =	vst v4;
	v0 =	vld [tilespmem:s12+$0x40]  }
0x35f: {  	v4 =	vld [tilespmem:s0+$0x0];
	[tilespmem:s21+$0x2C0] =	vst v3  }
0x360: {  	v3 =	vld [tilespmem:s6+$0x0];
	[tilespmem:s23+$0x2C0] =	vst v1  }
0x361: {  	v1 =	vld [tilespmem:s4+$0x0]  }
0x362: {  	[tilespmem:s19+$0x300] =	vst v6  }
0x363: {  	v6 =	vld [tilespmem:s29+$0x10];
	s13 =	spop (v2sf);
	[tilespmem:s26+$0x2C0] =	vst v0  }
0x364: {  	[tilespmem:s20+$0x300] =	vst v4;
	v0 =	vld [tilespmem:s13+$0x0]  }
0x365: {  	v4 =	vld [tilespmem:s0+$0x10];
	[tilespmem:s21+$0x300] =	vst v3  }
0x366: {  	v3 =	vld [tilespmem:s6+$0x10];
	[tilespmem:s23+$0x300] =	vst v1  }
0x367: {  	v1 =	vld [tilespmem:s4+$0x10]  }
0x368: {  	[tilespmem:s19+$0x310] =	vst v6  }
0x369: {  	v6 =	vld [tilespmem:s29+$0x20];
	[tilespmem:s26+$0x300] =	vst v0  }
0x36a: {  	[tilespmem:s20+$0x310] =	vst v4;
	v0 =	vld [tilespmem:s13+$0x10]  }
0x36b: {  	v4 =	vld [tilespmem:s0+$0x20];
	[tilespmem:s21+$0x310] =	vst v3  }
0x36c: {  	v3 =	vld [tilespmem:s6+$0x20];
	[tilespmem:s23+$0x310] =	vst v1  }
0x36d: {  	v1 =	vld [tilespmem:s4+$0x20]  }
0x36e: {  	[tilespmem:s19+$0x320] =	vst v6  }
0x36f: {  	v6 =	vld [tilespmem:s29+$0x30];
	[tilespmem:s26+$0x310] =	vst v0  }
0x370: {  	[tilespmem:s20+$0x320] =	vst v4;
	v0 =	vld [tilespmem:s13+$0x20]  }
0x371: {  	v4 =	vld [tilespmem:s0+$0x30];
	[tilespmem:s21+$0x320] =	vst v3  }
0x372: {  	(v2sf) =	vpush v5, $0xF;
	v3 =	vld [tilespmem:s6+$0x30];
	[tilespmem:s23+$0x320] =	vst v1  }
0x373: {  	v1 =	vld [tilespmem:s4+$0x30]  }
0x374: {  	[tilespmem:s19+$0x330] =	vst v6  }
0x375: {  	v63 =	vld [tilespmem:s29+$0x40];
	[tilespmem:s26+$0x320] =	vst v0  }
0x376: {  	[tilespmem:s20+$0x330] =	vst v4;
	v0 =	vld [tilespmem:s13+$0x30]  }
0x377: {  	v4 =	vld [tilespmem:s0+$0x40];
	[tilespmem:s21+$0x330] =	vst v3  }
0x378: {  	v3 =	vld [tilespmem:s6+$0x40];
	[tilespmem:s23+$0x330] =	vst v1  }
0x379: {  	v1 =	vld [tilespmem:s4+$0x40]  }
0x37a: {  	[tilespmem:s19+$0x340] =	vst v63  }
0x37b: {  	v5 =	vld [tilespmem:s22+$0x0];
	[tilespmem:s26+$0x330] =	vst v0  }
0x37c: {  	[tilespmem:s20+$0x340] =	vst v4;
	v0 =	vld [tilespmem:s13+$0x40]  }
0x37d: {  	v4 =	vld [tilespmem:s30+$0x0];
	[tilespmem:s21+$0x340] =	vst v3  }
0x37e: {  	v3 =	vld [tilespmem:s9+$0x0];
	[tilespmem:s23+$0x340] =	vst v1  }
0x37f: {  	v1 =	vld [tilespmem:s10+$0x0]  }
0x380: {  	[tilespmem:s19+$0x380] =	vst v5  }
0x381: {  	v5 =	vld [tilespmem:s22+$0x10];
	s14 =	spop (v2sf);
	[tilespmem:s26+$0x340] =	vst v0  }
0x382: {  	[tilespmem:s20+$0x380] =	vst v4;
	v0 =	vld [tilespmem:s14+$0x0]  }
0x383: {  	v4 =	vld [tilespmem:s30+$0x10];
	[tilespmem:s21+$0x380] =	vst v3  }
0x384: {  	v3 =	vld [tilespmem:s9+$0x10];
	[tilespmem:s23+$0x380] =	vst v1  }
0x385: {  	v1 =	vld [tilespmem:s10+$0x10]  }
0x386: {  	[tilespmem:s19+$0x390] =	vst v5  }
0x387: {  	v5 =	vld [tilespmem:s22+$0x20];
	[tilespmem:s26+$0x380] =	vst v0  }
0x388: {  	[tilespmem:s20+$0x390] =	vst v4;
	v0 =	vld [tilespmem:s14+$0x10]  }
0x389: {  	v4 =	vld [tilespmem:s30+$0x20];
	[tilespmem:s21+$0x390] =	vst v3  }
0x38a: {  	v3 =	vld [tilespmem:s9+$0x20];
	[tilespmem:s23+$0x390] =	vst v1  }
0x38b: {  	v1 =	vld [tilespmem:s10+$0x20]  }
0x38c: {  	[tilespmem:s19+$0x3A0] =	vst v5  }
0x38d: {  	v5 =	vld [tilespmem:s22+$0x30];
	[tilespmem:s26+$0x390] =	vst v0  }
0x38e: {  	[tilespmem:s20+$0x3A0] =	vst v4;
	v0 =	vld [tilespmem:s14+$0x20]  }
0x38f: {  	v4 =	vld [tilespmem:s30+$0x30];
	[tilespmem:s21+$0x3A0] =	vst v3  }
0x390: {  	v3 =	vld [tilespmem:s9+$0x30];
	[tilespmem:s23+$0x3A0] =	vst v1  }
0x391: {  	[tilespmem:s18+$0x3B0] =	vst v55;
	v1 =	vld [tilespmem:s10+$0x30]  }
0x392: {  	v2 =	vld [tilespmem:s28+$0x40];
	[tilespmem:s19+$0x3B0] =	vst v5  }
0x393: {  	v5 =	vld [tilespmem:s22+$0x40];
	[tilespmem:s26+$0x3A0] =	vst v0  }
0x394: {  	[tilespmem:s20+$0x3B0] =	vst v4;
	v0 =	vld [tilespmem:s14+$0x30]  }
0x395: {  	v4 =	vld [tilespmem:s30+$0x40];
	[tilespmem:s21+$0x3B0] =	vst v3  }
0x396: {  	v3 =	vld [tilespmem:s9+$0x40];
	[tilespmem:s23+$0x3B0] =	vst v1  }
0x397: {  	[tilespmem:s18+$0x3C0] =	vst v2;
	v1 =	vld [tilespmem:s10+$0x40]  }
0x398: {  	[tilespmem:s19+$0x3C0] =	vst v5  }
0x399: {  	[tilespmem:s26+$0x3B0] =	vst v0  }
0x39a: {  	s22 =	sshll.u32 s16, $0xC;
	s16 =	sadd.s32 $0x1, s16;
	[tilespmem:s20+$0x3C0] =	vst v4;
	v0 =	vld [tilespmem:s14+$0x40]  }
0x39b: {  	p1 =	sne.s32 s16, $0x20;
	[tilespmem:s21+$0x3C0] =	vst v3  }
.Ltmp1:
0x39c: {  	s15 =	sadd.s32 $0x200, s15;
	s28 =	rddreg [dreg:$0x5];
	[tilespmem:s23+$0x3C0] =	vst v1;
	(pc) =	sbr.rel @p1 .LBB2_2-.Ltmp1, $4  }
0x39d: {  	s0 =	sand.u32 $0xF000, s22;
	s1 =	sadd.s32 s28, s25;
	s29 =	rddreg [dreg:$0x4]  }
0x39e: {  	p0 =	por !p0, !p0;
	s1 =	sshll.u32 s1, $0x10;
	s0 =	sadd.s32 s29, s0  }
0x39f: {  	s31 =	simm.s32 $0x0;
	s30 =	sadd.s32 $0x1, s17;
	s0 =	sadd.s32 s1, s0;
	[tilespmem:s26+$0x3C0] =	vst v0  }
0x3a0: {  	[hbm4b:s0+s31] =	stream.linear.scatter [tilespmem:s24], [sflag:s30], $0x8000, $0x38;
	[tilespmem:$0x12C00] =	vst v63  }
0x3a1: {  	s0 =	simm.s32 $0x1  }
0x3a2: {  	_ =	swait.ge [sflag:s0], $0x8000  }
0x3a3: {  	[sflag:s0] =	ssyncset.done $0x0  }
0x3a4: {  	s1 =	simm.s32 $0x2;
	[sflag:s0] =	ssyncadd.s32 $0xFFFF8000  }
0x3a5: {  	_ =	swait.ge [sflag:s1], $0x8000  }
0x3a6: {  	s2 =	rddreg [dreg:$0x8]  }
0x3a7: {  	s31 =	rddreg [dreg:$0x7];
	s2 =	sadd.s32 $0x1, s2  }
0x3a8: {  	p0 =	sne.s32 s2, s31  }
.Ltmp2:
0x3a9: {  	_ = 	snop;
	(pc) =	sbr.rel @p0 .LBB2_1-.Ltmp2, $3  }
0x3aa: {  	_ =	sdelay $0x1  }
0x3ab: {  	[sflag:s1] =	ssyncset.done $0x0  }
0x3ac: {  	[sflag:s1] =	ssyncadd.s32 $0xFFFF8000  }
0x3ad: {  	_ =	sfence.sel $0x180000  }
0x3ae: {  	[bflag:$0x0] =	sbarrier.arrive $0xFFFF  }
0x3af: {  	_ =	strace $0x90000047  }
0x3b0: {  	s0 =	stileid.u32;
	[bflag:$0x2] =	sbarrier.arrive $0xFFFF  }
0x3b1: {  	p0 =	sne.s32 s0, $0x0;
	s0 =	rddreg [dreg:$0x3]  }
0x3b2: {  	s0 =	sadd.s32 @!p0 $0x100000, s0  }
0x3b3: {  	[sflag:s0] =	ssyncadd.tile.s32 @!p0 $0x1;
	_ =	shalt  }
.Lfunc_end2:
_tile_overlayer_lowered:
.L_overlay_start_2:
0x3b4: {  	(tag) =	ssettag $0x2  }
0x3b5: {  	s0 =	rddreg [dreg:$0x0];
	s2 =	stileid.u32  }
0x3b6: {  	s1 =	rddreg [dreg:$0x1];
	p0 =	sne.s32 s2, $0x0  }
0x3b7: {  	s3 =	rddreg [dreg:$0x2];
	[bflag:$0x3] =	sbarrier.arrive $0xFFFF;
	s2 =	simm.s32 @!p0 $0x1C03  }
0x3b8: {  	[timem:s3], [sflag:s2] =	dma.local @!p0 [hbm:s0], s1  }
0x3b9: {  	s0 =	simm.s32 @!p0 $0x3  }
0x3ba: {  	_ =	swait.ge @!p0 [sflag:s0], s1  }
0x3bb: {  	s1 =	ssub.s32 @!p0 $0x0, s1;
	[sflag:s0] =	ssyncset.done @!p0 $0x0  }
0x3bc: {  	[sflag:s0] =	ssyncadd.s32 @!p0 s1  }
0x3bd: {  	[bflag:$0x3] =	sbarrier.arrive $0xFFFF  }
0x3be: {  	_ =	shalt  }

</sc_bundles>
